<compile_context>
chip_gen: v7x
topology: tpu7x:2x2x1
jax: 0.10.2.dev20260603
libtpu: 0.0.44.dev20260713+nightly
codegen_flags: <defaults>
</compile_context>

<pallas_src>
import functools

import jax
import jax.numpy as jnp
from jax import lax
from jax.experimental import pallas as pl
from jax.experimental.pallas import tpu as pltpu
from jax.experimental.pallas import tpu_sc as plsc

BATCH = 16384
HIDDEN = 1024
NUM_CORES = 2
NUM_SUBCORES = 16
NUM_WORKERS = NUM_CORES * NUM_SUBCORES
B_PER_W = BATCH // NUM_WORKERS
CHUNK = 16
NCHUNKS = B_PER_W // CHUNK
NBUF = 4


def _make_kernel():
    mesh = plsc.VectorSubcoreMesh(
        core_axis_name="c", subcore_axis_name="s")

    @functools.partial(
        pl.kernel,
        out_type=jax.ShapeDtypeStruct((BATCH, HIDDEN), jnp.float32),
        mesh=mesh,
        scratch_types=[
            pltpu.VMEM((B_PER_W,), jnp.int32),
            pltpu.VMEM((NBUF + 1, CHUNK, HIDDEN), jnp.float32),
            pltpu.SemaphoreType.DMA,
            pltpu.SemaphoreType.DMA,
        ],
    )
    def embed(labels_hbm, table_hbm, out_hbm, idx_v, rows_v, gsem, ssem):
        wid = lax.axis_index("s") * NUM_CORES + lax.axis_index("c")
        base = wid * B_PER_W
        pltpu.sync_copy(labels_hbm.at[pl.ds(base, B_PER_W)], idx_v)

        def gather(c, buf):
            return pltpu.async_copy(
                table_hbm.at[idx_v.at[pl.ds(c * CHUNK, CHUNK)]],
                rows_v.at[buf], gsem)

        def scatter(c):
            return pltpu.async_copy(
                rows_v.at[c % NBUF],
                out_hbm.at[pl.ds(base + c * CHUNK, CHUNK)], ssem)

        @pl.when(wid % 4 >= 1)
        def _stagger1():
            gather(0, NBUF).wait()

        @pl.when(wid % 4 >= 2)
        def _stagger2():
            gather(0, NBUF).wait()

        @pl.when(wid % 4 >= 3)
        def _stagger3():
            gather(0, NBUF).wait()

        gathers = [gather(0, 0), gather(1, 1)]
        scatters = []
        for c in range(NCHUNKS):
            gathers[c].wait()
            if c >= NBUF - 2:
                scatters[c - (NBUF - 2)].wait()
            if c + 2 < NCHUNKS:
                gathers.append(gather(c + 2, (c + 2) % NBUF))
            scatters.append(scatter(c))
        for s in scatters[NCHUNKS - (NBUF - 2):]:
            s.wait()

    return embed


_embed = jax.jit(_make_kernel())


def kernel(labels, embedding_table, train):
    return _embed(labels, embedding_table)

# --- scband reference (transcript-rebuilt; emitter-appended) ---
"""Pipeline reference for scband-label-embedder-85555748537164 (READ-ONLY COPY).

The authoritative reference and input builder live on the scoring server;
editing this copy changes nothing except your own understanding.
"""

import jax, jax.numpy as jnp
import numpy as np

NUM_CLASSES = 1000
HIDDEN = 1024
BATCH = 16384
DROPOUT_PROB = 0.1
# use_cfg_embedding = dropout_prob > 0 -> table has num_classes + 1 rows
TABLE_ROWS = NUM_CLASSES + 1


def setup_inputs(seed: int = 0) -> dict:
    key = jax.random.key(seed)
    k1, k2 = jax.random.split(key)
    labels = jax.random.randint(k1, (BATCH,), 0, NUM_CLASSES).astype(jnp.int32)
    # nnx.Embed with normal(stddev=0.02) init
    embedding_table = jax.random.normal(k2, (TABLE_ROWS, HIDDEN), dtype=jnp.float32) * 0.02
    return {"labels": labels, "embedding_table": embedding_table, "train": False}


def reference(labels, embedding_table, train=False):
    # train=False -> no token_drop (eval path, deterministic).
    # If train were True with dropout_prob > 0, labels would be randomly replaced
    # by NUM_CLASSES (the CFG null-class row) with prob dropout_prob; we run the
    # eval path for determinism.
    embeddings = jnp.take(embedding_table, labels, axis=0)
    return embeddings

if __name__ == "__main__":
    import jax
    _d = setup_inputs()
    print(jax.jit(kernel)(*tuple(_d.values())))

</pallas_src>

<mosaic_0001>
#map = affine_map<(d0, d1) -> (0)>
#map1 = affine_map<(d0, d1) -> (0, 0)>
module attributes {stable_mosaic.version = 14 : i64} {
  func.func @embed(%arg0: i32, %arg1: i32, %arg2: memref<16384xi32, #tpu.memory_space<hbm>>, %arg3: memref<1001x1024xf32, #tpu.memory_space<hbm>>, %arg4: memref<16384x1024xf32, #tpu.memory_space<hbm>>, %arg5: memref<512xi32, #tpu.memory_space<vmem>>, %arg6: memref<5x16x1024xf32, #tpu.memory_space<vmem>>, %arg7: memref<!tpu.dma_semaphore, #tpu.memory_space<semaphore_mem>>, %arg8: memref<!tpu.dma_semaphore, #tpu.memory_space<semaphore_mem>>) attributes {dimension_semantics = [#tpu.dimension_semantics<core_parallel>, #tpu.dimension_semantics<subcore_parallel>], iteration_bounds = array<i64: 2, 16>, scalar_prefetch = 0 : i64, scratch_operands = 4 : i64, tpu.core_type = #tpu.core_type<sc_vector_subcore>, window_params = [{transform_indices = #map}, {transform_indices = #map1}, {transform_indices = #map1}]} {
    %mul3A = arith.constant 2 : i32
    %mul3A_0 = arith.muli %arg1, %mul3A : i32
    %add3A = arith.addi %mul3A_0, %arg0 : i32
    %mul3A_1 = arith.constant 512 : i32
    %mul3A_2 = arith.muli %add3A, %mul3A_1 : i32
    "tpu.region"() ({
      %run_scoped3A = tpu.sem_alloc : memref<!tpu.dma_semaphore, #tpu.memory_space<semaphore_mem>>
      %dma_start3A_1590 = tpu.memref_slice %arg2[%mul3A_2] : memref<16384xi32, #tpu.memory_space<hbm>> -> memref<512xi32, #tpu.memory_space<hbm>>
      %dma_start3A_1591 = tpu.memref_slice %arg2[%mul3A_2] : memref<16384xi32, #tpu.memory_space<hbm>> -> memref<512xi32, #tpu.memory_space<hbm>>
      tpu.enqueue_dma source(%dma_start3A_1591 : memref<512xi32, #tpu.memory_space<hbm>>) target(%arg5 : memref<512xi32, #tpu.memory_space<vmem>>) target_semaphore(%run_scoped3A : memref<!tpu.dma_semaphore, #tpu.memory_space<semaphore_mem>>)
      %dma_wait3A_1592 = tpu.memref_slice %arg2[%mul3A_2] : memref<16384xi32, #tpu.memory_space<hbm>> -> memref<512xi32, #tpu.memory_space<hbm>>
      %dma_wait3A_1593 = tpu.memref_slice %arg2[%mul3A_2] : memref<16384xi32, #tpu.memory_space<hbm>> -> memref<512xi32, #tpu.memory_space<hbm>>
      tpu.wait_dma2 semaphore(%run_scoped3A : memref<!tpu.dma_semaphore, #tpu.memory_space<semaphore_mem>>) src(%dma_wait3A_1593 : memref<512xi32, #tpu.memory_space<hbm>>) dst(%arg5 : memref<512xi32, #tpu.memory_space<vmem>>)
      tpu.yield
    }) : () -> ()
    %jit3A = arith.constant 4 : i32
    %eq3A = arith.constant 0 : i32
    %eq3A_3 = arith.cmpi eq, %jit3A, %eq3A : i32
    %jit3A_4 = arith.constant 1 : i32
    %select_n3A = arith.select %eq3A_3, %jit3A_4, %jit3A : i32
    %rem3A = arith.remsi %add3A, %select_n3A : i32
    %ne3A = arith.constant 0 : i32
    %ne3A_5 = arith.cmpi ne, %rem3A, %ne3A : i32
    %lt3A = arith.constant 0 : i32
    %lt3A_6 = arith.cmpi slt, %rem3A, %lt3A : i32
    %lt3A_7 = arith.constant 0 : i32
    %lt3A_8 = arith.cmpi slt, %select_n3A, %lt3A_7 : i32
    %ne3A_9 = arith.xori %lt3A_6, %lt3A_8 : i1
    %and3A = arith.andi %ne3A_9, %ne3A_5 : i1
    %add3A_10 = arith.addi %rem3A, %select_n3A : i32
    %select_n3A_11 = arith.select %and3A, %add3A_10, %rem3A : i32
    %ge3A = arith.constant 1 : i32
    %ge3A_12 = arith.cmpi sge, %select_n3A_11, %ge3A : i32
    %convert_element_type3A = arith.extui %ge3A_12 : i1 to i32
    %cond3A = arith.constant 0 : i32
    %cond3A_13 = arith.cmpi ne, %convert_element_type3A, %cond3A : i32
    scf.if %cond3A_13 {
      %dma_start3A_1590 = arith.constant 4 : i32
      %dma_start3A_1591 = arith.constant 0 : i32
      %dma_start3A_1592 = arith.constant 0 : i32
      %dma_start3A_1593 = tpu.memref_slice %arg6[%dma_start3A_1590, %dma_start3A_1591, %dma_start3A_1592] : memref<5x16x1024xf32, #tpu.memory_space<vmem>> -> memref<1x16x1024xf32, #tpu.memory_space<vmem>>
      %dma_start3A_1594 = tpu.memref_squeeze %dma_start3A_1593 : memref<1x16x1024xf32, #tpu.memory_space<vmem>> -> memref<16x1024xf32, #tpu.memory_space<vmem>>
      %dma_start3A_1595 = arith.constant 0 : i32
      %dma_start3A_1596 = tpu.memref_slice %arg5[%dma_start3A_1595] : memref<512xi32, #tpu.memory_space<vmem>> -> memref<16xi32, #tpu.memory_space<vmem>>
      %dma_start3A_1597 = arith.constant 0 : i32
      %dma_start3A_1598 = arith.constant 0 : i32
      %dma_start3A_1599 = tpu.memref_slice %arg3[%dma_start3A_1597, %dma_start3A_1598] : memref<1001x1024xf32, #tpu.memory_space<hbm>> -> memref<1001x1024xf32, #tpu.memory_space<hbm>>
      tpu.enqueue_indirect_dma source(%dma_start3A_1599 : memref<1001x1024xf32, #tpu.memory_space<hbm>>) target(%dma_start3A_1594 : memref<16x1024xf32, #tpu.memory_space<vmem>>) offsets(%dma_start3A_1596 : memref<16xi32, #tpu.memory_space<vmem>>) semaphore(%arg7 : memref<!tpu.dma_semaphore, #tpu.memory_space<semaphore_mem>>)
      %dma_wait3A_1600 = arith.constant 4 : i32
      %dma_wait3A_1601 = arith.constant 0 : i32
      %dma_wait3A_1602 = arith.constant 0 : i32
      %dma_wait3A_1603 = tpu.memref_slice %arg6[%dma_wait3A_1600, %dma_wait3A_1601, %dma_wait3A_1602] : memref<5x16x1024xf32, #tpu.memory_space<vmem>> -> memref<1x16x1024xf32, #tpu.memory_space<vmem>>
      %dma_wait3A_1604 = tpu.memref_squeeze %dma_wait3A_1603 : memref<1x16x1024xf32, #tpu.memory_space<vmem>> -> memref<16x1024xf32, #tpu.memory_space<vmem>>
      %dma_wait3A_1605 = arith.constant 0 : i32
      %dma_wait3A_1606 = tpu.memref_slice %arg5[%dma_wait3A_1605] : memref<512xi32, #tpu.memory_space<vmem>> -> memref<16xi32, #tpu.memory_space<vmem>>
      %dma_wait3A_1607 = arith.constant 0 : i32
      %dma_wait3A_1608 = arith.constant 0 : i32
      %dma_wait3A_1609 = tpu.memref_slice %arg3[%dma_wait3A_1607, %dma_wait3A_1608] : memref<1001x1024xf32, #tpu.memory_space<hbm>> -> memref<1001x1024xf32, #tpu.memory_space<hbm>>
      tpu.wait_indirect_dma semaphore(%arg7 : memref<!tpu.dma_semaphore, #tpu.memory_space<semaphore_mem>>) src(%dma_wait3A_1609 : memref<1001x1024xf32, #tpu.memory_space<hbm>>) dst(%dma_wait3A_1604 : memref<16x1024xf32, #tpu.memory_space<vmem>>)
    } else {
    }
    %jit3A_14 = arith.constant 4 : i32
    %eq3A_15 = arith.constant 0 : i32
    %eq3A_16 = arith.cmpi eq, %jit3A_14, %eq3A_15 : i32
    %jit3A_17 = arith.constant 1 : i32
    %select_n3A_18 = arith.select %eq3A_16, %jit3A_17, %jit3A_14 : i32
    %rem3A_19 = arith.remsi %add3A, %select_n3A_18 : i32
    %ne3A_20 = arith.constant 0 : i32
    %ne3A_21 = arith.cmpi ne, %rem3A_19, %ne3A_20 : i32
    %lt3A_22 = arith.constant 0 : i32
    %lt3A_23 = arith.cmpi slt, %rem3A_19, %lt3A_22 : i32
    %lt3A_24 = arith.constant 0 : i32
    %lt3A_25 = arith.cmpi slt, %select_n3A_18, %lt3A_24 : i32
    %ne3A_26 = arith.xori %lt3A_23, %lt3A_25 : i1
    %and3A_27 = arith.andi %ne3A_26, %ne3A_21 : i1
    %add3A_28 = arith.addi %rem3A_19, %select_n3A_18 : i32
    %select_n3A_29 = arith.select %and3A_27, %add3A_28, %rem3A_19 : i32
    %ge3A_30 = arith.constant 2 : i32
    %ge3A_31 = arith.cmpi sge, %select_n3A_29, %ge3A_30 : i32
    %convert_element_type3A_32 = arith.extui %ge3A_31 : i1 to i32
    %cond3A_33 = arith.constant 0 : i32
    %cond3A_34 = arith.cmpi ne, %convert_element_type3A_32, %cond3A_33 : i32
    scf.if %cond3A_34 {
      %dma_start3A_1590 = arith.constant 4 : i32
      %dma_start3A_1591 = arith.constant 0 : i32
      %dma_start3A_1592 = arith.constant 0 : i32
      %dma_start3A_1593 = tpu.memref_slice %arg6[%dma_start3A_1590, %dma_start3A_1591, %dma_start3A_1592] : memref<5x16x1024xf32, #tpu.memory_space<vmem>> -> memref<1x16x1024xf32, #tpu.memory_space<vmem>>
      %dma_start3A_1594 = tpu.memref_squeeze %dma_start3A_1593 : memref<1x16x1024xf32, #tpu.memory_space<vmem>> -> memref<16x1024xf32, #tpu.memory_space<vmem>>
      %dma_start3A_1595 = arith.constant 0 : i32
      %dma_start3A_1596 = tpu.memref_slice %arg5[%dma_start3A_1595] : memref<512xi32, #tpu.memory_space<vmem>> -> memref<16xi32, #tpu.memory_space<vmem>>
      %dma_start3A_1597 = arith.constant 0 : i32
      %dma_start3A_1598 = arith.constant 0 : i32
      %dma_start3A_1599 = tpu.memref_slice %arg3[%dma_start3A_1597, %dma_start3A_1598] : memref<1001x1024xf32, #tpu.memory_space<hbm>> -> memref<1001x1024xf32, #tpu.memory_space<hbm>>
      tpu.enqueue_indirect_dma source(%dma_start3A_1599 : memref<1001x1024xf32, #tpu.memory_space<hbm>>) target(%dma_start3A_1594 : memref<16x1024xf32, #tpu.memory_space<vmem>>) offsets(%dma_start3A_1596 : memref<16xi32, #tpu.memory_space<vmem>>) semaphore(%arg7 : memref<!tpu.dma_semaphore, #tpu.memory_space<semaphore_mem>>)
      %dma_wait3A_1600 = arith.constant 4 : i32
      %dma_wait3A_1601 = arith.constant 0 : i32
      %dma_wait3A_1602 = arith.constant 0 : i32
      %dma_wait3A_1603 = tpu.memref_slice %arg6[%dma_wait3A_1600, %dma_wait3A_1601, %dma_wait3A_1602] : memref<5x16x1024xf32, #tpu.memory_space<vmem>> -> memref<1x16x1024xf32, #tpu.memory_space<vmem>>
      %dma_wait3A_1604 = tpu.memref_squeeze %dma_wait3A_1603 : memref<1x16x1024xf32, #tpu.memory_space<vmem>> -> memref<16x1024xf32, #tpu.memory_space<vmem>>
      %dma_wait3A_1605 = arith.constant 0 : i32
      %dma_wait3A_1606 = tpu.memref_slice %arg5[%dma_wait3A_1605] : memref<512xi32, #tpu.memory_space<vmem>> -> memref<16xi32, #tpu.memory_space<vmem>>
      %dma_wait3A_1607 = arith.constant 0 : i32
      %dma_wait3A_1608 = arith.constant 0 : i32
      %dma_wait3A_1609 = tpu.memref_slice %arg3[%dma_wait3A_1607, %dma_wait3A_1608] : memref<1001x1024xf32, #tpu.memory_space<hbm>> -> memref<1001x1024xf32, #tpu.memory_space<hbm>>
      tpu.wait_indirect_dma semaphore(%arg7 : memref<!tpu.dma_semaphore, #tpu.memory_space<semaphore_mem>>) src(%dma_wait3A_1609 : memref<1001x1024xf32, #tpu.memory_space<hbm>>) dst(%dma_wait3A_1604 : memref<16x1024xf32, #tpu.memory_space<vmem>>)
    } else {
    }
    %jit3A_35 = arith.constant 4 : i32
    %eq3A_36 = arith.constant 0 : i32
    %eq3A_37 = arith.cmpi eq, %jit3A_35, %eq3A_36 : i32
    %jit3A_38 = arith.constant 1 : i32
    %select_n3A_39 = arith.select %eq3A_37, %jit3A_38, %jit3A_35 : i32
    %rem3A_40 = arith.remsi %add3A, %select_n3A_39 : i32
    %ne3A_41 = arith.constant 0 : i32
    %ne3A_42 = arith.cmpi ne, %rem3A_40, %ne3A_41 : i32
    %lt3A_43 = arith.constant 0 : i32
    %lt3A_44 = arith.cmpi slt, %rem3A_40, %lt3A_43 : i32
    %lt3A_45 = arith.constant 0 : i32
    %lt3A_46 = arith.cmpi slt, %select_n3A_39, %lt3A_45 : i32
    %ne3A_47 = arith.xori %lt3A_44, %lt3A_46 : i1
    %and3A_48 = arith.andi %ne3A_47, %ne3A_42 : i1
    %add3A_49 = arith.addi %rem3A_40, %select_n3A_39 : i32
    %select_n3A_50 = arith.select %and3A_48, %add3A_49, %rem3A_40 : i32
    %ge3A_51 = arith.constant 3 : i32
    %ge3A_52 = arith.cmpi sge, %select_n3A_50, %ge3A_51 : i32
    %convert_element_type3A_53 = arith.extui %ge3A_52 : i1 to i32
    %cond3A_54 = arith.constant 0 : i32
    %cond3A_55 = arith.cmpi ne, %convert_element_type3A_53, %cond3A_54 : i32
    scf.if %cond3A_55 {
      %dma_start3A_1590 = arith.constant 4 : i32
      %dma_start3A_1591 = arith.constant 0 : i32
      %dma_start3A_1592 = arith.constant 0 : i32
      %dma_start3A_1593 = tpu.memref_slice %arg6[%dma_start3A_1590, %dma_start3A_1591, %dma_start3A_1592] : memref<5x16x1024xf32, #tpu.memory_space<vmem>> -> memref<1x16x1024xf32, #tpu.memory_space<vmem>>
      %dma_start3A_1594 = tpu.memref_squeeze %dma_start3A_1593 : memref<1x16x1024xf32, #tpu.memory_space<vmem>> -> memref<16x1024xf32, #tpu.memory_space<vmem>>
      %dma_start3A_1595 = arith.constant 0 : i32
      %dma_start3A_1596 = tpu.memref_slice %arg5[%dma_start3A_1595] : memref<512xi32, #tpu.memory_space<vmem>> -> memref<16xi32, #tpu.memory_space<vmem>>
      %dma_start3A_1597 = arith.constant 0 : i32
      %dma_start3A_1598 = arith.constant 0 : i32
      %dma_start3A_1599 = tpu.memref_slice %arg3[%dma_start3A_1597, %dma_start3A_1598] : memref<1001x1024xf32, #tpu.memory_space<hbm>> -> memref<1001x1024xf32, #tpu.memory_space<hbm>>
      tpu.enqueue_indirect_dma source(%dma_start3A_1599 : memref<1001x1024xf32, #tpu.memory_space<hbm>>) target(%dma_start3A_1594 : memref<16x1024xf32, #tpu.memory_space<vmem>>) offsets(%dma_start3A_1596 : memref<16xi32, #tpu.memory_space<vmem>>) semaphore(%arg7 : memref<!tpu.dma_semaphore, #tpu.memory_space<semaphore_mem>>)
      %dma_wait3A_1600 = arith.constant 4 : i32
      %dma_wait3A_1601 = arith.constant 0 : i32
      %dma_wait3A_1602 = arith.constant 0 : i32
      %dma_wait3A_1603 = tpu.memref_slice %arg6[%dma_wait3A_1600, %dma_wait3A_1601, %dma_wait3A_1602] : memref<5x16x1024xf32, #tpu.memory_space<vmem>> -> memref<1x16x1024xf32, #tpu.memory_space<vmem>>
      %dma_wait3A_1604 = tpu.memref_squeeze %dma_wait3A_1603 : memref<1x16x1024xf32, #tpu.memory_space<vmem>> -> memref<16x1024xf32, #tpu.memory_space<vmem>>
      %dma_wait3A_1605 = arith.constant 0 : i32
      %dma_wait3A_1606 = tpu.memref_slice %arg5[%dma_wait3A_1605] : memref<512xi32, #tpu.memory_space<vmem>> -> memref<16xi32, #tpu.memory_space<vmem>>
      %dma_wait3A_1607 = arith.constant 0 : i32
      %dma_wait3A_1608 = arith.constant 0 : i32
      %dma_wait3A_1609 = tpu.memref_slice %arg3[%dma_wait3A_1607, %dma_wait3A_1608] : memref<1001x1024xf32, #tpu.memory_space<hbm>> -> memref<1001x1024xf32, #tpu.memory_space<hbm>>
      tpu.wait_indirect_dma semaphore(%arg7 : memref<!tpu.dma_semaphore, #tpu.memory_space<semaphore_mem>>) src(%dma_wait3A_1609 : memref<1001x1024xf32, #tpu.memory_space<hbm>>) dst(%dma_wait3A_1604 : memref<16x1024xf32, #tpu.memory_space<vmem>>)
    } else {
    }
    %dma_start3A = arith.constant 0 : i32
    %dma_start3A_56 = arith.constant 0 : i32
    %dma_start3A_57 = arith.constant 0 : i32
    %dma_start3A_58 = tpu.memref_slice %arg6[%dma_start3A, %dma_start3A_56, %dma_start3A_57] : memref<5x16x1024xf32, #tpu.memory_space<vmem>> -> memref<1x16x1024xf32, #tpu.memory_space<vmem>>
    %dma_start3A_59 = tpu.memref_squeeze %dma_start3A_58 : memref<1x16x1024xf32, #tpu.memory_space<vmem>> -> memref<16x1024xf32, #tpu.memory_space<vmem>>
    %dma_start3A_60 = arith.constant 0 : i32
    %dma_start3A_61 = tpu.memref_slice %arg5[%dma_start3A_60] : memref<512xi32, #tpu.memory_space<vmem>> -> memref<16xi32, #tpu.memory_space<vmem>>
    %dma_start3A_62 = arith.constant 0 : i32
    %dma_start3A_63 = arith.constant 0 : i32
    %dma_start3A_64 = tpu.memref_slice %arg3[%dma_start3A_62, %dma_start3A_63] : memref<1001x1024xf32, #tpu.memory_space<hbm>> -> memref<1001x1024xf32, #tpu.memory_space<hbm>>
    tpu.enqueue_indirect_dma source(%dma_start3A_64 : memref<1001x1024xf32, #tpu.memory_space<hbm>>) target(%dma_start3A_59 : memref<16x1024xf32, #tpu.memory_space<vmem>>) offsets(%dma_start3A_61 : memref<16xi32, #tpu.memory_space<vmem>>) semaphore(%arg7 : memref<!tpu.dma_semaphore, #tpu.memory_space<semaphore_mem>>)
    %dma_start3A_65 = arith.constant 1 : i32
    %dma_start3A_66 = arith.constant 0 : i32
    %dma_start3A_67 = arith.constant 0 : i32
    %dma_start3A_68 = tpu.memref_slice %arg6[%dma_start3A_65, %dma_start3A_66, %dma_start3A_67] : memref<5x16x1024xf32, #tpu.memory_space<vmem>> -> memref<1x16x1024xf32, #tpu.memory_space<vmem>>
    %dma_start3A_69 = tpu.memref_squeeze %dma_start3A_68 : memref<1x16x1024xf32, #tpu.memory_space<vmem>> -> memref<16x1024xf32, #tpu.memory_space<vmem>>
    %dma_start3A_70 = arith.constant 16 : i32
    %dma_start3A_71 = tpu.memref_slice %arg5[%dma_start3A_70] : memref<512xi32, #tpu.memory_space<vmem>> -> memref<16xi32, #tpu.memory_space<vmem>>
    %dma_start3A_72 = arith.constant 0 : i32
    %dma_start3A_73 = arith.constant 0 : i32
    %dma_start3A_74 = tpu.memref_slice %arg3[%dma_start3A_72, %dma_start3A_73] : memref<1001x1024xf32, #tpu.memory_space<hbm>> -> memref<1001x1024xf32, #tpu.memory_space<hbm>>
    tpu.enqueue_indirect_dma source(%dma_start3A_74 : memref<1001x1024xf32, #tpu.memory_space<hbm>>) target(%dma_start3A_69 : memref<16x1024xf32, #tpu.memory_space<vmem>>) offsets(%dma_start3A_71 : memref<16xi32, #tpu.memory_space<vmem>>) semaphore(%arg7 : memref<!tpu.dma_semaphore, #tpu.memory_space<semaphore_mem>>)
    %dma_wait3A = arith.constant 0 : i32
    %dma_wait3A_75 = arith.constant 0 : i32
    %dma_wait3A_76 = arith.constant 0 : i32
    %dma_wait3A_77 = tpu.memref_slice %arg6[%dma_wait3A, %dma_wait3A_75, %dma_wait3A_76] : memref<5x16x1024xf32, #tpu.memory_space<vmem>> -> memref<1x16x1024xf32, #tpu.memory_space<vmem>>
    %dma_wait3A_78 = tpu.memref_squeeze %dma_wait3A_77 : memref<1x16x1024xf32, #tpu.memory_space<vmem>> -> memref<16x1024xf32, #tpu.memory_space<vmem>>
    %dma_wait3A_79 = arith.constant 0 : i32
    %dma_wait3A_80 = tpu.memref_slice %arg5[%dma_wait3A_79] : memref<512xi32, #tpu.memory_space<vmem>> -> memref<16xi32, #tpu.memory_space<vmem>>
    %dma_wait3A_81 = arith.constant 0 : i32
    %dma_wait3A_82 = arith.constant 0 : i32
    %dma_wait3A_83 = tpu.memref_slice %arg3[%dma_wait3A_81, %dma_wait3A_82] : memref<1001x1024xf32, #tpu.memory_space<hbm>> -> memref<1001x1024xf32, #tpu.memory_space<hbm>>
    tpu.wait_indirect_dma semaphore(%arg7 : memref<!tpu.dma_semaphore, #tpu.memory_space<semaphore_mem>>) src(%dma_wait3A_83 : memref<1001x1024xf32, #tpu.memory_space<hbm>>) dst(%dma_wait3A_78 : memref<16x1024xf32, #tpu.memory_space<vmem>>)
    %dma_start3A_84 = arith.constant 2 : i32
    %dma_start3A_85 = arith.constant 0 : i32
    %dma_start3A_86 = arith.constant 0 : i32
    %dma_start3A_87 = tpu.memref_slice %arg6[%dma_start3A_84, %dma_start3A_85, %dma_start3A_86] : memref<5x16x1024xf32, #tpu.memory_space<vmem>> -> memref<1x16x1024xf32, #tpu.memory_space<vmem>>
    %dma_start3A_88 = tpu.memref_squeeze %dma_start3A_87 : memref<1x16x1024xf32, #tpu.memory_space<vmem>> -> memref<16x1024xf32, #tpu.memory_space<vmem>>
    %dma_start3A_89 = arith.constant 32 : i32
    %dma_start3A_90 = tpu.memref_slice %arg5[%dma_start3A_89] : memref<512xi32, #tpu.memory_space<vmem>> -> memref<16xi32, #tpu.memory_space<vmem>>
    %dma_start3A_91 = arith.constant 0 : i32
    %dma_start3A_92 = arith.constant 0 : i32
    %dma_start3A_93 = tpu.memref_slice %arg3[%dma_start3A_91, %dma_start3A_92] : memref<1001x1024xf32, #tpu.memory_space<hbm>> -> memref<1001x1024xf32, #tpu.memory_space<hbm>>
    tpu.enqueue_indirect_dma source(%dma_start3A_93 : memref<1001x1024xf32, #tpu.memory_space<hbm>>) target(%dma_start3A_88 : memref<16x1024xf32, #tpu.memory_space<vmem>>) offsets(%dma_start3A_90 : memref<16xi32, #tpu.memory_space<vmem>>) semaphore(%arg7 : memref<!tpu.dma_semaphore, #tpu.memory_space<semaphore_mem>>)
    %add3A_94 = arith.constant 0 : i32
    %add3A_95 = arith.addi %mul3A_2, %add3A_94 : i32
    %dma_start3A_96 = arith.constant 0 : i32
    %dma_start3A_97 = arith.constant 0 : i32
    %dma_start3A_98 = arith.constant 0 : i32
    %dma_start3A_99 = tpu.memref_slice %arg6[%dma_start3A_96, %dma_start3A_97, %dma_start3A_98] : memref<5x16x1024xf32, #tpu.memory_space<vmem>> -> memref<1x16x1024xf32, #tpu.memory_space<vmem>>
    %dma_start3A_100 = tpu.memref_squeeze %dma_start3A_99 : memref<1x16x1024xf32, #tpu.memory_space<vmem>> -> memref<16x1024xf32, #tpu.memory_space<vmem>>
    %dma_start3A_101 = arith.constant 0 : i32
    %dma_start3A_102 = tpu.memref_slice %arg4[%add3A_95, %dma_start3A_101] : memref<16384x1024xf32, #tpu.memory_space<hbm>> -> memref<16x1024xf32, #tpu.memory_space<hbm>>
    %dma_start3A_103 = arith.constant 0 : i32
    %dma_start3A_104 = tpu.memref_slice %arg4[%add3A_95, %dma_start3A_103] : memref<16384x1024xf32, #tpu.memory_space<hbm>> -> memref<16x1024xf32, #tpu.memory_space<hbm>>
    %dma_start3A_105 = arith.constant 0 : i32
    %dma_start3A_106 = arith.constant 0 : i32
    %dma_start3A_107 = tpu.memref_slice %arg6[%dma_start3A_96, %dma_start3A_105, %dma_start3A_106] : memref<5x16x1024xf32, #tpu.memory_space<vmem>> -> memref<1x16x1024xf32, #tpu.memory_space<vmem>>
    %dma_start3A_108 = tpu.memref_squeeze %dma_start3A_107 : memref<1x16x1024xf32, #tpu.memory_space<vmem>> -> memref<16x1024xf32, #tpu.memory_space<vmem>>
    tpu.enqueue_dma source(%dma_start3A_108 : memref<16x1024xf32, #tpu.memory_space<vmem>>) target(%dma_start3A_104 : memref<16x1024xf32, #tpu.memory_space<hbm>>) target_semaphore(%arg8 : memref<!tpu.dma_semaphore, #tpu.memory_space<semaphore_mem>>)
    %dma_wait3A_109 = arith.constant 1 : i32
    %dma_wait3A_110 = arith.constant 0 : i32
    %dma_wait3A_111 = arith.constant 0 : i32
    %dma_wait3A_112 = tpu.memref_slice %arg6[%dma_wait3A_109, %dma_wait3A_110, %dma_wait3A_111] : memref<5x16x1024xf32, #tpu.memory_space<vmem>> -> memref<1x16x1024xf32, #tpu.memory_space<vmem>>
    %dma_wait3A_113 = tpu.memref_squeeze %dma_wait3A_112 : memref<1x16x1024xf32, #tpu.memory_space<vmem>> -> memref<16x1024xf32, #tpu.memory_space<vmem>>
    %dma_wait3A_114 = arith.constant 16 : i32
    %dma_wait3A_115 = tpu.memref_slice %arg5[%dma_wait3A_114] : memref<512xi32, #tpu.memory_space<vmem>> -> memref<16xi32, #tpu.memory_space<vmem>>
    %dma_wait3A_116 = arith.constant 0 : i32
    %dma_wait3A_117 = arith.constant 0 : i32
    %dma_wait3A_118 = tpu.memref_slice %arg3[%dma_wait3A_116, %dma_wait3A_117] : memref<1001x1024xf32, #tpu.memory_space<hbm>> -> memref<1001x1024xf32, #tpu.memory_space<hbm>>
    tpu.wait_indirect_dma semaphore(%arg7 : memref<!tpu.dma_semaphore, #tpu.memory_space<semaphore_mem>>) src(%dma_wait3A_118 : memref<1001x1024xf32, #tpu.memory_space<hbm>>) dst(%dma_wait3A_113 : memref<16x1024xf32, #tpu.memory_space<vmem>>)
    %dma_start3A_119 = arith.constant 3 : i32
    %dma_start3A_120 = arith.constant 0 : i32
    %dma_start3A_121 = arith.constant 0 : i32
    %dma_start3A_122 = tpu.memref_slice %arg6[%dma_start3A_119, %dma_start3A_120, %dma_start3A_121] : memref<5x16x1024xf32, #tpu.memory_space<vmem>> -> memref<1x16x1024xf32, #tpu.memory_space<vmem>>
    %dma_start3A_123 = tpu.memref_squeeze %dma_start3A_122 : memref<1x16x1024xf32, #tpu.memory_space<vmem>> -> memref<16x1024xf32, #tpu.memory_space<vmem>>
    %dma_start3A_124 = arith.constant 48 : i32
    %dma_start3A_125 = tpu.memref_slice %arg5[%dma_start3A_124] : memref<512xi32, #tpu.memory_space<vmem>> -> memref<16xi32, #tpu.memory_space<vmem>>
    %dma_start3A_126 = arith.constant 0 : i32
    %dma_start3A_127 = arith.constant 0 : i32
    %dma_start3A_128 = tpu.memref_slice %arg3[%dma_start3A_126, %dma_start3A_127] : memref<1001x1024xf32, #tpu.memory_space<hbm>> -> memref<1001x1024xf32, #tpu.memory_space<hbm>>
    tpu.enqueue_indirect_dma source(%dma_start3A_128 : memref<1001x1024xf32, #tpu.memory_space<hbm>>) target(%dma_start3A_123 : memref<16x1024xf32, #tpu.memory_space<vmem>>) offsets(%dma_start3A_125 : memref<16xi32, #tpu.memory_space<vmem>>) semaphore(%arg7 : memref<!tpu.dma_semaphore, #tpu.memory_space<semaphore_mem>>)
    %add3A_129 = arith.constant 16 : i32
    %add3A_130 = arith.addi %mul3A_2, %add3A_129 : i32
    %dma_start3A_131 = arith.constant 1 : i32
    %dma_start3A_132 = arith.constant 0 : i32
    %dma_start3A_133 = arith.constant 0 : i32
    %dma_start3A_134 = tpu.memref_slice %arg6[%dma_start3A_131, %dma_start3A_132, %dma_start3A_133] : memref<5x16x1024xf32, #tpu.memory_space<vmem>> -> memref<1x16x1024xf32, #tpu.memory_space<vmem>>
    %dma_start3A_135 = tpu.memref_squeeze %dma_start3A_134 : memref<1x16x1024xf32, #tpu.memory_space<vmem>> -> memref<16x1024xf32, #tpu.memory_space<vmem>>
    %dma_start3A_136 = arith.constant 0 : i32
    %dma_start3A_137 = tpu.memref_slice %arg4[%add3A_130, %dma_start3A_136] : memref<16384x1024xf32, #tpu.memory_space<hbm>> -> memref<16x1024xf32, #tpu.memory_space<hbm>>
    %dma_start3A_138 = arith.constant 0 : i32
    %dma_start3A_139 = tpu.memref_slice %arg4[%add3A_130, %dma_start3A_138] : memref<16384x1024xf32, #tpu.memory_space<hbm>> -> memref<16x1024xf32, #tpu.memory_space<hbm>>
    %dma_start3A_140 = arith.constant 0 : i32
    %dma_start3A_141 = arith.constant 0 : i32
    %dma_start3A_142 = tpu.memref_slice %arg6[%dma_start3A_131, %dma_start3A_140, %dma_start3A_141] : memref<5x16x1024xf32, #tpu.memory_space<vmem>> -> memref<1x16x1024xf32, #tpu.memory_space<vmem>>
    %dma_start3A_143 = tpu.memref_squeeze %dma_start3A_142 : memref<1x16x1024xf32, #tpu.memory_space<vmem>> -> memref<16x1024xf32, #tpu.memory_space<vmem>>
    tpu.enqueue_dma source(%dma_start3A_143 : memref<16x1024xf32, #tpu.memory_space<vmem>>) target(%dma_start3A_139 : memref<16x1024xf32, #tpu.memory_space<hbm>>) target_semaphore(%arg8 : memref<!tpu.dma_semaphore, #tpu.memory_space<semaphore_mem>>)
    %dma_wait3A_144 = arith.constant 2 : i32
    %dma_wait3A_145 = arith.constant 0 : i32
    %dma_wait3A_146 = arith.constant 0 : i32
    %dma_wait3A_147 = tpu.memref_slice %arg6[%dma_wait3A_144, %dma_wait3A_145, %dma_wait3A_146] : memref<5x16x1024xf32, #tpu.memory_space<vmem>> -> memref<1x16x1024xf32, #tpu.memory_space<vmem>>
    %dma_wait3A_148 = tpu.memref_squeeze %dma_wait3A_147 : memref<1x16x1024xf32, #tpu.memory_space<vmem>> -> memref<16x1024xf32, #tpu.memory_space<vmem>>
    %dma_wait3A_149 = arith.constant 32 : i32
    %dma_wait3A_150 = tpu.memref_slice %arg5[%dma_wait3A_149] : memref<512xi32, #tpu.memory_space<vmem>> -> memref<16xi32, #tpu.memory_space<vmem>>
    %dma_wait3A_151 = arith.constant 0 : i32
    %dma_wait3A_152 = arith.constant 0 : i32
    %dma_wait3A_153 = tpu.memref_slice %arg3[%dma_wait3A_151, %dma_wait3A_152] : memref<1001x1024xf32, #tpu.memory_space<hbm>> -> memref<1001x1024xf32, #tpu.memory_space<hbm>>
    tpu.wait_indirect_dma semaphore(%arg7 : memref<!tpu.dma_semaphore, #tpu.memory_space<semaphore_mem>>) src(%dma_wait3A_153 : memref<1001x1024xf32, #tpu.memory_space<hbm>>) dst(%dma_wait3A_148 : memref<16x1024xf32, #tpu.memory_space<vmem>>)
    %dma_wait3A_154 = arith.constant 0 : i32
    %dma_wait3A_155 = arith.constant 0 : i32
    %dma_wait3A_156 = arith.constant 0 : i32
    %dma_wait3A_157 = tpu.memref_slice %arg6[%dma_wait3A_154, %dma_wait3A_155, %dma_wait3A_156] : memref<5x16x1024xf32, #tpu.memory_space<vmem>> -> memref<1x16x1024xf32, #tpu.memory_space<vmem>>
    %dma_wait3A_158 = tpu.memref_squeeze %dma_wait3A_157 : memref<1x16x1024xf32, #tpu.memory_space<vmem>> -> memref<16x1024xf32, #tpu.memory_space<vmem>>
    %dma_wait3A_159 = arith.constant 0 : i32
    %dma_wait3A_160 = tpu.memref_slice %arg4[%add3A_95, %dma_wait3A_159] : memref<16384x1024xf32, #tpu.memory_space<hbm>> -> memref<16x1024xf32, #tpu.memory_space<hbm>>
    %dma_wait3A_161 = arith.constant 0 : i32
    %dma_wait3A_162 = tpu.memref_slice %arg4[%add3A_95, %dma_wait3A_161] : memref<16384x1024xf32, #tpu.memory_space<hbm>> -> memref<16x1024xf32, #tpu.memory_space<hbm>>
    %dma_wait3A_163 = arith.constant 0 : i32
    %dma_wait3A_164 = arith.constant 0 : i32
    %dma_wait3A_165 = tpu.memref_slice %arg6[%dma_wait3A_154, %dma_wait3A_163, %dma_wait3A_164] : memref<5x16x1024xf32, #tpu.memory_space<vmem>> -> memref<1x16x1024xf32, #tpu.memory_space<vmem>>
    %dma_wait3A_166 = tpu.memref_squeeze %dma_wait3A_165 : memref<1x16x1024xf32, #tpu.memory_space<vmem>> -> memref<16x1024xf32, #tpu.memory_space<vmem>>
    tpu.wait_dma2 semaphore(%arg8 : memref<!tpu.dma_semaphore, #tpu.memory_space<semaphore_mem>>) src(%dma_wait3A_166 : memref<16x1024xf32, #tpu.memory_space<vmem>>) dst(%dma_wait3A_162 : memref<16x1024xf32, #tpu.memory_space<hbm>>)
    %dma_start3A_167 = arith.constant 0 : i32
    %dma_start3A_168 = arith.constant 0 : i32
    %dma_start3A_169 = arith.constant 0 : i32
    %dma_start3A_170 = tpu.memref_slice %arg6[%dma_start3A_167, %dma_start3A_168, %dma_start3A_169] : memref<5x16x1024xf32, #tpu.memory_space<vmem>> -> memref<1x16x1024xf32, #tpu.memory_space<vmem>>
    %dma_start3A_171 = tpu.memref_squeeze %dma_start3A_170 : memref<1x16x1024xf32, #tpu.memory_space<vmem>> -> memref<16x1024xf32, #tpu.memory_space<vmem>>
    %dma_start3A_172 = arith.constant 64 : i32
    %dma_start3A_173 = tpu.memref_slice %arg5[%dma_start3A_172] : memref<512xi32, #tpu.memory_space<vmem>> -> memref<16xi32, #tpu.memory_space<vmem>>
    %dma_start3A_174 = arith.constant 0 : i32
    %dma_start3A_175 = arith.constant 0 : i32
    %dma_start3A_176 = tpu.memref_slice %arg3[%dma_start3A_174, %dma_start3A_175] : memref<1001x1024xf32, #tpu.memory_space<hbm>> -> memref<1001x1024xf32, #tpu.memory_space<hbm>>
    tpu.enqueue_indirect_dma source(%dma_start3A_176 : memref<1001x1024xf32, #tpu.memory_space<hbm>>) target(%dma_start3A_171 : memref<16x1024xf32, #tpu.memory_space<vmem>>) offsets(%dma_start3A_173 : memref<16xi32, #tpu.memory_space<vmem>>) semaphore(%arg7 : memref<!tpu.dma_semaphore, #tpu.memory_space<semaphore_mem>>)
    %add3A_177 = arith.constant 32 : i32
    %add3A_178 = arith.addi %mul3A_2, %add3A_177 : i32
    %dma_start3A_179 = arith.constant 2 : i32
    %dma_start3A_180 = arith.constant 0 : i32
    %dma_start3A_181 = arith.constant 0 : i32
    %dma_start3A_182 = tpu.memref_slice %arg6[%dma_start3A_179, %dma_start3A_180, %dma_start3A_181] : memref<5x16x1024xf32, #tpu.memory_space<vmem>> -> memref<1x16x1024xf32, #tpu.memory_space<vmem>>
    %dma_start3A_183 = tpu.memref_squeeze %dma_start3A_182 : memref<1x16x1024xf32, #tpu.memory_space<vmem>> -> memref<16x1024xf32, #tpu.memory_space<vmem>>
    %dma_start3A_184 = arith.constant 0 : i32
    %dma_start3A_185 = tpu.memref_slice %arg4[%add3A_178, %dma_start3A_184] : memref<16384x1024xf32, #tpu.memory_space<hbm>> -> memref<16x1024xf32, #tpu.memory_space<hbm>>
    %dma_start3A_186 = arith.constant 0 : i32
    %dma_start3A_187 = tpu.memref_slice %arg4[%add3A_178, %dma_start3A_186] : memref<16384x1024xf32, #tpu.memory_space<hbm>> -> memref<16x1024xf32, #tpu.memory_space<hbm>>
    %dma_start3A_188 = arith.constant 0 : i32
    %dma_start3A_189 = arith.constant 0 : i32
    %dma_start3A_190 = tpu.memref_slice %arg6[%dma_start3A_179, %dma_start3A_188, %dma_start3A_189] : memref<5x16x1024xf32, #tpu.memory_space<vmem>> -> memref<1x16x1024xf32, #tpu.memory_space<vmem>>
    %dma_start3A_191 = tpu.memref_squeeze %dma_start3A_190 : memref<1x16x1024xf32, #tpu.memory_space<vmem>> -> memref<16x1024xf32, #tpu.memory_space<vmem>>
    tpu.enqueue_dma source(%dma_start3A_191 : memref<16x1024xf32, #tpu.memory_space<vmem>>) target(%dma_start3A_187 : memref<16x1024xf32, #tpu.memory_space<hbm>>) target_semaphore(%arg8 : memref<!tpu.dma_semaphore, #tpu.memory_space<semaphore_mem>>)
    %dma_wait3A_192 = arith.constant 3 : i32
    %dma_wait3A_193 = arith.constant 0 : i32
    %dma_wait3A_194 = arith.constant 0 : i32
    %dma_wait3A_195 = tpu.memref_slice %arg6[%dma_wait3A_192, %dma_wait3A_193, %dma_wait3A_194] : memref<5x16x1024xf32, #tpu.memory_space<vmem>> -> memref<1x16x1024xf32, #tpu.memory_space<vmem>>
    %dma_wait3A_196 = tpu.memref_squeeze %dma_wait3A_195 : memref<1x16x1024xf32, #tpu.memory_space<vmem>> -> memref<16x1024xf32, #tpu.memory_space<vmem>>
    %dma_wait3A_197 = arith.constant 48 : i32
    %dma_wait3A_198 = tpu.memref_slice %arg5[%dma_wait3A_197] : memref<512xi32, #tpu.memory_space<vmem>> -> memref<16xi32, #tpu.memory_space<vmem>>
    %dma_wait3A_199 = arith.constant 0 : i32
    %dma_wait3A_200 = arith.constant 0 : i32
    %dma_wait3A_201 = tpu.memref_slice %arg3[%dma_wait3A_199, %dma_wait3A_200] : memref<1001x1024xf32, #tpu.memory_space<hbm>> -> memref<1001x1024xf32, #tpu.memory_space<hbm>>
    tpu.wait_indirect_dma semaphore(%arg7 : memref<!tpu.dma_semaphore, #tpu.memory_space<semaphore_mem>>) src(%dma_wait3A_201 : memref<1001x1024xf32, #tpu.memory_space<hbm>>) dst(%dma_wait3A_196 : memref<16x1024xf32, #tpu.memory_space<vmem>>)
    %dma_wait3A_202 = arith.constant 1 : i32
    %dma_wait3A_203 = arith.constant 0 : i32
    %dma_wait3A_204 = arith.constant 0 : i32
    %dma_wait3A_205 = tpu.memref_slice %arg6[%dma_wait3A_202, %dma_wait3A_203, %dma_wait3A_204] : memref<5x16x1024xf32, #tpu.memory_space<vmem>> -> memref<1x16x1024xf32, #tpu.memory_space<vmem>>
    %dma_wait3A_206 = tpu.memref_squeeze %dma_wait3A_205 : memref<1x16x1024xf32, #tpu.memory_space<vmem>> -> memref<16x1024xf32, #tpu.memory_space<vmem>>
    %dma_wait3A_207 = arith.constant 0 : i32
    %dma_wait3A_208 = tpu.memref_slice %arg4[%add3A_130, %dma_wait3A_207] : memref<16384x1024xf32, #tpu.memory_space<hbm>> -> memref<16x1024xf32, #tpu.memory_space<hbm>>
    %dma_wait3A_209 = arith.constant 0 : i32
    %dma_wait3A_210 = tpu.memref_slice %arg4[%add3A_130, %dma_wait3A_209] : memref<16384x1024xf32, #tpu.memory_space<hbm>> -> memref<16x1024xf32, #tpu.memory_space<hbm>>
    %dma_wait3A_211 = arith.constant 0 : i32
    %dma_wait3A_212 = arith.constant 0 : i32
    %dma_wait3A_213 = tpu.memref_slice %arg6[%dma_wait3A_202, %dma_wait3A_211, %dma_wait3A_212] : memref<5x16x1024xf32, #tpu.memory_space<vmem>> -> memref<1x16x1024xf32, #tpu.memory_space<vmem>>
    %dma_wait3A_214 = tpu.memref_squeeze %dma_wait3A_213 : memref<1x16x1024xf32, #tpu.memory_space<vmem>> -> memref<16x1024xf32, #tpu.memory_space<vmem>>
    tpu.wait_dma2 semaphore(%arg8 : memref<!tpu.dma_semaphore, #tpu.memory_space<semaphore_mem>>) src(%dma_wait3A_214 : memref<16x1024xf32, #tpu.memory_space<vmem>>) dst(%dma_wait3A_210 : memref<16x1024xf32, #tpu.memory_space<hbm>>)
    %dma_start3A_215 = arith.constant 1 : i32
    %dma_start3A_216 = arith.constant 0 : i32
    %dma_start3A_217 = arith.constant 0 : i32
    %dma_start3A_218 = tpu.memref_slice %arg6[%dma_start3A_215, %dma_start3A_216, %dma_start3A_217] : memref<5x16x1024xf32, #tpu.memory_space<vmem>> -> memref<1x16x1024xf32, #tpu.memory_space<vmem>>
    %dma_start3A_219 = tpu.memref_squeeze %dma_start3A_218 : memref<1x16x1024xf32, #tpu.memory_space<vmem>> -> memref<16x1024xf32, #tpu.memory_space<vmem>>
    %dma_start3A_220 = arith.constant 80 : i32
    %dma_start3A_221 = tpu.memref_slice %arg5[%dma_start3A_220] : memref<512xi32, #tpu.memory_space<vmem>> -> memref<16xi32, #tpu.memory_space<vmem>>
    %dma_start3A_222 = arith.constant 0 : i32
    %dma_start3A_223 = arith.constant 0 : i32
    %dma_start3A_224 = tpu.memref_slice %arg3[%dma_start3A_222, %dma_start3A_223] : memref<1001x1024xf32, #tpu.memory_space<hbm>> -> memref<1001x1024xf32, #tpu.memory_space<hbm>>
    tpu.enqueue_indirect_dma source(%dma_start3A_224 : memref<1001x1024xf32, #tpu.memory_space<hbm>>) target(%dma_start3A_219 : memref<16x1024xf32, #tpu.memory_space<vmem>>) offsets(%dma_start3A_221 : memref<16xi32, #tpu.memory_space<vmem>>) semaphore(%arg7 : memref<!tpu.dma_semaphore, #tpu.memory_space<semaphore_mem>>)
    %add3A_225 = arith.constant 48 : i32
    %add3A_226 = arith.addi %mul3A_2, %add3A_225 : i32
    %dma_start3A_227 = arith.constant 3 : i32
    %dma_start3A_228 = arith.constant 0 : i32
    %dma_start3A_229 = arith.constant 0 : i32
    %dma_start3A_230 = tpu.memref_slice %arg6[%dma_start3A_227, %dma_start3A_228, %dma_start3A_229] : memref<5x16x1024xf32, #tpu.memory_space<vmem>> -> memref<1x16x1024xf32, #tpu.memory_space<vmem>>
    %dma_start3A_231 = tpu.memref_squeeze %dma_start3A_230 : memref<1x16x1024xf32, #tpu.memory_space<vmem>> -> memref<16x1024xf32, #tpu.memory_space<vmem>>
    %dma_start3A_232 = arith.constant 0 : i32
    %dma_start3A_233 = tpu.memref_slice %arg4[%add3A_226, %dma_start3A_232] : memref<16384x1024xf32, #tpu.memory_space<hbm>> -> memref<16x1024xf32, #tpu.memory_space<hbm>>
    %dma_start3A_234 = arith.constant 0 : i32
    %dma_start3A_235 = tpu.memref_slice %arg4[%add3A_226, %dma_start3A_234] : memref<16384x1024xf32, #tpu.memory_space<hbm>> -> memref<16x1024xf32, #tpu.memory_space<hbm>>
    %dma_start3A_236 = arith.constant 0 : i32
    %dma_start3A_237 = arith.constant 0 : i32
    %dma_start3A_238 = tpu.memref_slice %arg6[%dma_start3A_227, %dma_start3A_236, %dma_start3A_237] : memref<5x16x1024xf32, #tpu.memory_space<vmem>> -> memref<1x16x1024xf32, #tpu.memory_space<vmem>>
    %dma_start3A_239 = tpu.memref_squeeze %dma_start3A_238 : memref<1x16x1024xf32, #tpu.memory_space<vmem>> -> memref<16x1024xf32, #tpu.memory_space<vmem>>
    tpu.enqueue_dma source(%dma_start3A_239 : memref<16x1024xf32, #tpu.memory_space<vmem>>) target(%dma_start3A_235 : memref<16x1024xf32, #tpu.memory_space<hbm>>) target_semaphore(%arg8 : memref<!tpu.dma_semaphore, #tpu.memory_space<semaphore_mem>>)
    %dma_wait3A_240 = arith.constant 0 : i32
    %dma_wait3A_241 = arith.constant 0 : i32
    %dma_wait3A_242 = arith.constant 0 : i32
    %dma_wait3A_243 = tpu.memref_slice %arg6[%dma_wait3A_240, %dma_wait3A_241, %dma_wait3A_242] : memref<5x16x1024xf32, #tpu.memory_space<vmem>> -> memref<1x16x1024xf32, #tpu.memory_space<vmem>>
    %dma_wait3A_244 = tpu.memref_squeeze %dma_wait3A_243 : memref<1x16x1024xf32, #tpu.memory_space<vmem>> -> memref<16x1024xf32, #tpu.memory_space<vmem>>
    %dma_wait3A_245 = arith.constant 64 : i32
    %dma_wait3A_246 = tpu.memref_slice %arg5[%dma_wait3A_245] : memref<512xi32, #tpu.memory_space<vmem>> -> memref<16xi32, #tpu.memory_space<vmem>>
    %dma_wait3A_247 = arith.constant 0 : i32
    %dma_wait3A_248 = arith.constant 0 : i32
    %dma_wait3A_249 = tpu.memref_slice %arg3[%dma_wait3A_247, %dma_wait3A_248] : memref<1001x1024xf32, #tpu.memory_space<hbm>> -> memref<1001x1024xf32, #tpu.memory_space<hbm>>
    tpu.wait_indirect_dma semaphore(%arg7 : memref<!tpu.dma_semaphore, #tpu.memory_space<semaphore_mem>>) src(%dma_wait3A_249 : memref<1001x1024xf32, #tpu.memory_space<hbm>>) dst(%dma_wait3A_244 : memref<16x1024xf32, #tpu.memory_space<vmem>>)
    %dma_wait3A_250 = arith.constant 2 : i32
    %dma_wait3A_251 = arith.constant 0 : i32
    %dma_wait3A_252 = arith.constant 0 : i32
    %dma_wait3A_253 = tpu.memref_slice %arg6[%dma_wait3A_250, %dma_wait3A_251, %dma_wait3A_252] : memref<5x16x1024xf32, #tpu.memory_space<vmem>> -> memref<1x16x1024xf32, #tpu.memory_space<vmem>>
    %dma_wait3A_254 = tpu.memref_squeeze %dma_wait3A_253 : memref<1x16x1024xf32, #tpu.memory_space<vmem>> -> memref<16x1024xf32, #tpu.memory_space<vmem>>
    %dma_wait3A_255 = arith.constant 0 : i32
    %dma_wait3A_256 = tpu.memref_slice %arg4[%add3A_178, %dma_wait3A_255] : memref<16384x1024xf32, #tpu.memory_space<hbm>> -> memref<16x1024xf32, #tpu.memory_space<hbm>>
    %dma_wait3A_257 = arith.constant 0 : i32
    %dma_wait3A_258 = tpu.memref_slice %arg4[%add3A_178, %dma_wait3A_257] : memref<16384x1024xf32, #tpu.memory_space<hbm>> -> memref<16x1024xf32, #tpu.memory_space<hbm>>
    %dma_wait3A_259 = arith.constant 0 : i32
    %dma_wait3A_260 = arith.constant 0 : i32
    %dma_wait3A_261 = tpu.memref_slice %arg6[%dma_wait3A_250, %dma_wait3A_259, %dma_wait3A_260] : memref<5x16x1024xf32, #tpu.memory_space<vmem>> -> memref<1x16x1024xf32, #tpu.memory_space<vmem>>
    %dma_wait3A_262 = tpu.memref_squeeze %dma_wait3A_261 : memref<1x16x1024xf32, #tpu.memory_space<vmem>> -> memref<16x1024xf32, #tpu.memory_space<vmem>>
    tpu.wait_dma2 semaphore(%arg8 : memref<!tpu.dma_semaphore, #tpu.memory_space<semaphore_mem>>) src(%dma_wait3A_262 : memref<16x1024xf32, #tpu.memory_space<vmem>>) dst(%dma_wait3A_258 : memref<16x1024xf32, #tpu.memory_space<hbm>>)
    %dma_start3A_263 = arith.constant 2 : i32
    %dma_start3A_264 = arith.constant 0 : i32
    %dma_start3A_265 = arith.constant 0 : i32
    %dma_start3A_266 = tpu.memref_slice %arg6[%dma_start3A_263, %dma_start3A_264, %dma_start3A_265] : memref<5x16x1024xf32, #tpu.memory_space<vmem>> -> memref<1x16x1024xf32, #tpu.memory_space<vmem>>
    %dma_start3A_267 = tpu.memref_squeeze %dma_start3A_266 : memref<1x16x1024xf32, #tpu.memory_space<vmem>> -> memref<16x1024xf32, #tpu.memory_space<vmem>>
    %dma_start3A_268 = arith.constant 96 : i32
    %dma_start3A_269 = tpu.memref_slice %arg5[%dma_start3A_268] : memref<512xi32, #tpu.memory_space<vmem>> -> memref<16xi32, #tpu.memory_space<vmem>>
    %dma_start3A_270 = arith.constant 0 : i32
    %dma_start3A_271 = arith.constant 0 : i32
    %dma_start3A_272 = tpu.memref_slice %arg3[%dma_start3A_270, %dma_start3A_271] : memref<1001x1024xf32, #tpu.memory_space<hbm>> -> memref<1001x1024xf32, #tpu.memory_space<hbm>>
    tpu.enqueue_indirect_dma source(%dma_start3A_272 : memref<1001x1024xf32, #tpu.memory_space<hbm>>) target(%dma_start3A_267 : memref<16x1024xf32, #tpu.memory_space<vmem>>) offsets(%dma_start3A_269 : memref<16xi32, #tpu.memory_space<vmem>>) semaphore(%arg7 : memref<!tpu.dma_semaphore, #tpu.memory_space<semaphore_mem>>)
    %add3A_273 = arith.constant 64 : i32
    %add3A_274 = arith.addi %mul3A_2, %add3A_273 : i32
    %dma_start3A_275 = arith.constant 0 : i32
    %dma_start3A_276 = arith.constant 0 : i32
    %dma_start3A_277 = arith.constant 0 : i32
    %dma_start3A_278 = tpu.memref_slice %arg6[%dma_start3A_275, %dma_start3A_276, %dma_start3A_277] : memref<5x16x1024xf32, #tpu.memory_space<vmem>> -> memref<1x16x1024xf32, #tpu.memory_space<vmem>>
    %dma_start3A_279 = tpu.memref_squeeze %dma_start3A_278 : memref<1x16x1024xf32, #tpu.memory_space<vmem>> -> memref<16x1024xf32, #tpu.memory_space<vmem>>
    %dma_start3A_280 = arith.constant 0 : i32
    %dma_start3A_281 = tpu.memref_slice %arg4[%add3A_274, %dma_start3A_280] : memref<16384x1024xf32, #tpu.memory_space<hbm>> -> memref<16x1024xf32, #tpu.memory_space<hbm>>
    %dma_start3A_282 = arith.constant 0 : i32
    %dma_start3A_283 = tpu.memref_slice %arg4[%add3A_274, %dma_start3A_282] : memref<16384x1024xf32, #tpu.memory_space<hbm>> -> memref<16x1024xf32, #tpu.memory_space<hbm>>
    %dma_start3A_284 = arith.constant 0 : i32
    %dma_start3A_285 = arith.constant 0 : i32
    %dma_start3A_286 = tpu.memref_slice %arg6[%dma_start3A_275, %dma_start3A_284, %dma_start3A_285] : memref<5x16x1024xf32, #tpu.memory_space<vmem>> -> memref<1x16x1024xf32, #tpu.memory_space<vmem>>
    %dma_start3A_287 = tpu.memref_squeeze %dma_start3A_286 : memref<1x16x1024xf32, #tpu.memory_space<vmem>> -> memref<16x1024xf32, #tpu.memory_space<vmem>>
    tpu.enqueue_dma source(%dma_start3A_287 : memref<16x1024xf32, #tpu.memory_space<vmem>>) target(%dma_start3A_283 : memref<16x1024xf32, #tpu.memory_space<hbm>>) target_semaphore(%arg8 : memref<!tpu.dma_semaphore, #tpu.memory_space<semaphore_mem>>)
    %dma_wait3A_288 = arith.constant 1 : i32
    %dma_wait3A_289 = arith.constant 0 : i32
    %dma_wait3A_290 = arith.constant 0 : i32
    %dma_wait3A_291 = tpu.memref_slice %arg6[%dma_wait3A_288, %dma_wait3A_289, %dma_wait3A_290] : memref<5x16x1024xf32, #tpu.memory_space<vmem>> -> memref<1x16x1024xf32, #tpu.memory_space<vmem>>
    %dma_wait3A_292 = tpu.memref_squeeze %dma_wait3A_291 : memref<1x16x1024xf32, #tpu.memory_space<vmem>> -> memref<16x1024xf32, #tpu.memory_space<vmem>>
    %dma_wait3A_293 = arith.constant 80 : i32
    %dma_wait3A_294 = tpu.memref_slice %arg5[%dma_wait3A_293] : memref<512xi32, #tpu.memory_space<vmem>> -> memref<16xi32, #tpu.memory_space<vmem>>
    %dma_wait3A_295 = arith.constant 0 : i32
    %dma_wait3A_296 = arith.constant 0 : i32
    %dma_wait3A_297 = tpu.memref_slice %arg3[%dma_wait3A_295, %dma_wait3A_296] : memref<1001x1024xf32, #tpu.memory_space<hbm>> -> memref<1001x1024xf32, #tpu.memory_space<hbm>>
    tpu.wait_indirect_dma semaphore(%arg7 : memref<!tpu.dma_semaphore, #tpu.memory_space<semaphore_mem>>) src(%dma_wait3A_297 : memref<1001x1024xf32, #tpu.memory_space<hbm>>) dst(%dma_wait3A_292 : memref<16x1024xf32, #tpu.memory_space<vmem>>)
    %dma_wait3A_298 = arith.constant 3 : i32
    %dma_wait3A_299 = arith.constant 0 : i32
    %dma_wait3A_300 = arith.constant 0 : i32
    %dma_wait3A_301 = tpu.memref_slice %arg6[%dma_wait3A_298, %dma_wait3A_299, %dma_wait3A_300] : memref<5x16x1024xf32, #tpu.memory_space<vmem>> -> memref<1x16x1024xf32, #tpu.memory_space<vmem>>
    %dma_wait3A_302 = tpu.memref_squeeze %dma_wait3A_301 : memref<1x16x1024xf32, #tpu.memory_space<vmem>> -> memref<16x1024xf32, #tpu.memory_space<vmem>>
    %dma_wait3A_303 = arith.constant 0 : i32
    %dma_wait3A_304 = tpu.memref_slice %arg4[%add3A_226, %dma_wait3A_303] : memref<16384x1024xf32, #tpu.memory_space<hbm>> -> memref<16x1024xf32, #tpu.memory_space<hbm>>
    %dma_wait3A_305 = arith.constant 0 : i32
    %dma_wait3A_306 = tpu.memref_slice %arg4[%add3A_226, %dma_wait3A_305] : memref<16384x1024xf32, #tpu.memory_space<hbm>> -> memref<16x1024xf32, #tpu.memory_space<hbm>>
    %dma_wait3A_307 = arith.constant 0 : i32
    %dma_wait3A_308 = arith.constant 0 : i32
    %dma_wait3A_309 = tpu.memref_slice %arg6[%dma_wait3A_298, %dma_wait3A_307, %dma_wait3A_308] : memref<5x16x1024xf32, #tpu.memory_space<vmem>> -> memref<1x16x1024xf32, #tpu.memory_space<vmem>>
    %dma_wait3A_310 = tpu.memref_squeeze %dma_wait3A_309 : memref<1x16x1024xf32, #tpu.memory_space<vmem>> -> memref<16x1024xf32, #tpu.memory_space<vmem>>
    tpu.wait_dma2 semaphore(%arg8 : memref<!tpu.dma_semaphore, #tpu.memory_space<semaphore_mem>>) src(%dma_wait3A_310 : memref<16x1024xf32, #tpu.memory_space<vmem>>) dst(%dma_wait3A_306 : memref<16x1024xf32, #tpu.memory_space<hbm>>)
    %dma_start3A_311 = arith.constant 3 : i32
    %dma_start3A_312 = arith.constant 0 : i32
    %dma_start3A_313 = arith.constant 0 : i32
    %dma_start3A_314 = tpu.memref_slice %arg6[%dma_start3A_311, %dma_start3A_312, %dma_start3A_313] : memref<5x16x1024xf32, #tpu.memory_space<vmem>> -> memref<1x16x1024xf32, #tpu.memory_space<vmem>>
    %dma_start3A_315 = tpu.memref_squeeze %dma_start3A_314 : memref<1x16x1024xf32, #tpu.memory_space<vmem>> -> memref<16x1024xf32, #tpu.memory_space<vmem>>
    %dma_start3A_316 = arith.constant 112 : i32
    %dma_start3A_317 = tpu.memref_slice %arg5[%dma_start3A_316] : memref<512xi32, #tpu.memory_space<vmem>> -> memref<16xi32, #tpu.memory_space<vmem>>
    %dma_start3A_318 = arith.constant 0 : i32
    %dma_start3A_319 = arith.constant 0 : i32
    %dma_start3A_320 = tpu.memref_slice %arg3[%dma_start3A_318, %dma_start3A_319] : memref<1001x1024xf32, #tpu.memory_space<hbm>> -> memref<1001x1024xf32, #tpu.memory_space<hbm>>
    tpu.enqueue_indirect_dma source(%dma_start3A_320 : memref<1001x1024xf32, #tpu.memory_space<hbm>>) target(%dma_start3A_315 : memref<16x1024xf32, #tpu.memory_space<vmem>>) offsets(%dma_start3A_317 : memref<16xi32, #tpu.memory_space<vmem>>) semaphore(%arg7 : memref<!tpu.dma_semaphore, #tpu.memory_space<semaphore_mem>>)
    %add3A_321 = arith.constant 80 : i32
    %add3A_322 = arith.addi %mul3A_2, %add3A_321 : i32
    %dma_start3A_323 = arith.constant 1 : i32
    %dma_start3A_324 = arith.constant 0 : i32
    %dma_start3A_325 = arith.constant 0 : i32
    %dma_start3A_326 = tpu.memref_slice %arg6[%dma_start3A_323, %dma_start3A_324, %dma_start3A_325] : memref<5x16x1024xf32, #tpu.memory_space<vmem>> -> memref<1x16x1024xf32, #tpu.memory_space<vmem>>
    %dma_start3A_327 = tpu.memref_squeeze %dma_start3A_326 : memref<1x16x1024xf32, #tpu.memory_space<vmem>> -> memref<16x1024xf32, #tpu.memory_space<vmem>>
    %dma_start3A_328 = arith.constant 0 : i32
    %dma_start3A_329 = tpu.memref_slice %arg4[%add3A_322, %dma_start3A_328] : memref<16384x1024xf32, #tpu.memory_space<hbm>> -> memref<16x1024xf32, #tpu.memory_space<hbm>>
    %dma_start3A_330 = arith.constant 0 : i32
    %dma_start3A_331 = tpu.memref_slice %arg4[%add3A_322, %dma_start3A_330] : memref<16384x1024xf32, #tpu.memory_space<hbm>> -> memref<16x1024xf32, #tpu.memory_space<hbm>>
    %dma_start3A_332 = arith.constant 0 : i32
    %dma_start3A_333 = arith.constant 0 : i32
    %dma_start3A_334 = tpu.memref_slice %arg6[%dma_start3A_323, %dma_start3A_332, %dma_start3A_333] : memref<5x16x1024xf32, #tpu.memory_space<vmem>> -> memref<1x16x1024xf32, #tpu.memory_space<vmem>>
    %dma_start3A_335 = tpu.memref_squeeze %dma_start3A_334 : memref<1x16x1024xf32, #tpu.memory_space<vmem>> -> memref<16x1024xf32, #tpu.memory_space<vmem>>
    tpu.enqueue_dma source(%dma_start3A_335 : memref<16x1024xf32, #tpu.memory_space<vmem>>) target(%dma_start3A_331 : memref<16x1024xf32, #tpu.memory_space<hbm>>) target_semaphore(%arg8 : memref<!tpu.dma_semaphore, #tpu.memory_space<semaphore_mem>>)
    %dma_wait3A_336 = arith.constant 2 : i32
    %dma_wait3A_337 = arith.constant 0 : i32
    %dma_wait3A_338 = arith.constant 0 : i32
    %dma_wait3A_339 = tpu.memref_slice %arg6[%dma_wait3A_336, %dma_wait3A_337, %dma_wait3A_338] : memref<5x16x1024xf32, #tpu.memory_space<vmem>> -> memref<1x16x1024xf32, #tpu.memory_space<vmem>>
    %dma_wait3A_340 = tpu.memref_squeeze %dma_wait3A_339 : memref<1x16x1024xf32, #tpu.memory_space<vmem>> -> memref<16x1024xf32, #tpu.memory_space<vmem>>
    %dma_wait3A_341 = arith.constant 96 : i32
    %dma_wait3A_342 = tpu.memref_slice %arg5[%dma_wait3A_341] : memref<512xi32, #tpu.memory_space<vmem>> -> memref<16xi32, #tpu.memory_space<vmem>>
    %dma_wait3A_343 = arith.constant 0 : i32
    %dma_wait3A_344 = arith.constant 0 : i32
    %dma_wait3A_345 = tpu.memref_slice %arg3[%dma_wait3A_343, %dma_wait3A_344] : memref<1001x1024xf32, #tpu.memory_space<hbm>> -> memref<1001x1024xf32, #tpu.memory_space<hbm>>
    tpu.wait_indirect_dma semaphore(%arg7 : memref<!tpu.dma_semaphore, #tpu.memory_space<semaphore_mem>>) src(%dma_wait3A_345 : memref<1001x1024xf32, #tpu.memory_space<hbm>>) dst(%dma_wait3A_340 : memref<16x1024xf32, #tpu.memory_space<vmem>>)
    %dma_wait3A_346 = arith.constant 0 : i32
    %dma_wait3A_347 = arith.constant 0 : i32
    %dma_wait3A_348 = arith.constant 0 : i32
    %dma_wait3A_349 = tpu.memref_slice %arg6[%dma_wait3A_346, %dma_wait3A_347, %dma_wait3A_348] : memref<5x16x1024xf32, #tpu.memory_space<vmem>> -> memref<1x16x1024xf32, #tpu.memory_space<vmem>>
    %dma_wait3A_350 = tpu.memref_squeeze %dma_wait3A_349 : memref<1x16x1024xf32, #tpu.memory_space<vmem>> -> memref<16x1024xf32, #tpu.memory_space<vmem>>
    %dma_wait3A_351 = arith.constant 0 : i32
    %dma_wait3A_352 = tpu.memref_slice %arg4[%add3A_274, %dma_wait3A_351] : memref<16384x1024xf32, #tpu.memory_space<hbm>> -> memref<16x1024xf32, #tpu.memory_space<hbm>>
    %dma_wait3A_353 = arith.constant 0 : i32
    %dma_wait3A_354 = tpu.memref_slice %arg4[%add3A_274, %dma_wait3A_353] : memref<16384x1024xf32, #tpu.memory_space<hbm>> -> memref<16x1024xf32, #tpu.memory_space<hbm>>
    %dma_wait3A_355 = arith.constant 0 : i32
    %dma_wait3A_356 = arith.constant 0 : i32
    %dma_wait3A_357 = tpu.memref_slice %arg6[%dma_wait3A_346, %dma_wait3A_355, %dma_wait3A_356] : memref<5x16x1024xf32, #tpu.memory_space<vmem>> -> memref<1x16x1024xf32, #tpu.memory_space<vmem>>
    %dma_wait3A_358 = tpu.memref_squeeze %dma_wait3A_357 : memref<1x16x1024xf32, #tpu.memory_space<vmem>> -> memref<16x1024xf32, #tpu.memory_space<vmem>>
    tpu.wait_dma2 semaphore(%arg8 : memref<!tpu.dma_semaphore, #tpu.memory_space<semaphore_mem>>) src(%dma_wait3A_358 : memref<16x1024xf32, #tpu.memory_space<vmem>>) dst(%dma_wait3A_354 : memref<16x1024xf32, #tpu.memory_space<hbm>>)
    %dma_start3A_359 = arith.constant 0 : i32
    %dma_start3A_360 = arith.constant 0 : i32
    %dma_start3A_361 = arith.constant 0 : i32
    %dma_start3A_362 = tpu.memref_slice %arg6[%dma_start3A_359, %dma_start3A_360, %dma_start3A_361] : memref<5x16x1024xf32, #tpu.memory_space<vmem>> -> memref<1x16x1024xf32, #tpu.memory_space<vmem>>
    %dma_start3A_363 = tpu.memref_squeeze %dma_start3A_362 : memref<1x16x1024xf32, #tpu.memory_space<vmem>> -> memref<16x1024xf32, #tpu.memory_space<vmem>>
    %dma_start3A_364 = arith.constant 128 : i32
    %dma_start3A_365 = tpu.memref_slice %arg5[%dma_start3A_364] : memref<512xi32, #tpu.memory_space<vmem>> -> memref<16xi32, #tpu.memory_space<vmem>>
    %dma_start3A_366 = arith.constant 0 : i32
    %dma_start3A_367 = arith.constant 0 : i32
    %dma_start3A_368 = tpu.memref_slice %arg3[%dma_start3A_366, %dma_start3A_367] : memref<1001x1024xf32, #tpu.memory_space<hbm>> -> memref<1001x1024xf32, #tpu.memory_space<hbm>>
    tpu.enqueue_indirect_dma source(%dma_start3A_368 : memref<1001x1024xf32, #tpu.memory_space<hbm>>) target(%dma_start3A_363 : memref<16x1024xf32, #tpu.memory_space<vmem>>) offsets(%dma_start3A_365 : memref<16xi32, #tpu.memory_space<vmem>>) semaphore(%arg7 : memref<!tpu.dma_semaphore, #tpu.memory_space<semaphore_mem>>)
    %add3A_369 = arith.constant 96 : i32
    %add3A_370 = arith.addi %mul3A_2, %add3A_369 : i32
    %dma_start3A_371 = arith.constant 2 : i32
    %dma_start3A_372 = arith.constant 0 : i32
    %dma_start3A_373 = arith.constant 0 : i32
    %dma_start3A_374 = tpu.memref_slice %arg6[%dma_start3A_371, %dma_start3A_372, %dma_start3A_373] : memref<5x16x1024xf32, #tpu.memory_space<vmem>> -> memref<1x16x1024xf32, #tpu.memory_space<vmem>>
    %dma_start3A_375 = tpu.memref_squeeze %dma_start3A_374 : memref<1x16x1024xf32, #tpu.memory_space<vmem>> -> memref<16x1024xf32, #tpu.memory_space<vmem>>
    %dma_start3A_376 = arith.constant 0 : i32
    %dma_start3A_377 = tpu.memref_slice %arg4[%add3A_370, %dma_start3A_376] : memref<16384x1024xf32, #tpu.memory_space<hbm>> -> memref<16x1024xf32, #tpu.memory_space<hbm>>
    %dma_start3A_378 = arith.constant 0 : i32
    %dma_start3A_379 = tpu.memref_slice %arg4[%add3A_370, %dma_start3A_378] : memref<16384x1024xf32, #tpu.memory_space<hbm>> -> memref<16x1024xf32, #tpu.memory_space<hbm>>
    %dma_start3A_380 = arith.constant 0 : i32
    %dma_start3A_381 = arith.constant 0 : i32
    %dma_start3A_382 = tpu.memref_slice %arg6[%dma_start3A_371, %dma_start3A_380, %dma_start3A_381] : memref<5x16x1024xf32, #tpu.memory_space<vmem>> -> memref<1x16x1024xf32, #tpu.memory_space<vmem>>
    %dma_start3A_383 = tpu.memref_squeeze %dma_start3A_382 : memref<1x16x1024xf32, #tpu.memory_space<vmem>> -> memref<16x1024xf32, #tpu.memory_space<vmem>>
    tpu.enqueue_dma source(%dma_start3A_383 : memref<16x1024xf32, #tpu.memory_space<vmem>>) target(%dma_start3A_379 : memref<16x1024xf32, #tpu.memory_space<hbm>>) target_semaphore(%arg8 : memref<!tpu.dma_semaphore, #tpu.memory_space<semaphore_mem>>)
    %dma_wait3A_384 = arith.constant 3 : i32
    %dma_wait3A_385 = arith.constant 0 : i32
    %dma_wait3A_386 = arith.constant 0 : i32
    %dma_wait3A_387 = tpu.memref_slice %arg6[%dma_wait3A_384, %dma_wait3A_385, %dma_wait3A_386] : memref<5x16x1024xf32, #tpu.memory_space<vmem>> -> memref<1x16x1024xf32, #tpu.memory_space<vmem>>
    %dma_wait3A_388 = tpu.memref_squeeze %dma_wait3A_387 : memref<1x16x1024xf32, #tpu.memory_space<vmem>> -> memref<16x1024xf32, #tpu.memory_space<vmem>>
    %dma_wait3A_389 = arith.constant 112 : i32
    %dma_wait3A_390 = tpu.memref_slice %arg5[%dma_wait3A_389] : memref<512xi32, #tpu.memory_space<vmem>> -> memref<16xi32, #tpu.memory_space<vmem>>
    %dma_wait3A_391 = arith.constant 0 : i32
    %dma_wait3A_392 = arith.constant 0 : i32
    %dma_wait3A_393 = tpu.memref_slice %arg3[%dma_wait3A_391, %dma_wait3A_392] : memref<1001x1024xf32, #tpu.memory_space<hbm>> -> memref<1001x1024xf32, #tpu.memory_space<hbm>>
    tpu.wait_indirect_dma semaphore(%arg7 : memref<!tpu.dma_semaphore, #tpu.memory_space<semaphore_mem>>) src(%dma_wait3A_393 : memref<1001x1024xf32, #tpu.memory_space<hbm>>) dst(%dma_wait3A_388 : memref<16x1024xf32, #tpu.memory_space<vmem>>)
    %dma_wait3A_394 = arith.constant 1 : i32
    %dma_wait3A_395 = arith.constant 0 : i32
    %dma_wait3A_396 = arith.constant 0 : i32
    %dma_wait3A_397 = tpu.memref_slice %arg6[%dma_wait3A_394, %dma_wait3A_395, %dma_wait3A_396] : memref<5x16x1024xf32, #tpu.memory_space<vmem>> -> memref<1x16x1024xf32, #tpu.memory_space<vmem>>
    %dma_wait3A_398 = tpu.memref_squeeze %dma_wait3A_397 : memref<1x16x1024xf32, #tpu.memory_space<vmem>> -> memref<16x1024xf32, #tpu.memory_space<vmem>>
    %dma_wait3A_399 = arith.constant 0 : i32
    %dma_wait3A_400 = tpu.memref_slice %arg4[%add3A_322, %dma_wait3A_399] : memref<16384x1024xf32, #tpu.memory_space<hbm>> -> memref<16x1024xf32, #tpu.memory_space<hbm>>
    %dma_wait3A_401 = arith.constant 0 : i32
    %dma_wait3A_402 = tpu.memref_slice %arg4[%add3A_322, %dma_wait3A_401] : memref<16384x1024xf32, #tpu.memory_space<hbm>> -> memref<16x1024xf32, #tpu.memory_space<hbm>>
    %dma_wait3A_403 = arith.constant 0 : i32
    %dma_wait3A_404 = arith.constant 0 : i32
    %dma_wait3A_405 = tpu.memref_slice %arg6[%dma_wait3A_394, %dma_wait3A_403, %dma_wait3A_404] : memref<5x16x1024xf32, #tpu.memory_space<vmem>> -> memref<1x16x1024xf32, #tpu.memory_space<vmem>>
    %dma_wait3A_406 = tpu.memref_squeeze %dma_wait3A_405 : memref<1x16x1024xf32, #tpu.memory_space<vmem>> -> memref<16x1024xf32, #tpu.memory_space<vmem>>
    tpu.wait_dma2 semaphore(%arg8 : memref<!tpu.dma_semaphore, #tpu.memory_space<semaphore_mem>>) src(%dma_wait3A_406 : memref<16x1024xf32, #tpu.memory_space<vmem>>) dst(%dma_wait3A_402 : memref<16x1024xf32, #tpu.memory_space<hbm>>)
    %dma_start3A_407 = arith.constant 1 : i32
    %dma_start3A_408 = arith.constant 0 : i32
    %dma_start3A_409 = arith.constant 0 : i32
    %dma_start3A_410 = tpu.memref_slice %arg6[%dma_start3A_407, %dma_start3A_408, %dma_start3A_409] : memref<5x16x1024xf32, #tpu.memory_space<vmem>> -> memref<1x16x1024xf32, #tpu.memory_space<vmem>>
    %dma_start3A_411 = tpu.memref_squeeze %dma_start3A_410 : memref<1x16x1024xf32, #tpu.memory_space<vmem>> -> memref<16x1024xf32, #tpu.memory_space<vmem>>
    %dma_start3A_412 = arith.constant 144 : i32
    %dma_start3A_413 = tpu.memref_slice %arg5[%dma_start3A_412] : memref<512xi32, #tpu.memory_space<vmem>> -> memref<16xi32, #tpu.memory_space<vmem>>
    %dma_start3A_414 = arith.constant 0 : i32
    %dma_start3A_415 = arith.constant 0 : i32
    %dma_start3A_416 = tpu.memref_slice %arg3[%dma_start3A_414, %dma_start3A_415] : memref<1001x1024xf32, #tpu.memory_space<hbm>> -> memref<1001x1024xf32, #tpu.memory_space<hbm>>
    tpu.enqueue_indirect_dma source(%dma_start3A_416 : memref<1001x1024xf32, #tpu.memory_space<hbm>>) target(%dma_start3A_411 : memref<16x1024xf32, #tpu.memory_space<vmem>>) offsets(%dma_start3A_413 : memref<16xi32, #tpu.memory_space<vmem>>) semaphore(%arg7 : memref<!tpu.dma_semaphore, #tpu.memory_space<semaphore_mem>>)
    %add3A_417 = arith.constant 112 : i32
    %add3A_418 = arith.addi %mul3A_2, %add3A_417 : i32
    %dma_start3A_419 = arith.constant 3 : i32
    %dma_start3A_420 = arith.constant 0 : i32
    %dma_start3A_421 = arith.constant 0 : i32
    %dma_start3A_422 = tpu.memref_slice %arg6[%dma_start3A_419, %dma_start3A_420, %dma_start3A_421] : memref<5x16x1024xf32, #tpu.memory_space<vmem>> -> memref<1x16x1024xf32, #tpu.memory_space<vmem>>
    %dma_start3A_423 = tpu.memref_squeeze %dma_start3A_422 : memref<1x16x1024xf32, #tpu.memory_space<vmem>> -> memref<16x1024xf32, #tpu.memory_space<vmem>>
    %dma_start3A_424 = arith.constant 0 : i32
    %dma_start3A_425 = tpu.memref_slice %arg4[%add3A_418, %dma_start3A_424] : memref<16384x1024xf32, #tpu.memory_space<hbm>> -> memref<16x1024xf32, #tpu.memory_space<hbm>>
    %dma_start3A_426 = arith.constant 0 : i32
    %dma_start3A_427 = tpu.memref_slice %arg4[%add3A_418, %dma_start3A_426] : memref<16384x1024xf32, #tpu.memory_space<hbm>> -> memref<16x1024xf32, #tpu.memory_space<hbm>>
    %dma_start3A_428 = arith.constant 0 : i32
    %dma_start3A_429 = arith.constant 0 : i32
    %dma_start3A_430 = tpu.memref_slice %arg6[%dma_start3A_419, %dma_start3A_428, %dma_start3A_429] : memref<5x16x1024xf32, #tpu.memory_space<vmem>> -> memref<1x16x1024xf32, #tpu.memory_space<vmem>>
    %dma_start3A_431 = tpu.memref_squeeze %dma_start3A_430 : memref<1x16x1024xf32, #tpu.memory_space<vmem>> -> memref<16x1024xf32, #tpu.memory_space<vmem>>
    tpu.enqueue_dma source(%dma_start3A_431 : memref<16x1024xf32, #tpu.memory_space<vmem>>) target(%dma_start3A_427 : memref<16x1024xf32, #tpu.memory_space<hbm>>) target_semaphore(%arg8 : memref<!tpu.dma_semaphore, #tpu.memory_space<semaphore_mem>>)
    %dma_wait3A_432 = arith.constant 0 : i32
    %dma_wait3A_433 = arith.constant 0 : i32
    %dma_wait3A_434 = arith.constant 0 : i32
    %dma_wait3A_435 = tpu.memref_slice %arg6[%dma_wait3A_432, %dma_wait3A_433, %dma_wait3A_434] : memref<5x16x1024xf32, #tpu.memory_space<vmem>> -> memref<1x16x1024xf32, #tpu.memory_space<vmem>>
    %dma_wait3A_436 = tpu.memref_squeeze %dma_wait3A_435 : memref<1x16x1024xf32, #tpu.memory_space<vmem>> -> memref<16x1024xf32, #tpu.memory_space<vmem>>
    %dma_wait3A_437 = arith.constant 128 : i32
    %dma_wait3A_438 = tpu.memref_slice %arg5[%dma_wait3A_437] : memref<512xi32, #tpu.memory_space<vmem>> -> memref<16xi32, #tpu.memory_space<vmem>>
    %dma_wait3A_439 = arith.constant 0 : i32
    %dma_wait3A_440 = arith.constant 0 : i32
    %dma_wait3A_441 = tpu.memref_slice %arg3[%dma_wait3A_439, %dma_wait3A_440] : memref<1001x1024xf32, #tpu.memory_space<hbm>> -> memref<1001x1024xf32, #tpu.memory_space<hbm>>
    tpu.wait_indirect_dma semaphore(%arg7 : memref<!tpu.dma_semaphore, #tpu.memory_space<semaphore_mem>>) src(%dma_wait3A_441 : memref<1001x1024xf32, #tpu.memory_space<hbm>>) dst(%dma_wait3A_436 : memref<16x1024xf32, #tpu.memory_space<vmem>>)
    %dma_wait3A_442 = arith.constant 2 : i32
    %dma_wait3A_443 = arith.constant 0 : i32
    %dma_wait3A_444 = arith.constant 0 : i32
    %dma_wait3A_445 = tpu.memref_slice %arg6[%dma_wait3A_442, %dma_wait3A_443, %dma_wait3A_444] : memref<5x16x1024xf32, #tpu.memory_space<vmem>> -> memref<1x16x1024xf32, #tpu.memory_space<vmem>>
    %dma_wait3A_446 = tpu.memref_squeeze %dma_wait3A_445 : memref<1x16x1024xf32, #tpu.memory_space<vmem>> -> memref<16x1024xf32, #tpu.memory_space<vmem>>
    %dma_wait3A_447 = arith.constant 0 : i32
    %dma_wait3A_448 = tpu.memref_slice %arg4[%add3A_370, %dma_wait3A_447] : memref<16384x1024xf32, #tpu.memory_space<hbm>> -> memref<16x1024xf32, #tpu.memory_space<hbm>>
    %dma_wait3A_449 = arith.constant 0 : i32
    %dma_wait3A_450 = tpu.memref_slice %arg4[%add3A_370, %dma_wait3A_449] : memref<16384x1024xf32, #tpu.memory_space<hbm>> -> memref<16x1024xf32, #tpu.memory_space<hbm>>
    %dma_wait3A_451 = arith.constant 0 : i32
    %dma_wait3A_452 = arith.constant 0 : i32
    %dma_wait3A_453 = tpu.memref_slice %arg6[%dma_wait3A_442, %dma_wait3A_451, %dma_wait3A_452] : memref<5x16x1024xf32, #tpu.memory_space<vmem>> -> memref<1x16x1024xf32, #tpu.memory_space<vmem>>
    %dma_wait3A_454 = tpu.memref_squeeze %dma_wait3A_453 : memref<1x16x1024xf32, #tpu.memory_space<vmem>> -> memref<16x1024xf32, #tpu.memory_space<vmem>>
    tpu.wait_dma2 semaphore(%arg8 : memref<!tpu.dma_semaphore, #tpu.memory_space<semaphore_mem>>) src(%dma_wait3A_454 : memref<16x1024xf32, #tpu.memory_space<vmem>>) dst(%dma_wait3A_450 : memref<16x1024xf32, #tpu.memory_space<hbm>>)
    %dma_start3A_455 = arith.constant 2 : i32
    %dma_start3A_456 = arith.constant 0 : i32
    %dma_start3A_457 = arith.constant 0 : i32
    %dma_start3A_458 = tpu.memref_slice %arg6[%dma_start3A_455, %dma_start3A_456, %dma_start3A_457] : memref<5x16x1024xf32, #tpu.memory_space<vmem>> -> memref<1x16x1024xf32, #tpu.memory_space<vmem>>
    %dma_start3A_459 = tpu.memref_squeeze %dma_start3A_458 : memref<1x16x1024xf32, #tpu.memory_space<vmem>> -> memref<16x1024xf32, #tpu.memory_space<vmem>>
    %dma_start3A_460 = arith.constant 160 : i32
    %dma_start3A_461 = tpu.memref_slice %arg5[%dma_start3A_460] : memref<512xi32, #tpu.memory_space<vmem>> -> memref<16xi32, #tpu.memory_space<vmem>>
    %dma_start3A_462 = arith.constant 0 : i32
    %dma_start3A_463 = arith.constant 0 : i32
    %dma_start3A_464 = tpu.memref_slice %arg3[%dma_start3A_462, %dma_start3A_463] : memref<1001x1024xf32, #tpu.memory_space<hbm>> -> memref<1001x1024xf32, #tpu.memory_space<hbm>>
    tpu.enqueue_indirect_dma source(%dma_start3A_464 : memref<1001x1024xf32, #tpu.memory_space<hbm>>) target(%dma_start3A_459 : memref<16x1024xf32, #tpu.memory_space<vmem>>) offsets(%dma_start3A_461 : memref<16xi32, #tpu.memory_space<vmem>>) semaphore(%arg7 : memref<!tpu.dma_semaphore, #tpu.memory_space<semaphore_mem>>)
    %add3A_465 = arith.constant 128 : i32
    %add3A_466 = arith.addi %mul3A_2, %add3A_465 : i32
    %dma_start3A_467 = arith.constant 0 : i32
    %dma_start3A_468 = arith.constant 0 : i32
    %dma_start3A_469 = arith.constant 0 : i32
    %dma_start3A_470 = tpu.memref_slice %arg6[%dma_start3A_467, %dma_start3A_468, %dma_start3A_469] : memref<5x16x1024xf32, #tpu.memory_space<vmem>> -> memref<1x16x1024xf32, #tpu.memory_space<vmem>>
    %dma_start3A_471 = tpu.memref_squeeze %dma_start3A_470 : memref<1x16x1024xf32, #tpu.memory_space<vmem>> -> memref<16x1024xf32, #tpu.memory_space<vmem>>
    %dma_start3A_472 = arith.constant 0 : i32
    %dma_start3A_473 = tpu.memref_slice %arg4[%add3A_466, %dma_start3A_472] : memref<16384x1024xf32, #tpu.memory_space<hbm>> -> memref<16x1024xf32, #tpu.memory_space<hbm>>
    %dma_start3A_474 = arith.constant 0 : i32
    %dma_start3A_475 = tpu.memref_slice %arg4[%add3A_466, %dma_start3A_474] : memref<16384x1024xf32, #tpu.memory_space<hbm>> -> memref<16x1024xf32, #tpu.memory_space<hbm>>
    %dma_start3A_476 = arith.constant 0 : i32
    %dma_start3A_477 = arith.constant 0 : i32
    %dma_start3A_478 = tpu.memref_slice %arg6[%dma_start3A_467, %dma_start3A_476, %dma_start3A_477] : memref<5x16x1024xf32, #tpu.memory_space<vmem>> -> memref<1x16x1024xf32, #tpu.memory_space<vmem>>
    %dma_start3A_479 = tpu.memref_squeeze %dma_start3A_478 : memref<1x16x1024xf32, #tpu.memory_space<vmem>> -> memref<16x1024xf32, #tpu.memory_space<vmem>>
    tpu.enqueue_dma source(%dma_start3A_479 : memref<16x1024xf32, #tpu.memory_space<vmem>>) target(%dma_start3A_475 : memref<16x1024xf32, #tpu.memory_space<hbm>>) target_semaphore(%arg8 : memref<!tpu.dma_semaphore, #tpu.memory_space<semaphore_mem>>)
    %dma_wait3A_480 = arith.constant 1 : i32
    %dma_wait3A_481 = arith.constant 0 : i32
    %dma_wait3A_482 = arith.constant 0 : i32
    %dma_wait3A_483 = tpu.memref_slice %arg6[%dma_wait3A_480, %dma_wait3A_481, %dma_wait3A_482] : memref<5x16x1024xf32, #tpu.memory_space<vmem>> -> memref<1x16x1024xf32, #tpu.memory_space<vmem>>
    %dma_wait3A_484 = tpu.memref_squeeze %dma_wait3A_483 : memref<1x16x1024xf32, #tpu.memory_space<vmem>> -> memref<16x1024xf32, #tpu.memory_space<vmem>>
    %dma_wait3A_485 = arith.constant 144 : i32
    %dma_wait3A_486 = tpu.memref_slice %arg5[%dma_wait3A_485] : memref<512xi32, #tpu.memory_space<vmem>> -> memref<16xi32, #tpu.memory_space<vmem>>
    %dma_wait3A_487 = arith.constant 0 : i32
    %dma_wait3A_488 = arith.constant 0 : i32
    %dma_wait3A_489 = tpu.memref_slice %arg3[%dma_wait3A_487, %dma_wait3A_488] : memref<1001x1024xf32, #tpu.memory_space<hbm>> -> memref<1001x1024xf32, #tpu.memory_space<hbm>>
    tpu.wait_indirect_dma semaphore(%arg7 : memref<!tpu.dma_semaphore, #tpu.memory_space<semaphore_mem>>) src(%dma_wait3A_489 : memref<1001x1024xf32, #tpu.memory_space<hbm>>) dst(%dma_wait3A_484 : memref<16x1024xf32, #tpu.memory_space<vmem>>)
    %dma_wait3A_490 = arith.constant 3 : i32
    %dma_wait3A_491 = arith.constant 0 : i32
    %dma_wait3A_492 = arith.constant 0 : i32
    %dma_wait3A_493 = tpu.memref_slice %arg6[%dma_wait3A_490, %dma_wait3A_491, %dma_wait3A_492] : memref<5x16x1024xf32, #tpu.memory_space<vmem>> -> memref<1x16x1024xf32, #tpu.memory_space<vmem>>
    %dma_wait3A_494 = tpu.memref_squeeze %dma_wait3A_493 : memref<1x16x1024xf32, #tpu.memory_space<vmem>> -> memref<16x1024xf32, #tpu.memory_space<vmem>>
    %dma_wait3A_495 = arith.constant 0 : i32
    %dma_wait3A_496 = tpu.memref_slice %arg4[%add3A_418, %dma_wait3A_495] : memref<16384x1024xf32, #tpu.memory_space<hbm>> -> memref<16x1024xf32, #tpu.memory_space<hbm>>
    %dma_wait3A_497 = arith.constant 0 : i32
    %dma_wait3A_498 = tpu.memref_slice %arg4[%add3A_418, %dma_wait3A_497] : memref<16384x1024xf32, #tpu.memory_space<hbm>> -> memref<16x1024xf32, #tpu.memory_space<hbm>>
    %dma_wait3A_499 = arith.constant 0 : i32
    %dma_wait3A_500 = arith.constant 0 : i32
    %dma_wait3A_501 = tpu.memref_slice %arg6[%dma_wait3A_490, %dma_wait3A_499, %dma_wait3A_500] : memref<5x16x1024xf32, #tpu.memory_space<vmem>> -> memref<1x16x1024xf32, #tpu.memory_space<vmem>>
    %dma_wait3A_502 = tpu.memref_squeeze %dma_wait3A_501 : memref<1x16x1024xf32, #tpu.memory_space<vmem>> -> memref<16x1024xf32, #tpu.memory_space<vmem>>
    tpu.wait_dma2 semaphore(%arg8 : memref<!tpu.dma_semaphore, #tpu.memory_space<semaphore_mem>>) src(%dma_wait3A_502 : memref<16x1024xf32, #tpu.memory_space<vmem>>) dst(%dma_wait3A_498 : memref<16x1024xf32, #tpu.memory_space<hbm>>)
    %dma_start3A_503 = arith.constant 3 : i32
    %dma_start3A_504 = arith.constant 0 : i32
    %dma_start3A_505 = arith.constant 0 : i32
    %dma_start3A_506 = tpu.memref_slice %arg6[%dma_start3A_503, %dma_start3A_504, %dma_start3A_505] : memref<5x16x1024xf32, #tpu.memory_space<vmem>> -> memref<1x16x1024xf32, #tpu.memory_space<vmem>>
    %dma_start3A_507 = tpu.memref_squeeze %dma_start3A_506 : memref<1x16x1024xf32, #tpu.memory_space<vmem>> -> memref<16x1024xf32, #tpu.memory_space<vmem>>
    %dma_start3A_508 = arith.constant 176 : i32
    %dma_start3A_509 = tpu.memref_slice %arg5[%dma_start3A_508] : memref<512xi32, #tpu.memory_space<vmem>> -> memref<16xi32, #tpu.memory_space<vmem>>
    %dma_start3A_510 = arith.constant 0 : i32
    %dma_start3A_511 = arith.constant 0 : i32
    %dma_start3A_512 = tpu.memref_slice %arg3[%dma_start3A_510, %dma_start3A_511] : memref<1001x1024xf32, #tpu.memory_space<hbm>> -> memref<1001x1024xf32, #tpu.memory_space<hbm>>
    tpu.enqueue_indirect_dma source(%dma_start3A_512 : memref<1001x1024xf32, #tpu.memory_space<hbm>>) target(%dma_start3A_507 : memref<16x1024xf32, #tpu.memory_space<vmem>>) offsets(%dma_start3A_509 : memref<16xi32, #tpu.memory_space<vmem>>) semaphore(%arg7 : memref<!tpu.dma_semaphore, #tpu.memory_space<semaphore_mem>>)
    %add3A_513 = arith.constant 144 : i32
    %add3A_514 = arith.addi %mul3A_2, %add3A_513 : i32
    %dma_start3A_515 = arith.constant 1 : i32
    %dma_start3A_516 = arith.constant 0 : i32
    %dma_start3A_517 = arith.constant 0 : i32
    %dma_start3A_518 = tpu.memref_slice %arg6[%dma_start3A_515, %dma_start3A_516, %dma_start3A_517] : memref<5x16x1024xf32, #tpu.memory_space<vmem>> -> memref<1x16x1024xf32, #tpu.memory_space<vmem>>
    %dma_start3A_519 = tpu.memref_squeeze %dma_start3A_518 : memref<1x16x1024xf32, #tpu.memory_space<vmem>> -> memref<16x1024xf32, #tpu.memory_space<vmem>>
    %dma_start3A_520 = arith.constant 0 : i32
    %dma_start3A_521 = tpu.memref_slice %arg4[%add3A_514, %dma_start3A_520] : memref<16384x1024xf32, #tpu.memory_space<hbm>> -> memref<16x1024xf32, #tpu.memory_space<hbm>>
    %dma_start3A_522 = arith.constant 0 : i32
    %dma_start3A_523 = tpu.memref_slice %arg4[%add3A_514, %dma_start3A_522] : memref<16384x1024xf32, #tpu.memory_space<hbm>> -> memref<16x1024xf32, #tpu.memory_space<hbm>>
    %dma_start3A_524 = arith.constant 0 : i32
    %dma_start3A_525 = arith.constant 0 : i32
    %dma_start3A_526 = tpu.memref_slice %arg6[%dma_start3A_515, %dma_start3A_524, %dma_start3A_525] : memref<5x16x1024xf32, #tpu.memory_space<vmem>> -> memref<1x16x1024xf32, #tpu.memory_space<vmem>>
    %dma_start3A_527 = tpu.memref_squeeze %dma_start3A_526 : memref<1x16x1024xf32, #tpu.memory_space<vmem>> -> memref<16x1024xf32, #tpu.memory_space<vmem>>
    tpu.enqueue_dma source(%dma_start3A_527 : memref<16x1024xf32, #tpu.memory_space<vmem>>) target(%dma_start3A_523 : memref<16x1024xf32, #tpu.memory_space<hbm>>) target_semaphore(%arg8 : memref<!tpu.dma_semaphore, #tpu.memory_space<semaphore_mem>>)
    %dma_wait3A_528 = arith.constant 2 : i32
    %dma_wait3A_529 = arith.constant 0 : i32
    %dma_wait3A_530 = arith.constant 0 : i32
    %dma_wait3A_531 = tpu.memref_slice %arg6[%dma_wait3A_528, %dma_wait3A_529, %dma_wait3A_530] : memref<5x16x1024xf32, #tpu.memory_space<vmem>> -> memref<1x16x1024xf32, #tpu.memory_space<vmem>>
    %dma_wait3A_532 = tpu.memref_squeeze %dma_wait3A_531 : memref<1x16x1024xf32, #tpu.memory_space<vmem>> -> memref<16x1024xf32, #tpu.memory_space<vmem>>
    %dma_wait3A_533 = arith.constant 160 : i32
    %dma_wait3A_534 = tpu.memref_slice %arg5[%dma_wait3A_533] : memref<512xi32, #tpu.memory_space<vmem>> -> memref<16xi32, #tpu.memory_space<vmem>>
    %dma_wait3A_535 = arith.constant 0 : i32
    %dma_wait3A_536 = arith.constant 0 : i32
    %dma_wait3A_537 = tpu.memref_slice %arg3[%dma_wait3A_535, %dma_wait3A_536] : memref<1001x1024xf32, #tpu.memory_space<hbm>> -> memref<1001x1024xf32, #tpu.memory_space<hbm>>
    tpu.wait_indirect_dma semaphore(%arg7 : memref<!tpu.dma_semaphore, #tpu.memory_space<semaphore_mem>>) src(%dma_wait3A_537 : memref<1001x1024xf32, #tpu.memory_space<hbm>>) dst(%dma_wait3A_532 : memref<16x1024xf32, #tpu.memory_space<vmem>>)
    %dma_wait3A_538 = arith.constant 0 : i32
    %dma_wait3A_539 = arith.constant 0 : i32
    %dma_wait3A_540 = arith.constant 0 : i32
    %dma_wait3A_541 = tpu.memref_slice %arg6[%dma_wait3A_538, %dma_wait3A_539, %dma_wait3A_540] : memref<5x16x1024xf32, #tpu.memory_space<vmem>> -> memref<1x16x1024xf32, #tpu.memory_space<vmem>>
    %dma_wait3A_542 = tpu.memref_squeeze %dma_wait3A_541 : memref<1x16x1024xf32, #tpu.memory_space<vmem>> -> memref<16x1024xf32, #tpu.memory_space<vmem>>
    %dma_wait3A_543 = arith.constant 0 : i32
    %dma_wait3A_544 = tpu.memref_slice %arg4[%add3A_466, %dma_wait3A_543] : memref<16384x1024xf32, #tpu.memory_space<hbm>> -> memref<16x1024xf32, #tpu.memory_space<hbm>>
    %dma_wait3A_545 = arith.constant 0 : i32
    %dma_wait3A_546 = tpu.memref_slice %arg4[%add3A_466, %dma_wait3A_545] : memref<16384x1024xf32, #tpu.memory_space<hbm>> -> memref<16x1024xf32, #tpu.memory_space<hbm>>
    %dma_wait3A_547 = arith.constant 0 : i32
    %dma_wait3A_548 = arith.constant 0 : i32
    %dma_wait3A_549 = tpu.memref_slice %arg6[%dma_wait3A_538, %dma_wait3A_547, %dma_wait3A_548] : memref<5x16x1024xf32, #tpu.memory_space<vmem>> -> memref<1x16x1024xf32, #tpu.memory_space<vmem>>
    %dma_wait3A_550 = tpu.memref_squeeze %dma_wait3A_549 : memref<1x16x1024xf32, #tpu.memory_space<vmem>> -> memref<16x1024xf32, #tpu.memory_space<vmem>>
    tpu.wait_dma2 semaphore(%arg8 : memref<!tpu.dma_semaphore, #tpu.memory_space<semaphore_mem>>) src(%dma_wait3A_550 : memref<16x1024xf32, #tpu.memory_space<vmem>>) dst(%dma_wait3A_546 : memref<16x1024xf32, #tpu.memory_space<hbm>>)
    %dma_start3A_551 = arith.constant 0 : i32
    %dma_start3A_552 = arith.constant 0 : i32
    %dma_start3A_553 = arith.constant 0 : i32
    %dma_start3A_554 = tpu.memref_slice %arg6[%dma_start3A_551, %dma_start3A_552, %dma_start3A_553] : memref<5x16x1024xf32, #tpu.memory_space<vmem>> -> memref<1x16x1024xf32, #tpu.memory_space<vmem>>
    %dma_start3A_555 = tpu.memref_squeeze %dma_start3A_554 : memref<1x16x1024xf32, #tpu.memory_space<vmem>> -> memref<16x1024xf32, #tpu.memory_space<vmem>>
    %dma_start3A_556 = arith.constant 192 : i32
    %dma_start3A_557 = tpu.memref_slice %arg5[%dma_start3A_556] : memref<512xi32, #tpu.memory_space<vmem>> -> memref<16xi32, #tpu.memory_space<vmem>>
    %dma_start3A_558 = arith.constant 0 : i32
    %dma_start3A_559 = arith.constant 0 : i32
    %dma_start3A_560 = tpu.memref_slice %arg3[%dma_start3A_558, %dma_start3A_559] : memref<1001x1024xf32, #tpu.memory_space<hbm>> -> memref<1001x1024xf32, #tpu.memory_space<hbm>>
    tpu.enqueue_indirect_dma source(%dma_start3A_560 : memref<1001x1024xf32, #tpu.memory_space<hbm>>) target(%dma_start3A_555 : memref<16x1024xf32, #tpu.memory_space<vmem>>) offsets(%dma_start3A_557 : memref<16xi32, #tpu.memory_space<vmem>>) semaphore(%arg7 : memref<!tpu.dma_semaphore, #tpu.memory_space<semaphore_mem>>)
    %add3A_561 = arith.constant 160 : i32
    %add3A_562 = arith.addi %mul3A_2, %add3A_561 : i32
    %dma_start3A_563 = arith.constant 2 : i32
    %dma_start3A_564 = arith.constant 0 : i32
    %dma_start3A_565 = arith.constant 0 : i32
    %dma_start3A_566 = tpu.memref_slice %arg6[%dma_start3A_563, %dma_start3A_564, %dma_start3A_565] : memref<5x16x1024xf32, #tpu.memory_space<vmem>> -> memref<1x16x1024xf32, #tpu.memory_space<vmem>>
    %dma_start3A_567 = tpu.memref_squeeze %dma_start3A_566 : memref<1x16x1024xf32, #tpu.memory_space<vmem>> -> memref<16x1024xf32, #tpu.memory_space<vmem>>
    %dma_start3A_568 = arith.constant 0 : i32
    %dma_start3A_569 = tpu.memref_slice %arg4[%add3A_562, %dma_start3A_568] : memref<16384x1024xf32, #tpu.memory_space<hbm>> -> memref<16x1024xf32, #tpu.memory_space<hbm>>
    %dma_start3A_570 = arith.constant 0 : i32
    %dma_start3A_571 = tpu.memref_slice %arg4[%add3A_562, %dma_start3A_570] : memref<16384x1024xf32, #tpu.memory_space<hbm>> -> memref<16x1024xf32, #tpu.memory_space<hbm>>
    %dma_start3A_572 = arith.constant 0 : i32
    %dma_start3A_573 = arith.constant 0 : i32
    %dma_start3A_574 = tpu.memref_slice %arg6[%dma_start3A_563, %dma_start3A_572, %dma_start3A_573] : memref<5x16x1024xf32, #tpu.memory_space<vmem>> -> memref<1x16x1024xf32, #tpu.memory_space<vmem>>
    %dma_start3A_575 = tpu.memref_squeeze %dma_start3A_574 : memref<1x16x1024xf32, #tpu.memory_space<vmem>> -> memref<16x1024xf32, #tpu.memory_space<vmem>>
    tpu.enqueue_dma source(%dma_start3A_575 : memref<16x1024xf32, #tpu.memory_space<vmem>>) target(%dma_start3A_571 : memref<16x1024xf32, #tpu.memory_space<hbm>>) target_semaphore(%arg8 : memref<!tpu.dma_semaphore, #tpu.memory_space<semaphore_mem>>)
    %dma_wait3A_576 = arith.constant 3 : i32
    %dma_wait3A_577 = arith.constant 0 : i32
    %dma_wait3A_578 = arith.constant 0 : i32
    %dma_wait3A_579 = tpu.memref_slice %arg6[%dma_wait3A_576, %dma_wait3A_577, %dma_wait3A_578] : memref<5x16x1024xf32, #tpu.memory_space<vmem>> -> memref<1x16x1024xf32, #tpu.memory_space<vmem>>
    %dma_wait3A_580 = tpu.memref_squeeze %dma_wait3A_579 : memref<1x16x1024xf32, #tpu.memory_space<vmem>> -> memref<16x1024xf32, #tpu.memory_space<vmem>>
    %dma_wait3A_581 = arith.constant 176 : i32
    %dma_wait3A_582 = tpu.memref_slice %arg5[%dma_wait3A_581] : memref<512xi32, #tpu.memory_space<vmem>> -> memref<16xi32, #tpu.memory_space<vmem>>
    %dma_wait3A_583 = arith.constant 0 : i32
    %dma_wait3A_584 = arith.constant 0 : i32
    %dma_wait3A_585 = tpu.memref_slice %arg3[%dma_wait3A_583, %dma_wait3A_584] : memref<1001x1024xf32, #tpu.memory_space<hbm>> -> memref<1001x1024xf32, #tpu.memory_space<hbm>>
    tpu.wait_indirect_dma semaphore(%arg7 : memref<!tpu.dma_semaphore, #tpu.memory_space<semaphore_mem>>) src(%dma_wait3A_585 : memref<1001x1024xf32, #tpu.memory_space<hbm>>) dst(%dma_wait3A_580 : memref<16x1024xf32, #tpu.memory_space<vmem>>)
    %dma_wait3A_586 = arith.constant 1 : i32
    %dma_wait3A_587 = arith.constant 0 : i32
    %dma_wait3A_588 = arith.constant 0 : i32
    %dma_wait3A_589 = tpu.memref_slice %arg6[%dma_wait3A_586, %dma_wait3A_587, %dma_wait3A_588] : memref<5x16x1024xf32, #tpu.memory_space<vmem>> -> memref<1x16x1024xf32, #tpu.memory_space<vmem>>
    %dma_wait3A_590 = tpu.memref_squeeze %dma_wait3A_589 : memref<1x16x1024xf32, #tpu.memory_space<vmem>> -> memref<16x1024xf32, #tpu.memory_space<vmem>>
    %dma_wait3A_591 = arith.constant 0 : i32
    %dma_wait3A_592 = tpu.memref_slice %arg4[%add3A_514, %dma_wait3A_591] : memref<16384x1024xf32, #tpu.memory_space<hbm>> -> memref<16x1024xf32, #tpu.memory_space<hbm>>
    %dma_wait3A_593 = arith.constant 0 : i32
    %dma_wait3A_594 = tpu.memref_slice %arg4[%add3A_514, %dma_wait3A_593] : memref<16384x1024xf32, #tpu.memory_space<hbm>> -> memref<16x1024xf32, #tpu.memory_space<hbm>>
    %dma_wait3A_595 = arith.constant 0 : i32
    %dma_wait3A_596 = arith.constant 0 : i32
    %dma_wait3A_597 = tpu.memref_slice %arg6[%dma_wait3A_586, %dma_wait3A_595, %dma_wait3A_596] : memref<5x16x1024xf32, #tpu.memory_space<vmem>> -> memref<1x16x1024xf32, #tpu.memory_space<vmem>>
    %dma_wait3A_598 = tpu.memref_squeeze %dma_wait3A_597 : memref<1x16x1024xf32, #tpu.memory_space<vmem>> -> memref<16x1024xf32, #tpu.memory_space<vmem>>
    tpu.wait_dma2 semaphore(%arg8 : memref<!tpu.dma_semaphore, #tpu.memory_space<semaphore_mem>>) src(%dma_wait3A_598 : memref<16x1024xf32, #tpu.memory_space<vmem>>) dst(%dma_wait3A_594 : memref<16x1024xf32, #tpu.memory_space<hbm>>)
    %dma_start3A_599 = arith.constant 1 : i32
    %dma_start3A_600 = arith.constant 0 : i32
    %dma_start3A_601 = arith.constant 0 : i32
    %dma_start3A_602 = tpu.memref_slice %arg6[%dma_start3A_599, %dma_start3A_600, %dma_start3A_601] : memref<5x16x1024xf32, #tpu.memory_space<vmem>> -> memref<1x16x1024xf32, #tpu.memory_space<vmem>>
    %dma_start3A_603 = tpu.memref_squeeze %dma_start3A_602 : memref<1x16x1024xf32, #tpu.memory_space<vmem>> -> memref<16x1024xf32, #tpu.memory_space<vmem>>
    %dma_start3A_604 = arith.constant 208 : i32
    %dma_start3A_605 = tpu.memref_slice %arg5[%dma_start3A_604] : memref<512xi32, #tpu.memory_space<vmem>> -> memref<16xi32, #tpu.memory_space<vmem>>
    %dma_start3A_606 = arith.constant 0 : i32
    %dma_start3A_607 = arith.constant 0 : i32
    %dma_start3A_608 = tpu.memref_slice %arg3[%dma_start3A_606, %dma_start3A_607] : memref<1001x1024xf32, #tpu.memory_space<hbm>> -> memref<1001x1024xf32, #tpu.memory_space<hbm>>
    tpu.enqueue_indirect_dma source(%dma_start3A_608 : memref<1001x1024xf32, #tpu.memory_space<hbm>>) target(%dma_start3A_603 : memref<16x1024xf32, #tpu.memory_space<vmem>>) offsets(%dma_start3A_605 : memref<16xi32, #tpu.memory_space<vmem>>) semaphore(%arg7 : memref<!tpu.dma_semaphore, #tpu.memory_space<semaphore_mem>>)
    %add3A_609 = arith.constant 176 : i32
    %add3A_610 = arith.addi %mul3A_2, %add3A_609 : i32
    %dma_start3A_611 = arith.constant 3 : i32
    %dma_start3A_612 = arith.constant 0 : i32
    %dma_start3A_613 = arith.constant 0 : i32
    %dma_start3A_614 = tpu.memref_slice %arg6[%dma_start3A_611, %dma_start3A_612, %dma_start3A_613] : memref<5x16x1024xf32, #tpu.memory_space<vmem>> -> memref<1x16x1024xf32, #tpu.memory_space<vmem>>
    %dma_start3A_615 = tpu.memref_squeeze %dma_start3A_614 : memref<1x16x1024xf32, #tpu.memory_space<vmem>> -> memref<16x1024xf32, #tpu.memory_space<vmem>>
    %dma_start3A_616 = arith.constant 0 : i32
    %dma_start3A_617 = tpu.memref_slice %arg4[%add3A_610, %dma_start3A_616] : memref<16384x1024xf32, #tpu.memory_space<hbm>> -> memref<16x1024xf32, #tpu.memory_space<hbm>>
    %dma_start3A_618 = arith.constant 0 : i32
    %dma_start3A_619 = tpu.memref_slice %arg4[%add3A_610, %dma_start3A_618] : memref<16384x1024xf32, #tpu.memory_space<hbm>> -> memref<16x1024xf32, #tpu.memory_space<hbm>>
    %dma_start3A_620 = arith.constant 0 : i32
    %dma_start3A_621 = arith.constant 0 : i32
    %dma_start3A_622 = tpu.memref_slice %arg6[%dma_start3A_611, %dma_start3A_620, %dma_start3A_621] : memref<5x16x1024xf32, #tpu.memory_space<vmem>> -> memref<1x16x1024xf32, #tpu.memory_space<vmem>>
    %dma_start3A_623 = tpu.memref_squeeze %dma_start3A_622 : memref<1x16x1024xf32, #tpu.memory_space<vmem>> -> memref<16x1024xf32, #tpu.memory_space<vmem>>
    tpu.enqueue_dma source(%dma_start3A_623 : memref<16x1024xf32, #tpu.memory_space<vmem>>) target(%dma_start3A_619 : memref<16x1024xf32, #tpu.memory_space<hbm>>) target_semaphore(%arg8 : memref<!tpu.dma_semaphore, #tpu.memory_space<semaphore_mem>>)
    %dma_wait3A_624 = arith.constant 0 : i32
    %dma_wait3A_625 = arith.constant 0 : i32
    %dma_wait3A_626 = arith.constant 0 : i32
    %dma_wait3A_627 = tpu.memref_slice %arg6[%dma_wait3A_624, %dma_wait3A_625, %dma_wait3A_626] : memref<5x16x1024xf32, #tpu.memory_space<vmem>> -> memref<1x16x1024xf32, #tpu.memory_space<vmem>>
    %dma_wait3A_628 = tpu.memref_squeeze %dma_wait3A_627 : memref<1x16x1024xf32, #tpu.memory_space<vmem>> -> memref<16x1024xf32, #tpu.memory_space<vmem>>
    %dma_wait3A_629 = arith.constant 192 : i32
    %dma_wait3A_630 = tpu.memref_slice %arg5[%dma_wait3A_629] : memref<512xi32, #tpu.memory_space<vmem>> -> memref<16xi32, #tpu.memory_space<vmem>>
    %dma_wait3A_631 = arith.constant 0 : i32
    %dma_wait3A_632 = arith.constant 0 : i32
    %dma_wait3A_633 = tpu.memref_slice %arg3[%dma_wait3A_631, %dma_wait3A_632] : memref<1001x1024xf32, #tpu.memory_space<hbm>> -> memref<1001x1024xf32, #tpu.memory_space<hbm>>
    tpu.wait_indirect_dma semaphore(%arg7 : memref<!tpu.dma_semaphore, #tpu.memory_space<semaphore_mem>>) src(%dma_wait3A_633 : memref<1001x1024xf32, #tpu.memory_space<hbm>>) dst(%dma_wait3A_628 : memref<16x1024xf32, #tpu.memory_space<vmem>>)
    %dma_wait3A_634 = arith.constant 2 : i32
    %dma_wait3A_635 = arith.constant 0 : i32
    %dma_wait3A_636 = arith.constant 0 : i32
    %dma_wait3A_637 = tpu.memref_slice %arg6[%dma_wait3A_634, %dma_wait3A_635, %dma_wait3A_636] : memref<5x16x1024xf32, #tpu.memory_space<vmem>> -> memref<1x16x1024xf32, #tpu.memory_space<vmem>>
    %dma_wait3A_638 = tpu.memref_squeeze %dma_wait3A_637 : memref<1x16x1024xf32, #tpu.memory_space<vmem>> -> memref<16x1024xf32, #tpu.memory_space<vmem>>
    %dma_wait3A_639 = arith.constant 0 : i32
    %dma_wait3A_640 = tpu.memref_slice %arg4[%add3A_562, %dma_wait3A_639] : memref<16384x1024xf32, #tpu.memory_space<hbm>> -> memref<16x1024xf32, #tpu.memory_space<hbm>>
    %dma_wait3A_641 = arith.constant 0 : i32
    %dma_wait3A_642 = tpu.memref_slice %arg4[%add3A_562, %dma_wait3A_641] : memref<16384x1024xf32, #tpu.memory_space<hbm>> -> memref<16x1024xf32, #tpu.memory_space<hbm>>
    %dma_wait3A_643 = arith.constant 0 : i32
    %dma_wait3A_644 = arith.constant 0 : i32
    %dma_wait3A_645 = tpu.memref_slice %arg6[%dma_wait3A_634, %dma_wait3A_643, %dma_wait3A_644] : memref<5x16x1024xf32, #tpu.memory_space<vmem>> -> memref<1x16x1024xf32, #tpu.memory_space<vmem>>
    %dma_wait3A_646 = tpu.memref_squeeze %dma_wait3A_645 : memref<1x16x1024xf32, #tpu.memory_space<vmem>> -> memref<16x1024xf32, #tpu.memory_space<vmem>>
    tpu.wait_dma2 semaphore(%arg8 : memref<!tpu.dma_semaphore, #tpu.memory_space<semaphore_mem>>) src(%dma_wait3A_646 : memref<16x1024xf32, #tpu.memory_space<vmem>>) dst(%dma_wait3A_642 : memref<16x1024xf32, #tpu.memory_space<hbm>>)
    %dma_start3A_647 = arith.constant 2 : i32
    %dma_start3A_648 = arith.constant 0 : i32
    %dma_start3A_649 = arith.constant 0 : i32
    %dma_start3A_650 = tpu.memref_slice %arg6[%dma_start3A_647, %dma_start3A_648, %dma_start3A_649] : memref<5x16x1024xf32, #tpu.memory_space<vmem>> -> memref<1x16x1024xf32, #tpu.memory_space<vmem>>
    %dma_start3A_651 = tpu.memref_squeeze %dma_start3A_650 : memref<1x16x1024xf32, #tpu.memory_space<vmem>> -> memref<16x1024xf32, #tpu.memory_space<vmem>>
    %dma_start3A_652 = arith.constant 224 : i32
    %dma_start3A_653 = tpu.memref_slice %arg5[%dma_start3A_652] : memref<512xi32, #tpu.memory_space<vmem>> -> memref<16xi32, #tpu.memory_space<vmem>>
    %dma_start3A_654 = arith.constant 0 : i32
    %dma_start3A_655 = arith.constant 0 : i32
    %dma_start3A_656 = tpu.memref_slice %arg3[%dma_start3A_654, %dma_start3A_655] : memref<1001x1024xf32, #tpu.memory_space<hbm>> -> memref<1001x1024xf32, #tpu.memory_space<hbm>>
    tpu.enqueue_indirect_dma source(%dma_start3A_656 : memref<1001x1024xf32, #tpu.memory_space<hbm>>) target(%dma_start3A_651 : memref<16x1024xf32, #tpu.memory_space<vmem>>) offsets(%dma_start3A_653 : memref<16xi32, #tpu.memory_space<vmem>>) semaphore(%arg7 : memref<!tpu.dma_semaphore, #tpu.memory_space<semaphore_mem>>)
    %add3A_657 = arith.constant 192 : i32
    %add3A_658 = arith.addi %mul3A_2, %add3A_657 : i32
    %dma_start3A_659 = arith.constant 0 : i32
    %dma_start3A_660 = arith.constant 0 : i32
    %dma_start3A_661 = arith.constant 0 : i32
    %dma_start3A_662 = tpu.memref_slice %arg6[%dma_start3A_659, %dma_start3A_660, %dma_start3A_661] : memref<5x16x1024xf32, #tpu.memory_space<vmem>> -> memref<1x16x1024xf32, #tpu.memory_space<vmem>>
    %dma_start3A_663 = tpu.memref_squeeze %dma_start3A_662 : memref<1x16x1024xf32, #tpu.memory_space<vmem>> -> memref<16x1024xf32, #tpu.memory_space<vmem>>
    %dma_start3A_664 = arith.constant 0 : i32
    %dma_start3A_665 = tpu.memref_slice %arg4[%add3A_658, %dma_start3A_664] : memref<16384x1024xf32, #tpu.memory_space<hbm>> -> memref<16x1024xf32, #tpu.memory_space<hbm>>
    %dma_start3A_666 = arith.constant 0 : i32
    %dma_start3A_667 = tpu.memref_slice %arg4[%add3A_658, %dma_start3A_666] : memref<16384x1024xf32, #tpu.memory_space<hbm>> -> memref<16x1024xf32, #tpu.memory_space<hbm>>
    %dma_start3A_668 = arith.constant 0 : i32
    %dma_start3A_669 = arith.constant 0 : i32
    %dma_start3A_670 = tpu.memref_slice %arg6[%dma_start3A_659, %dma_start3A_668, %dma_start3A_669] : memref<5x16x1024xf32, #tpu.memory_space<vmem>> -> memref<1x16x1024xf32, #tpu.memory_space<vmem>>
    %dma_start3A_671 = tpu.memref_squeeze %dma_start3A_670 : memref<1x16x1024xf32, #tpu.memory_space<vmem>> -> memref<16x1024xf32, #tpu.memory_space<vmem>>
    tpu.enqueue_dma source(%dma_start3A_671 : memref<16x1024xf32, #tpu.memory_space<vmem>>) target(%dma_start3A_667 : memref<16x1024xf32, #tpu.memory_space<hbm>>) target_semaphore(%arg8 : memref<!tpu.dma_semaphore, #tpu.memory_space<semaphore_mem>>)
    %dma_wait3A_672 = arith.constant 1 : i32
    %dma_wait3A_673 = arith.constant 0 : i32
    %dma_wait3A_674 = arith.constant 0 : i32
    %dma_wait3A_675 = tpu.memref_slice %arg6[%dma_wait3A_672, %dma_wait3A_673, %dma_wait3A_674] : memref<5x16x1024xf32, #tpu.memory_space<vmem>> -> memref<1x16x1024xf32, #tpu.memory_space<vmem>>
    %dma_wait3A_676 = tpu.memref_squeeze %dma_wait3A_675 : memref<1x16x1024xf32, #tpu.memory_space<vmem>> -> memref<16x1024xf32, #tpu.memory_space<vmem>>
    %dma_wait3A_677 = arith.constant 208 : i32
    %dma_wait3A_678 = tpu.memref_slice %arg5[%dma_wait3A_677] : memref<512xi32, #tpu.memory_space<vmem>> -> memref<16xi32, #tpu.memory_space<vmem>>
    %dma_wait3A_679 = arith.constant 0 : i32
    %dma_wait3A_680 = arith.constant 0 : i32
    %dma_wait3A_681 = tpu.memref_slice %arg3[%dma_wait3A_679, %dma_wait3A_680] : memref<1001x1024xf32, #tpu.memory_space<hbm>> -> memref<1001x1024xf32, #tpu.memory_space<hbm>>
    tpu.wait_indirect_dma semaphore(%arg7 : memref<!tpu.dma_semaphore, #tpu.memory_space<semaphore_mem>>) src(%dma_wait3A_681 : memref<1001x1024xf32, #tpu.memory_space<hbm>>) dst(%dma_wait3A_676 : memref<16x1024xf32, #tpu.memory_space<vmem>>)
    %dma_wait3A_682 = arith.constant 3 : i32
    %dma_wait3A_683 = arith.constant 0 : i32
    %dma_wait3A_684 = arith.constant 0 : i32
    %dma_wait3A_685 = tpu.memref_slice %arg6[%dma_wait3A_682, %dma_wait3A_683, %dma_wait3A_684] : memref<5x16x1024xf32, #tpu.memory_space<vmem>> -> memref<1x16x1024xf32, #tpu.memory_space<vmem>>
    %dma_wait3A_686 = tpu.memref_squeeze %dma_wait3A_685 : memref<1x16x1024xf32, #tpu.memory_space<vmem>> -> memref<16x1024xf32, #tpu.memory_space<vmem>>
    %dma_wait3A_687 = arith.constant 0 : i32
    %dma_wait3A_688 = tpu.memref_slice %arg4[%add3A_610, %dma_wait3A_687] : memref<16384x1024xf32, #tpu.memory_space<hbm>> -> memref<16x1024xf32, #tpu.memory_space<hbm>>
    %dma_wait3A_689 = arith.constant 0 : i32
    %dma_wait3A_690 = tpu.memref_slice %arg4[%add3A_610, %dma_wait3A_689] : memref<16384x1024xf32, #tpu.memory_space<hbm>> -> memref<16x1024xf32, #tpu.memory_space<hbm>>
    %dma_wait3A_691 = arith.constant 0 : i32
    %dma_wait3A_692 = arith.constant 0 : i32
    %dma_wait3A_693 = tpu.memref_slice %arg6[%dma_wait3A_682, %dma_wait3A_691, %dma_wait3A_692] : memref<5x16x1024xf32, #tpu.memory_space<vmem>> -> memref<1x16x1024xf32, #tpu.memory_space<vmem>>
    %dma_wait3A_694 = tpu.memref_squeeze %dma_wait3A_693 : memref<1x16x1024xf32, #tpu.memory_space<vmem>> -> memref<16x1024xf32, #tpu.memory_space<vmem>>
    tpu.wait_dma2 semaphore(%arg8 : memref<!tpu.dma_semaphore, #tpu.memory_space<semaphore_mem>>) src(%dma_wait3A_694 : memref<16x1024xf32, #tpu.memory_space<vmem>>) dst(%dma_wait3A_690 : memref<16x1024xf32, #tpu.memory_space<hbm>>)
    %dma_start3A_695 = arith.constant 3 : i32
    %dma_start3A_696 = arith.constant 0 : i32
    %dma_start3A_697 = arith.constant 0 : i32
    %dma_start3A_698 = tpu.memref_slice %arg6[%dma_start3A_695, %dma_start3A_696, %dma_start3A_697] : memref<5x16x1024xf32, #tpu.memory_space<vmem>> -> memref<1x16x1024xf32, #tpu.memory_space<vmem>>
    %dma_start3A_699 = tpu.memref_squeeze %dma_start3A_698 : memref<1x16x1024xf32, #tpu.memory_space<vmem>> -> memref<16x1024xf32, #tpu.memory_space<vmem>>
    %dma_start3A_700 = arith.constant 240 : i32
    %dma_start3A_701 = tpu.memref_slice %arg5[%dma_start3A_700] : memref<512xi32, #tpu.memory_space<vmem>> -> memref<16xi32, #tpu.memory_space<vmem>>
    %dma_start3A_702 = arith.constant 0 : i32
    %dma_start3A_703 = arith.constant 0 : i32
    %dma_start3A_704 = tpu.memref_slice %arg3[%dma_start3A_702, %dma_start3A_703] : memref<1001x1024xf32, #tpu.memory_space<hbm>> -> memref<1001x1024xf32, #tpu.memory_space<hbm>>
    tpu.enqueue_indirect_dma source(%dma_start3A_704 : memref<1001x1024xf32, #tpu.memory_space<hbm>>) target(%dma_start3A_699 : memref<16x1024xf32, #tpu.memory_space<vmem>>) offsets(%dma_start3A_701 : memref<16xi32, #tpu.memory_space<vmem>>) semaphore(%arg7 : memref<!tpu.dma_semaphore, #tpu.memory_space<semaphore_mem>>)
    %add3A_705 = arith.constant 208 : i32
    %add3A_706 = arith.addi %mul3A_2, %add3A_705 : i32
    %dma_start3A_707 = arith.constant 1 : i32
    %dma_start3A_708 = arith.constant 0 : i32
    %dma_start3A_709 = arith.constant 0 : i32
    %dma_start3A_710 = tpu.memref_slice %arg6[%dma_start3A_707, %dma_start3A_708, %dma_start3A_709] : memref<5x16x1024xf32, #tpu.memory_space<vmem>> -> memref<1x16x1024xf32, #tpu.memory_space<vmem>>
    %dma_start3A_711 = tpu.memref_squeeze %dma_start3A_710 : memref<1x16x1024xf32, #tpu.memory_space<vmem>> -> memref<16x1024xf32, #tpu.memory_space<vmem>>
    %dma_start3A_712 = arith.constant 0 : i32
    %dma_start3A_713 = tpu.memref_slice %arg4[%add3A_706, %dma_start3A_712] : memref<16384x1024xf32, #tpu.memory_space<hbm>> -> memref<16x1024xf32, #tpu.memory_space<hbm>>
    %dma_start3A_714 = arith.constant 0 : i32
    %dma_start3A_715 = tpu.memref_slice %arg4[%add3A_706, %dma_start3A_714] : memref<16384x1024xf32, #tpu.memory_space<hbm>> -> memref<16x1024xf32, #tpu.memory_space<hbm>>
    %dma_start3A_716 = arith.constant 0 : i32
    %dma_start3A_717 = arith.constant 0 : i32
    %dma_start3A_718 = tpu.memref_slice %arg6[%dma_start3A_707, %dma_start3A_716, %dma_start3A_717] : memref<5x16x1024xf32, #tpu.memory_space<vmem>> -> memref<1x16x1024xf32, #tpu.memory_space<vmem>>
    %dma_start3A_719 = tpu.memref_squeeze %dma_start3A_718 : memref<1x16x1024xf32, #tpu.memory_space<vmem>> -> memref<16x1024xf32, #tpu.memory_space<vmem>>
    tpu.enqueue_dma source(%dma_start3A_719 : memref<16x1024xf32, #tpu.memory_space<vmem>>) target(%dma_start3A_715 : memref<16x1024xf32, #tpu.memory_space<hbm>>) target_semaphore(%arg8 : memref<!tpu.dma_semaphore, #tpu.memory_space<semaphore_mem>>)
    %dma_wait3A_720 = arith.constant 2 : i32
    %dma_wait3A_721 = arith.constant 0 : i32
    %dma_wait3A_722 = arith.constant 0 : i32
    %dma_wait3A_723 = tpu.memref_slice %arg6[%dma_wait3A_720, %dma_wait3A_721, %dma_wait3A_722] : memref<5x16x1024xf32, #tpu.memory_space<vmem>> -> memref<1x16x1024xf32, #tpu.memory_space<vmem>>
    %dma_wait3A_724 = tpu.memref_squeeze %dma_wait3A_723 : memref<1x16x1024xf32, #tpu.memory_space<vmem>> -> memref<16x1024xf32, #tpu.memory_space<vmem>>
    %dma_wait3A_725 = arith.constant 224 : i32
    %dma_wait3A_726 = tpu.memref_slice %arg5[%dma_wait3A_725] : memref<512xi32, #tpu.memory_space<vmem>> -> memref<16xi32, #tpu.memory_space<vmem>>
    %dma_wait3A_727 = arith.constant 0 : i32
    %dma_wait3A_728 = arith.constant 0 : i32
    %dma_wait3A_729 = tpu.memref_slice %arg3[%dma_wait3A_727, %dma_wait3A_728] : memref<1001x1024xf32, #tpu.memory_space<hbm>> -> memref<1001x1024xf32, #tpu.memory_space<hbm>>
    tpu.wait_indirect_dma semaphore(%arg7 : memref<!tpu.dma_semaphore, #tpu.memory_space<semaphore_mem>>) src(%dma_wait3A_729 : memref<1001x1024xf32, #tpu.memory_space<hbm>>) dst(%dma_wait3A_724 : memref<16x1024xf32, #tpu.memory_space<vmem>>)
    %dma_wait3A_730 = arith.constant 0 : i32
    %dma_wait3A_731 = arith.constant 0 : i32
    %dma_wait3A_732 = arith.constant 0 : i32
    %dma_wait3A_733 = tpu.memref_slice %arg6[%dma_wait3A_730, %dma_wait3A_731, %dma_wait3A_732] : memref<5x16x1024xf32, #tpu.memory_space<vmem>> -> memref<1x16x1024xf32, #tpu.memory_space<vmem>>
    %dma_wait3A_734 = tpu.memref_squeeze %dma_wait3A_733 : memref<1x16x1024xf32, #tpu.memory_space<vmem>> -> memref<16x1024xf32, #tpu.memory_space<vmem>>
    %dma_wait3A_735 = arith.constant 0 : i32
    %dma_wait3A_736 = tpu.memref_slice %arg4[%add3A_658, %dma_wait3A_735] : memref<16384x1024xf32, #tpu.memory_space<hbm>> -> memref<16x1024xf32, #tpu.memory_space<hbm>>
    %dma_wait3A_737 = arith.constant 0 : i32
    %dma_wait3A_738 = tpu.memref_slice %arg4[%add3A_658, %dma_wait3A_737] : memref<16384x1024xf32, #tpu.memory_space<hbm>> -> memref<16x1024xf32, #tpu.memory_space<hbm>>
    %dma_wait3A_739 = arith.constant 0 : i32
    %dma_wait3A_740 = arith.constant 0 : i32
    %dma_wait3A_741 = tpu.memref_slice %arg6[%dma_wait3A_730, %dma_wait3A_739, %dma_wait3A_740] : memref<5x16x1024xf32, #tpu.memory_space<vmem>> -> memref<1x16x1024xf32, #tpu.memory_space<vmem>>
    %dma_wait3A_742 = tpu.memref_squeeze %dma_wait3A_741 : memref<1x16x1024xf32, #tpu.memory_space<vmem>> -> memref<16x1024xf32, #tpu.memory_space<vmem>>
    tpu.wait_dma2 semaphore(%arg8 : memref<!tpu.dma_semaphore, #tpu.memory_space<semaphore_mem>>) src(%dma_wait3A_742 : memref<16x1024xf32, #tpu.memory_space<vmem>>) dst(%dma_wait3A_738 : memref<16x1024xf32, #tpu.memory_space<hbm>>)
    %dma_start3A_743 = arith.constant 0 : i32
    %dma_start3A_744 = arith.constant 0 : i32
    %dma_start3A_745 = arith.constant 0 : i32
    %dma_start3A_746 = tpu.memref_slice %arg6[%dma_start3A_743, %dma_start3A_744, %dma_start3A_745] : memref<5x16x1024xf32, #tpu.memory_space<vmem>> -> memref<1x16x1024xf32, #tpu.memory_space<vmem>>
    %dma_start3A_747 = tpu.memref_squeeze %dma_start3A_746 : memref<1x16x1024xf32, #tpu.memory_space<vmem>> -> memref<16x1024xf32, #tpu.memory_space<vmem>>
    %dma_start3A_748 = arith.constant 256 : i32
    %dma_start3A_749 = tpu.memref_slice %arg5[%dma_start3A_748] : memref<512xi32, #tpu.memory_space<vmem>> -> memref<16xi32, #tpu.memory_space<vmem>>
    %dma_start3A_750 = arith.constant 0 : i32
    %dma_start3A_751 = arith.constant 0 : i32
    %dma_start3A_752 = tpu.memref_slice %arg3[%dma_start3A_750, %dma_start3A_751] : memref<1001x1024xf32, #tpu.memory_space<hbm>> -> memref<1001x1024xf32, #tpu.memory_space<hbm>>
    tpu.enqueue_indirect_dma source(%dma_start3A_752 : memref<1001x1024xf32, #tpu.memory_space<hbm>>) target(%dma_start3A_747 : memref<16x1024xf32, #tpu.memory_space<vmem>>) offsets(%dma_start3A_749 : memref<16xi32, #tpu.memory_space<vmem>>) semaphore(%arg7 : memref<!tpu.dma_semaphore, #tpu.memory_space<semaphore_mem>>)
    %add3A_753 = arith.constant 224 : i32
    %add3A_754 = arith.addi %mul3A_2, %add3A_753 : i32
    %dma_start3A_755 = arith.constant 2 : i32
    %dma_start3A_756 = arith.constant 0 : i32
    %dma_start3A_757 = arith.constant 0 : i32
    %dma_start3A_758 = tpu.memref_slice %arg6[%dma_start3A_755, %dma_start3A_756, %dma_start3A_757] : memref<5x16x1024xf32, #tpu.memory_space<vmem>> -> memref<1x16x1024xf32, #tpu.memory_space<vmem>>
    %dma_start3A_759 = tpu.memref_squeeze %dma_start3A_758 : memref<1x16x1024xf32, #tpu.memory_space<vmem>> -> memref<16x1024xf32, #tpu.memory_space<vmem>>
    %dma_start3A_760 = arith.constant 0 : i32
    %dma_start3A_761 = tpu.memref_slice %arg4[%add3A_754, %dma_start3A_760] : memref<16384x1024xf32, #tpu.memory_space<hbm>> -> memref<16x1024xf32, #tpu.memory_space<hbm>>
    %dma_start3A_762 = arith.constant 0 : i32
    %dma_start3A_763 = tpu.memref_slice %arg4[%add3A_754, %dma_start3A_762] : memref<16384x1024xf32, #tpu.memory_space<hbm>> -> memref<16x1024xf32, #tpu.memory_space<hbm>>
    %dma_start3A_764 = arith.constant 0 : i32
    %dma_start3A_765 = arith.constant 0 : i32
    %dma_start3A_766 = tpu.memref_slice %arg6[%dma_start3A_755, %dma_start3A_764, %dma_start3A_765] : memref<5x16x1024xf32, #tpu.memory_space<vmem>> -> memref<1x16x1024xf32, #tpu.memory_space<vmem>>
    %dma_start3A_767 = tpu.memref_squeeze %dma_start3A_766 : memref<1x16x1024xf32, #tpu.memory_space<vmem>> -> memref<16x1024xf32, #tpu.memory_space<vmem>>
    tpu.enqueue_dma source(%dma_start3A_767 : memref<16x1024xf32, #tpu.memory_space<vmem>>) target(%dma_start3A_763 : memref<16x1024xf32, #tpu.memory_space<hbm>>) target_semaphore(%arg8 : memref<!tpu.dma_semaphore, #tpu.memory_space<semaphore_mem>>)
    %dma_wait3A_768 = arith.constant 3 : i32
    %dma_wait3A_769 = arith.constant 0 : i32
    %dma_wait3A_770 = arith.constant 0 : i32
    %dma_wait3A_771 = tpu.memref_slice %arg6[%dma_wait3A_768, %dma_wait3A_769, %dma_wait3A_770] : memref<5x16x1024xf32, #tpu.memory_space<vmem>> -> memref<1x16x1024xf32, #tpu.memory_space<vmem>>
    %dma_wait3A_772 = tpu.memref_squeeze %dma_wait3A_771 : memref<1x16x1024xf32, #tpu.memory_space<vmem>> -> memref<16x1024xf32, #tpu.memory_space<vmem>>
    %dma_wait3A_773 = arith.constant 240 : i32
    %dma_wait3A_774 = tpu.memref_slice %arg5[%dma_wait3A_773] : memref<512xi32, #tpu.memory_space<vmem>> -> memref<16xi32, #tpu.memory_space<vmem>>
    %dma_wait3A_775 = arith.constant 0 : i32
    %dma_wait3A_776 = arith.constant 0 : i32
    %dma_wait3A_777 = tpu.memref_slice %arg3[%dma_wait3A_775, %dma_wait3A_776] : memref<1001x1024xf32, #tpu.memory_space<hbm>> -> memref<1001x1024xf32, #tpu.memory_space<hbm>>
    tpu.wait_indirect_dma semaphore(%arg7 : memref<!tpu.dma_semaphore, #tpu.memory_space<semaphore_mem>>) src(%dma_wait3A_777 : memref<1001x1024xf32, #tpu.memory_space<hbm>>) dst(%dma_wait3A_772 : memref<16x1024xf32, #tpu.memory_space<vmem>>)
    %dma_wait3A_778 = arith.constant 1 : i32
    %dma_wait3A_779 = arith.constant 0 : i32
    %dma_wait3A_780 = arith.constant 0 : i32
    %dma_wait3A_781 = tpu.memref_slice %arg6[%dma_wait3A_778, %dma_wait3A_779, %dma_wait3A_780] : memref<5x16x1024xf32, #tpu.memory_space<vmem>> -> memref<1x16x1024xf32, #tpu.memory_space<vmem>>
    %dma_wait3A_782 = tpu.memref_squeeze %dma_wait3A_781 : memref<1x16x1024xf32, #tpu.memory_space<vmem>> -> memref<16x1024xf32, #tpu.memory_space<vmem>>
    %dma_wait3A_783 = arith.constant 0 : i32
    %dma_wait3A_784 = tpu.memref_slice %arg4[%add3A_706, %dma_wait3A_783] : memref<16384x1024xf32, #tpu.memory_space<hbm>> -> memref<16x1024xf32, #tpu.memory_space<hbm>>
    %dma_wait3A_785 = arith.constant 0 : i32
    %dma_wait3A_786 = tpu.memref_slice %arg4[%add3A_706, %dma_wait3A_785] : memref<16384x1024xf32, #tpu.memory_space<hbm>> -> memref<16x1024xf32, #tpu.memory_space<hbm>>
    %dma_wait3A_787 = arith.constant 0 : i32
    %dma_wait3A_788 = arith.constant 0 : i32
    %dma_wait3A_789 = tpu.memref_slice %arg6[%dma_wait3A_778, %dma_wait3A_787, %dma_wait3A_788] : memref<5x16x1024xf32, #tpu.memory_space<vmem>> -> memref<1x16x1024xf32, #tpu.memory_space<vmem>>
    %dma_wait3A_790 = tpu.memref_squeeze %dma_wait3A_789 : memref<1x16x1024xf32, #tpu.memory_space<vmem>> -> memref<16x1024xf32, #tpu.memory_space<vmem>>
    tpu.wait_dma2 semaphore(%arg8 : memref<!tpu.dma_semaphore, #tpu.memory_space<semaphore_mem>>) src(%dma_wait3A_790 : memref<16x1024xf32, #tpu.memory_space<vmem>>) dst(%dma_wait3A_786 : memref<16x1024xf32, #tpu.memory_space<hbm>>)
    %dma_start3A_791 = arith.constant 1 : i32
    %dma_start3A_792 = arith.constant 0 : i32
    %dma_start3A_793 = arith.constant 0 : i32
    %dma_start3A_794 = tpu.memref_slice %arg6[%dma_start3A_791, %dma_start3A_792, %dma_start3A_793] : memref<5x16x1024xf32, #tpu.memory_space<vmem>> -> memref<1x16x1024xf32, #tpu.memory_space<vmem>>
    %dma_start3A_795 = tpu.memref_squeeze %dma_start3A_794 : memref<1x16x1024xf32, #tpu.memory_space<vmem>> -> memref<16x1024xf32, #tpu.memory_space<vmem>>
    %dma_start3A_796 = arith.constant 272 : i32
    %dma_start3A_797 = tpu.memref_slice %arg5[%dma_start3A_796] : memref<512xi32, #tpu.memory_space<vmem>> -> memref<16xi32, #tpu.memory_space<vmem>>
    %dma_start3A_798 = arith.constant 0 : i32
    %dma_start3A_799 = arith.constant 0 : i32
    %dma_start3A_800 = tpu.memref_slice %arg3[%dma_start3A_798, %dma_start3A_799] : memref<1001x1024xf32, #tpu.memory_space<hbm>> -> memref<1001x1024xf32, #tpu.memory_space<hbm>>
    tpu.enqueue_indirect_dma source(%dma_start3A_800 : memref<1001x1024xf32, #tpu.memory_space<hbm>>) target(%dma_start3A_795 : memref<16x1024xf32, #tpu.memory_space<vmem>>) offsets(%dma_start3A_797 : memref<16xi32, #tpu.memory_space<vmem>>) semaphore(%arg7 : memref<!tpu.dma_semaphore, #tpu.memory_space<semaphore_mem>>)
    %add3A_801 = arith.constant 240 : i32
    %add3A_802 = arith.addi %mul3A_2, %add3A_801 : i32
    %dma_start3A_803 = arith.constant 3 : i32
    %dma_start3A_804 = arith.constant 0 : i32
    %dma_start3A_805 = arith.constant 0 : i32
    %dma_start3A_806 = tpu.memref_slice %arg6[%dma_start3A_803, %dma_start3A_804, %dma_start3A_805] : memref<5x16x1024xf32, #tpu.memory_space<vmem>> -> memref<1x16x1024xf32, #tpu.memory_space<vmem>>
    %dma_start3A_807 = tpu.memref_squeeze %dma_start3A_806 : memref<1x16x1024xf32, #tpu.memory_space<vmem>> -> memref<16x1024xf32, #tpu.memory_space<vmem>>
    %dma_start3A_808 = arith.constant 0 : i32
    %dma_start3A_809 = tpu.memref_slice %arg4[%add3A_802, %dma_start3A_808] : memref<16384x1024xf32, #tpu.memory_space<hbm>> -> memref<16x1024xf32, #tpu.memory_space<hbm>>
    %dma_start3A_810 = arith.constant 0 : i32
    %dma_start3A_811 = tpu.memref_slice %arg4[%add3A_802, %dma_start3A_810] : memref<16384x1024xf32, #tpu.memory_space<hbm>> -> memref<16x1024xf32, #tpu.memory_space<hbm>>
    %dma_start3A_812 = arith.constant 0 : i32
    %dma_start3A_813 = arith.constant 0 : i32
    %dma_start3A_814 = tpu.memref_slice %arg6[%dma_start3A_803, %dma_start3A_812, %dma_start3A_813] : memref<5x16x1024xf32, #tpu.memory_space<vmem>> -> memref<1x16x1024xf32, #tpu.memory_space<vmem>>
    %dma_start3A_815 = tpu.memref_squeeze %dma_start3A_814 : memref<1x16x1024xf32, #tpu.memory_space<vmem>> -> memref<16x1024xf32, #tpu.memory_space<vmem>>
    tpu.enqueue_dma source(%dma_start3A_815 : memref<16x1024xf32, #tpu.memory_space<vmem>>) target(%dma_start3A_811 : memref<16x1024xf32, #tpu.memory_space<hbm>>) target_semaphore(%arg8 : memref<!tpu.dma_semaphore, #tpu.memory_space<semaphore_mem>>)
    %dma_wait3A_816 = arith.constant 0 : i32
    %dma_wait3A_817 = arith.constant 0 : i32
    %dma_wait3A_818 = arith.constant 0 : i32
    %dma_wait3A_819 = tpu.memref_slice %arg6[%dma_wait3A_816, %dma_wait3A_817, %dma_wait3A_818] : memref<5x16x1024xf32, #tpu.memory_space<vmem>> -> memref<1x16x1024xf32, #tpu.memory_space<vmem>>
    %dma_wait3A_820 = tpu.memref_squeeze %dma_wait3A_819 : memref<1x16x1024xf32, #tpu.memory_space<vmem>> -> memref<16x1024xf32, #tpu.memory_space<vmem>>
    %dma_wait3A_821 = arith.constant 256 : i32
    %dma_wait3A_822 = tpu.memref_slice %arg5[%dma_wait3A_821] : memref<512xi32, #tpu.memory_space<vmem>> -> memref<16xi32, #tpu.memory_space<vmem>>
    %dma_wait3A_823 = arith.constant 0 : i32
    %dma_wait3A_824 = arith.constant 0 : i32
    %dma_wait3A_825 = tpu.memref_slice %arg3[%dma_wait3A_823, %dma_wait3A_824] : memref<1001x1024xf32, #tpu.memory_space<hbm>> -> memref<1001x1024xf32, #tpu.memory_space<hbm>>
    tpu.wait_indirect_dma semaphore(%arg7 : memref<!tpu.dma_semaphore, #tpu.memory_space<semaphore_mem>>) src(%dma_wait3A_825 : memref<1001x1024xf32, #tpu.memory_space<hbm>>) dst(%dma_wait3A_820 : memref<16x1024xf32, #tpu.memory_space<vmem>>)
    %dma_wait3A_826 = arith.constant 2 : i32
    %dma_wait3A_827 = arith.constant 0 : i32
    %dma_wait3A_828 = arith.constant 0 : i32
    %dma_wait3A_829 = tpu.memref_slice %arg6[%dma_wait3A_826, %dma_wait3A_827, %dma_wait3A_828] : memref<5x16x1024xf32, #tpu.memory_space<vmem>> -> memref<1x16x1024xf32, #tpu.memory_space<vmem>>
    %dma_wait3A_830 = tpu.memref_squeeze %dma_wait3A_829 : memref<1x16x1024xf32, #tpu.memory_space<vmem>> -> memref<16x1024xf32, #tpu.memory_space<vmem>>
    %dma_wait3A_831 = arith.constant 0 : i32
    %dma_wait3A_832 = tpu.memref_slice %arg4[%add3A_754, %dma_wait3A_831] : memref<16384x1024xf32, #tpu.memory_space<hbm>> -> memref<16x1024xf32, #tpu.memory_space<hbm>>
    %dma_wait3A_833 = arith.constant 0 : i32
    %dma_wait3A_834 = tpu.memref_slice %arg4[%add3A_754, %dma_wait3A_833] : memref<16384x1024xf32, #tpu.memory_space<hbm>> -> memref<16x1024xf32, #tpu.memory_space<hbm>>
    %dma_wait3A_835 = arith.constant 0 : i32
    %dma_wait3A_836 = arith.constant 0 : i32
    %dma_wait3A_837 = tpu.memref_slice %arg6[%dma_wait3A_826, %dma_wait3A_835, %dma_wait3A_836] : memref<5x16x1024xf32, #tpu.memory_space<vmem>> -> memref<1x16x1024xf32, #tpu.memory_space<vmem>>
    %dma_wait3A_838 = tpu.memref_squeeze %dma_wait3A_837 : memref<1x16x1024xf32, #tpu.memory_space<vmem>> -> memref<16x1024xf32, #tpu.memory_space<vmem>>
    tpu.wait_dma2 semaphore(%arg8 : memref<!tpu.dma_semaphore, #tpu.memory_space<semaphore_mem>>) src(%dma_wait3A_838 : memref<16x1024xf32, #tpu.memory_space<vmem>>) dst(%dma_wait3A_834 : memref<16x1024xf32, #tpu.memory_space<hbm>>)
    %dma_start3A_839 = arith.constant 2 : i32
    %dma_start3A_840 = arith.constant 0 : i32
    %dma_start3A_841 = arith.constant 0 : i32
    %dma_start3A_842 = tpu.memref_slice %arg6[%dma_start3A_839, %dma_start3A_840, %dma_start3A_841] : memref<5x16x1024xf32, #tpu.memory_space<vmem>> -> memref<1x16x1024xf32, #tpu.memory_space<vmem>>
    %dma_start3A_843 = tpu.memref_squeeze %dma_start3A_842 : memref<1x16x1024xf32, #tpu.memory_space<vmem>> -> memref<16x1024xf32, #tpu.memory_space<vmem>>
    %dma_start3A_844 = arith.constant 288 : i32
    %dma_start3A_845 = tpu.memref_slice %arg5[%dma_start3A_844] : memref<512xi32, #tpu.memory_space<vmem>> -> memref<16xi32, #tpu.memory_space<vmem>>
    %dma_start3A_846 = arith.constant 0 : i32
    %dma_start3A_847 = arith.constant 0 : i32
    %dma_start3A_848 = tpu.memref_slice %arg3[%dma_start3A_846, %dma_start3A_847] : memref<1001x1024xf32, #tpu.memory_space<hbm>> -> memref<1001x1024xf32, #tpu.memory_space<hbm>>
    tpu.enqueue_indirect_dma source(%dma_start3A_848 : memref<1001x1024xf32, #tpu.memory_space<hbm>>) target(%dma_start3A_843 : memref<16x1024xf32, #tpu.memory_space<vmem>>) offsets(%dma_start3A_845 : memref<16xi32, #tpu.memory_space<vmem>>) semaphore(%arg7 : memref<!tpu.dma_semaphore, #tpu.memory_space<semaphore_mem>>)
    %add3A_849 = arith.constant 256 : i32
    %add3A_850 = arith.addi %mul3A_2, %add3A_849 : i32
    %dma_start3A_851 = arith.constant 0 : i32
    %dma_start3A_852 = arith.constant 0 : i32
    %dma_start3A_853 = arith.constant 0 : i32
    %dma_start3A_854 = tpu.memref_slice %arg6[%dma_start3A_851, %dma_start3A_852, %dma_start3A_853] : memref<5x16x1024xf32, #tpu.memory_space<vmem>> -> memref<1x16x1024xf32, #tpu.memory_space<vmem>>
    %dma_start3A_855 = tpu.memref_squeeze %dma_start3A_854 : memref<1x16x1024xf32, #tpu.memory_space<vmem>> -> memref<16x1024xf32, #tpu.memory_space<vmem>>
    %dma_start3A_856 = arith.constant 0 : i32
    %dma_start3A_857 = tpu.memref_slice %arg4[%add3A_850, %dma_start3A_856] : memref<16384x1024xf32, #tpu.memory_space<hbm>> -> memref<16x1024xf32, #tpu.memory_space<hbm>>
    %dma_start3A_858 = arith.constant 0 : i32
    %dma_start3A_859 = tpu.memref_slice %arg4[%add3A_850, %dma_start3A_858] : memref<16384x1024xf32, #tpu.memory_space<hbm>> -> memref<16x1024xf32, #tpu.memory_space<hbm>>
    %dma_start3A_860 = arith.constant 0 : i32
    %dma_start3A_861 = arith.constant 0 : i32
    %dma_start3A_862 = tpu.memref_slice %arg6[%dma_start3A_851, %dma_start3A_860, %dma_start3A_861] : memref<5x16x1024xf32, #tpu.memory_space<vmem>> -> memref<1x16x1024xf32, #tpu.memory_space<vmem>>
    %dma_start3A_863 = tpu.memref_squeeze %dma_start3A_862 : memref<1x16x1024xf32, #tpu.memory_space<vmem>> -> memref<16x1024xf32, #tpu.memory_space<vmem>>
    tpu.enqueue_dma source(%dma_start3A_863 : memref<16x1024xf32, #tpu.memory_space<vmem>>) target(%dma_start3A_859 : memref<16x1024xf32, #tpu.memory_space<hbm>>) target_semaphore(%arg8 : memref<!tpu.dma_semaphore, #tpu.memory_space<semaphore_mem>>)
    %dma_wait3A_864 = arith.constant 1 : i32
    %dma_wait3A_865 = arith.constant 0 : i32
    %dma_wait3A_866 = arith.constant 0 : i32
    %dma_wait3A_867 = tpu.memref_slice %arg6[%dma_wait3A_864, %dma_wait3A_865, %dma_wait3A_866] : memref<5x16x1024xf32, #tpu.memory_space<vmem>> -> memref<1x16x1024xf32, #tpu.memory_space<vmem>>
    %dma_wait3A_868 = tpu.memref_squeeze %dma_wait3A_867 : memref<1x16x1024xf32, #tpu.memory_space<vmem>> -> memref<16x1024xf32, #tpu.memory_space<vmem>>
    %dma_wait3A_869 = arith.constant 272 : i32
    %dma_wait3A_870 = tpu.memref_slice %arg5[%dma_wait3A_869] : memref<512xi32, #tpu.memory_space<vmem>> -> memref<16xi32, #tpu.memory_space<vmem>>
    %dma_wait3A_871 = arith.constant 0 : i32
    %dma_wait3A_872 = arith.constant 0 : i32
    %dma_wait3A_873 = tpu.memref_slice %arg3[%dma_wait3A_871, %dma_wait3A_872] : memref<1001x1024xf32, #tpu.memory_space<hbm>> -> memref<1001x1024xf32, #tpu.memory_space<hbm>>
    tpu.wait_indirect_dma semaphore(%arg7 : memref<!tpu.dma_semaphore, #tpu.memory_space<semaphore_mem>>) src(%dma_wait3A_873 : memref<1001x1024xf32, #tpu.memory_space<hbm>>) dst(%dma_wait3A_868 : memref<16x1024xf32, #tpu.memory_space<vmem>>)
    %dma_wait3A_874 = arith.constant 3 : i32
    %dma_wait3A_875 = arith.constant 0 : i32
    %dma_wait3A_876 = arith.constant 0 : i32
    %dma_wait3A_877 = tpu.memref_slice %arg6[%dma_wait3A_874, %dma_wait3A_875, %dma_wait3A_876] : memref<5x16x1024xf32, #tpu.memory_space<vmem>> -> memref<1x16x1024xf32, #tpu.memory_space<vmem>>
    %dma_wait3A_878 = tpu.memref_squeeze %dma_wait3A_877 : memref<1x16x1024xf32, #tpu.memory_space<vmem>> -> memref<16x1024xf32, #tpu.memory_space<vmem>>
    %dma_wait3A_879 = arith.constant 0 : i32
    %dma_wait3A_880 = tpu.memref_slice %arg4[%add3A_802, %dma_wait3A_879] : memref<16384x1024xf32, #tpu.memory_space<hbm>> -> memref<16x1024xf32, #tpu.memory_space<hbm>>
    %dma_wait3A_881 = arith.constant 0 : i32
    %dma_wait3A_882 = tpu.memref_slice %arg4[%add3A_802, %dma_wait3A_881] : memref<16384x1024xf32, #tpu.memory_space<hbm>> -> memref<16x1024xf32, #tpu.memory_space<hbm>>
    %dma_wait3A_883 = arith.constant 0 : i32
    %dma_wait3A_884 = arith.constant 0 : i32
    %dma_wait3A_885 = tpu.memref_slice %arg6[%dma_wait3A_874, %dma_wait3A_883, %dma_wait3A_884] : memref<5x16x1024xf32, #tpu.memory_space<vmem>> -> memref<1x16x1024xf32, #tpu.memory_space<vmem>>
    %dma_wait3A_886 = tpu.memref_squeeze %dma_wait3A_885 : memref<1x16x1024xf32, #tpu.memory_space<vmem>> -> memref<16x1024xf32, #tpu.memory_space<vmem>>
    tpu.wait_dma2 semaphore(%arg8 : memref<!tpu.dma_semaphore, #tpu.memory_space<semaphore_mem>>) src(%dma_wait3A_886 : memref<16x1024xf32, #tpu.memory_space<vmem>>) dst(%dma_wait3A_882 : memref<16x1024xf32, #tpu.memory_space<hbm>>)
    %dma_start3A_887 = arith.constant 3 : i32
    %dma_start3A_888 = arith.constant 0 : i32
    %dma_start3A_889 = arith.constant 0 : i32
    %dma_start3A_890 = tpu.memref_slice %arg6[%dma_start3A_887, %dma_start3A_888, %dma_start3A_889] : memref<5x16x1024xf32, #tpu.memory_space<vmem>> -> memref<1x16x1024xf32, #tpu.memory_space<vmem>>
    %dma_start3A_891 = tpu.memref_squeeze %dma_start3A_890 : memref<1x16x1024xf32, #tpu.memory_space<vmem>> -> memref<16x1024xf32, #tpu.memory_space<vmem>>
    %dma_start3A_892 = arith.constant 304 : i32
    %dma_start3A_893 = tpu.memref_slice %arg5[%dma_start3A_892] : memref<512xi32, #tpu.memory_space<vmem>> -> memref<16xi32, #tpu.memory_space<vmem>>
    %dma_start3A_894 = arith.constant 0 : i32
    %dma_start3A_895 = arith.constant 0 : i32
    %dma_start3A_896 = tpu.memref_slice %arg3[%dma_start3A_894, %dma_start3A_895] : memref<1001x1024xf32, #tpu.memory_space<hbm>> -> memref<1001x1024xf32, #tpu.memory_space<hbm>>
    tpu.enqueue_indirect_dma source(%dma_start3A_896 : memref<1001x1024xf32, #tpu.memory_space<hbm>>) target(%dma_start3A_891 : memref<16x1024xf32, #tpu.memory_space<vmem>>) offsets(%dma_start3A_893 : memref<16xi32, #tpu.memory_space<vmem>>) semaphore(%arg7 : memref<!tpu.dma_semaphore, #tpu.memory_space<semaphore_mem>>)
    %add3A_897 = arith.constant 272 : i32
    %add3A_898 = arith.addi %mul3A_2, %add3A_897 : i32
    %dma_start3A_899 = arith.constant 1 : i32
    %dma_start3A_900 = arith.constant 0 : i32
    %dma_start3A_901 = arith.constant 0 : i32
    %dma_start3A_902 = tpu.memref_slice %arg6[%dma_start3A_899, %dma_start3A_900, %dma_start3A_901] : memref<5x16x1024xf32, #tpu.memory_space<vmem>> -> memref<1x16x1024xf32, #tpu.memory_space<vmem>>
    %dma_start3A_903 = tpu.memref_squeeze %dma_start3A_902 : memref<1x16x1024xf32, #tpu.memory_space<vmem>> -> memref<16x1024xf32, #tpu.memory_space<vmem>>
    %dma_start3A_904 = arith.constant 0 : i32
    %dma_start3A_905 = tpu.memref_slice %arg4[%add3A_898, %dma_start3A_904] : memref<16384x1024xf32, #tpu.memory_space<hbm>> -> memref<16x1024xf32, #tpu.memory_space<hbm>>
    %dma_start3A_906 = arith.constant 0 : i32
    %dma_start3A_907 = tpu.memref_slice %arg4[%add3A_898, %dma_start3A_906] : memref<16384x1024xf32, #tpu.memory_space<hbm>> -> memref<16x1024xf32, #tpu.memory_space<hbm>>
    %dma_start3A_908 = arith.constant 0 : i32
    %dma_start3A_909 = arith.constant 0 : i32
    %dma_start3A_910 = tpu.memref_slice %arg6[%dma_start3A_899, %dma_start3A_908, %dma_start3A_909] : memref<5x16x1024xf32, #tpu.memory_space<vmem>> -> memref<1x16x1024xf32, #tpu.memory_space<vmem>>
    %dma_start3A_911 = tpu.memref_squeeze %dma_start3A_910 : memref<1x16x1024xf32, #tpu.memory_space<vmem>> -> memref<16x1024xf32, #tpu.memory_space<vmem>>
    tpu.enqueue_dma source(%dma_start3A_911 : memref<16x1024xf32, #tpu.memory_space<vmem>>) target(%dma_start3A_907 : memref<16x1024xf32, #tpu.memory_space<hbm>>) target_semaphore(%arg8 : memref<!tpu.dma_semaphore, #tpu.memory_space<semaphore_mem>>)
    %dma_wait3A_912 = arith.constant 2 : i32
    %dma_wait3A_913 = arith.constant 0 : i32
    %dma_wait3A_914 = arith.constant 0 : i32
    %dma_wait3A_915 = tpu.memref_slice %arg6[%dma_wait3A_912, %dma_wait3A_913, %dma_wait3A_914] : memref<5x16x1024xf32, #tpu.memory_space<vmem>> -> memref<1x16x1024xf32, #tpu.memory_space<vmem>>
    %dma_wait3A_916 = tpu.memref_squeeze %dma_wait3A_915 : memref<1x16x1024xf32, #tpu.memory_space<vmem>> -> memref<16x1024xf32, #tpu.memory_space<vmem>>
    %dma_wait3A_917 = arith.constant 288 : i32
    %dma_wait3A_918 = tpu.memref_slice %arg5[%dma_wait3A_917] : memref<512xi32, #tpu.memory_space<vmem>> -> memref<16xi32, #tpu.memory_space<vmem>>
    %dma_wait3A_919 = arith.constant 0 : i32
    %dma_wait3A_920 = arith.constant 0 : i32
    %dma_wait3A_921 = tpu.memref_slice %arg3[%dma_wait3A_919, %dma_wait3A_920] : memref<1001x1024xf32, #tpu.memory_space<hbm>> -> memref<1001x1024xf32, #tpu.memory_space<hbm>>
    tpu.wait_indirect_dma semaphore(%arg7 : memref<!tpu.dma_semaphore, #tpu.memory_space<semaphore_mem>>) src(%dma_wait3A_921 : memref<1001x1024xf32, #tpu.memory_space<hbm>>) dst(%dma_wait3A_916 : memref<16x1024xf32, #tpu.memory_space<vmem>>)
    %dma_wait3A_922 = arith.constant 0 : i32
    %dma_wait3A_923 = arith.constant 0 : i32
    %dma_wait3A_924 = arith.constant 0 : i32
    %dma_wait3A_925 = tpu.memref_slice %arg6[%dma_wait3A_922, %dma_wait3A_923, %dma_wait3A_924] : memref<5x16x1024xf32, #tpu.memory_space<vmem>> -> memref<1x16x1024xf32, #tpu.memory_space<vmem>>
    %dma_wait3A_926 = tpu.memref_squeeze %dma_wait3A_925 : memref<1x16x1024xf32, #tpu.memory_space<vmem>> -> memref<16x1024xf32, #tpu.memory_space<vmem>>
    %dma_wait3A_927 = arith.constant 0 : i32
    %dma_wait3A_928 = tpu.memref_slice %arg4[%add3A_850, %dma_wait3A_927] : memref<16384x1024xf32, #tpu.memory_space<hbm>> -> memref<16x1024xf32, #tpu.memory_space<hbm>>
    %dma_wait3A_929 = arith.constant 0 : i32
    %dma_wait3A_930 = tpu.memref_slice %arg4[%add3A_850, %dma_wait3A_929] : memref<16384x1024xf32, #tpu.memory_space<hbm>> -> memref<16x1024xf32, #tpu.memory_space<hbm>>
    %dma_wait3A_931 = arith.constant 0 : i32
    %dma_wait3A_932 = arith.constant 0 : i32
    %dma_wait3A_933 = tpu.memref_slice %arg6[%dma_wait3A_922, %dma_wait3A_931, %dma_wait3A_932] : memref<5x16x1024xf32, #tpu.memory_space<vmem>> -> memref<1x16x1024xf32, #tpu.memory_space<vmem>>
    %dma_wait3A_934 = tpu.memref_squeeze %dma_wait3A_933 : memref<1x16x1024xf32, #tpu.memory_space<vmem>> -> memref<16x1024xf32, #tpu.memory_space<vmem>>
    tpu.wait_dma2 semaphore(%arg8 : memref<!tpu.dma_semaphore, #tpu.memory_space<semaphore_mem>>) src(%dma_wait3A_934 : memref<16x1024xf32, #tpu.memory_space<vmem>>) dst(%dma_wait3A_930 : memref<16x1024xf32, #tpu.memory_space<hbm>>)
    %dma_start3A_935 = arith.constant 0 : i32
    %dma_start3A_936 = arith.constant 0 : i32
    %dma_start3A_937 = arith.constant 0 : i32
    %dma_start3A_938 = tpu.memref_slice %arg6[%dma_start3A_935, %dma_start3A_936, %dma_start3A_937] : memref<5x16x1024xf32, #tpu.memory_space<vmem>> -> memref<1x16x1024xf32, #tpu.memory_space<vmem>>
    %dma_start3A_939 = tpu.memref_squeeze %dma_start3A_938 : memref<1x16x1024xf32, #tpu.memory_space<vmem>> -> memref<16x1024xf32, #tpu.memory_space<vmem>>
    %dma_start3A_940 = arith.constant 320 : i32
    %dma_start3A_941 = tpu.memref_slice %arg5[%dma_start3A_940] : memref<512xi32, #tpu.memory_space<vmem>> -> memref<16xi32, #tpu.memory_space<vmem>>
    %dma_start3A_942 = arith.constant 0 : i32
    %dma_start3A_943 = arith.constant 0 : i32
    %dma_start3A_944 = tpu.memref_slice %arg3[%dma_start3A_942, %dma_start3A_943] : memref<1001x1024xf32, #tpu.memory_space<hbm>> -> memref<1001x1024xf32, #tpu.memory_space<hbm>>
    tpu.enqueue_indirect_dma source(%dma_start3A_944 : memref<1001x1024xf32, #tpu.memory_space<hbm>>) target(%dma_start3A_939 : memref<16x1024xf32, #tpu.memory_space<vmem>>) offsets(%dma_start3A_941 : memref<16xi32, #tpu.memory_space<vmem>>) semaphore(%arg7 : memref<!tpu.dma_semaphore, #tpu.memory_space<semaphore_mem>>)
    %add3A_945 = arith.constant 288 : i32
    %add3A_946 = arith.addi %mul3A_2, %add3A_945 : i32
    %dma_start3A_947 = arith.constant 2 : i32
    %dma_start3A_948 = arith.constant 0 : i32
    %dma_start3A_949 = arith.constant 0 : i32
    %dma_start3A_950 = tpu.memref_slice %arg6[%dma_start3A_947, %dma_start3A_948, %dma_start3A_949] : memref<5x16x1024xf32, #tpu.memory_space<vmem>> -> memref<1x16x1024xf32, #tpu.memory_space<vmem>>
    %dma_start3A_951 = tpu.memref_squeeze %dma_start3A_950 : memref<1x16x1024xf32, #tpu.memory_space<vmem>> -> memref<16x1024xf32, #tpu.memory_space<vmem>>
    %dma_start3A_952 = arith.constant 0 : i32
    %dma_start3A_953 = tpu.memref_slice %arg4[%add3A_946, %dma_start3A_952] : memref<16384x1024xf32, #tpu.memory_space<hbm>> -> memref<16x1024xf32, #tpu.memory_space<hbm>>
    %dma_start3A_954 = arith.constant 0 : i32
    %dma_start3A_955 = tpu.memref_slice %arg4[%add3A_946, %dma_start3A_954] : memref<16384x1024xf32, #tpu.memory_space<hbm>> -> memref<16x1024xf32, #tpu.memory_space<hbm>>
    %dma_start3A_956 = arith.constant 0 : i32
    %dma_start3A_957 = arith.constant 0 : i32
    %dma_start3A_958 = tpu.memref_slice %arg6[%dma_start3A_947, %dma_start3A_956, %dma_start3A_957] : memref<5x16x1024xf32, #tpu.memory_space<vmem>> -> memref<1x16x1024xf32, #tpu.memory_space<vmem>>
    %dma_start3A_959 = tpu.memref_squeeze %dma_start3A_958 : memref<1x16x1024xf32, #tpu.memory_space<vmem>> -> memref<16x1024xf32, #tpu.memory_space<vmem>>
    tpu.enqueue_dma source(%dma_start3A_959 : memref<16x1024xf32, #tpu.memory_space<vmem>>) target(%dma_start3A_955 : memref<16x1024xf32, #tpu.memory_space<hbm>>) target_semaphore(%arg8 : memref<!tpu.dma_semaphore, #tpu.memory_space<semaphore_mem>>)
    %dma_wait3A_960 = arith.constant 3 : i32
    %dma_wait3A_961 = arith.constant 0 : i32
    %dma_wait3A_962 = arith.constant 0 : i32
    %dma_wait3A_963 = tpu.memref_slice %arg6[%dma_wait3A_960, %dma_wait3A_961, %dma_wait3A_962] : memref<5x16x1024xf32, #tpu.memory_space<vmem>> -> memref<1x16x1024xf32, #tpu.memory_space<vmem>>
    %dma_wait3A_964 = tpu.memref_squeeze %dma_wait3A_963 : memref<1x16x1024xf32, #tpu.memory_space<vmem>> -> memref<16x1024xf32, #tpu.memory_space<vmem>>
    %dma_wait3A_965 = arith.constant 304 : i32
    %dma_wait3A_966 = tpu.memref_slice %arg5[%dma_wait3A_965] : memref<512xi32, #tpu.memory_space<vmem>> -> memref<16xi32, #tpu.memory_space<vmem>>
    %dma_wait3A_967 = arith.constant 0 : i32
    %dma_wait3A_968 = arith.constant 0 : i32
    %dma_wait3A_969 = tpu.memref_slice %arg3[%dma_wait3A_967, %dma_wait3A_968] : memref<1001x1024xf32, #tpu.memory_space<hbm>> -> memref<1001x1024xf32, #tpu.memory_space<hbm>>
    tpu.wait_indirect_dma semaphore(%arg7 : memref<!tpu.dma_semaphore, #tpu.memory_space<semaphore_mem>>) src(%dma_wait3A_969 : memref<1001x1024xf32, #tpu.memory_space<hbm>>) dst(%dma_wait3A_964 : memref<16x1024xf32, #tpu.memory_space<vmem>>)
    %dma_wait3A_970 = arith.constant 1 : i32
    %dma_wait3A_971 = arith.constant 0 : i32
    %dma_wait3A_972 = arith.constant 0 : i32
    %dma_wait3A_973 = tpu.memref_slice %arg6[%dma_wait3A_970, %dma_wait3A_971, %dma_wait3A_972] : memref<5x16x1024xf32, #tpu.memory_space<vmem>> -> memref<1x16x1024xf32, #tpu.memory_space<vmem>>
    %dma_wait3A_974 = tpu.memref_squeeze %dma_wait3A_973 : memref<1x16x1024xf32, #tpu.memory_space<vmem>> -> memref<16x1024xf32, #tpu.memory_space<vmem>>
    %dma_wait3A_975 = arith.constant 0 : i32
    %dma_wait3A_976 = tpu.memref_slice %arg4[%add3A_898, %dma_wait3A_975] : memref<16384x1024xf32, #tpu.memory_space<hbm>> -> memref<16x1024xf32, #tpu.memory_space<hbm>>
    %dma_wait3A_977 = arith.constant 0 : i32
    %dma_wait3A_978 = tpu.memref_slice %arg4[%add3A_898, %dma_wait3A_977] : memref<16384x1024xf32, #tpu.memory_space<hbm>> -> memref<16x1024xf32, #tpu.memory_space<hbm>>
    %dma_wait3A_979 = arith.constant 0 : i32
    %dma_wait3A_980 = arith.constant 0 : i32
    %dma_wait3A_981 = tpu.memref_slice %arg6[%dma_wait3A_970, %dma_wait3A_979, %dma_wait3A_980] : memref<5x16x1024xf32, #tpu.memory_space<vmem>> -> memref<1x16x1024xf32, #tpu.memory_space<vmem>>
    %dma_wait3A_982 = tpu.memref_squeeze %dma_wait3A_981 : memref<1x16x1024xf32, #tpu.memory_space<vmem>> -> memref<16x1024xf32, #tpu.memory_space<vmem>>
    tpu.wait_dma2 semaphore(%arg8 : memref<!tpu.dma_semaphore, #tpu.memory_space<semaphore_mem>>) src(%dma_wait3A_982 : memref<16x1024xf32, #tpu.memory_space<vmem>>) dst(%dma_wait3A_978 : memref<16x1024xf32, #tpu.memory_space<hbm>>)
    %dma_start3A_983 = arith.constant 1 : i32
    %dma_start3A_984 = arith.constant 0 : i32
    %dma_start3A_985 = arith.constant 0 : i32
    %dma_start3A_986 = tpu.memref_slice %arg6[%dma_start3A_983, %dma_start3A_984, %dma_start3A_985] : memref<5x16x1024xf32, #tpu.memory_space<vmem>> -> memref<1x16x1024xf32, #tpu.memory_space<vmem>>
    %dma_start3A_987 = tpu.memref_squeeze %dma_start3A_986 : memref<1x16x1024xf32, #tpu.memory_space<vmem>> -> memref<16x1024xf32, #tpu.memory_space<vmem>>
    %dma_start3A_988 = arith.constant 336 : i32
    %dma_start3A_989 = tpu.memref_slice %arg5[%dma_start3A_988] : memref<512xi32, #tpu.memory_space<vmem>> -> memref<16xi32, #tpu.memory_space<vmem>>
    %dma_start3A_990 = arith.constant 0 : i32
    %dma_start3A_991 = arith.constant 0 : i32
    %dma_start3A_992 = tpu.memref_slice %arg3[%dma_start3A_990, %dma_start3A_991] : memref<1001x1024xf32, #tpu.memory_space<hbm>> -> memref<1001x1024xf32, #tpu.memory_space<hbm>>
    tpu.enqueue_indirect_dma source(%dma_start3A_992 : memref<1001x1024xf32, #tpu.memory_space<hbm>>) target(%dma_start3A_987 : memref<16x1024xf32, #tpu.memory_space<vmem>>) offsets(%dma_start3A_989 : memref<16xi32, #tpu.memory_space<vmem>>) semaphore(%arg7 : memref<!tpu.dma_semaphore, #tpu.memory_space<semaphore_mem>>)
    %add3A_993 = arith.constant 304 : i32
    %add3A_994 = arith.addi %mul3A_2, %add3A_993 : i32
    %dma_start3A_995 = arith.constant 3 : i32
    %dma_start3A_996 = arith.constant 0 : i32
    %dma_start3A_997 = arith.constant 0 : i32
    %dma_start3A_998 = tpu.memref_slice %arg6[%dma_start3A_995, %dma_start3A_996, %dma_start3A_997] : memref<5x16x1024xf32, #tpu.memory_space<vmem>> -> memref<1x16x1024xf32, #tpu.memory_space<vmem>>
    %dma_start3A_999 = tpu.memref_squeeze %dma_start3A_998 : memref<1x16x1024xf32, #tpu.memory_space<vmem>> -> memref<16x1024xf32, #tpu.memory_space<vmem>>
    %dma_start3A_1000 = arith.constant 0 : i32
    %dma_start3A_1001 = tpu.memref_slice %arg4[%add3A_994, %dma_start3A_1000] : memref<16384x1024xf32, #tpu.memory_space<hbm>> -> memref<16x1024xf32, #tpu.memory_space<hbm>>
    %dma_start3A_1002 = arith.constant 0 : i32
    %dma_start3A_1003 = tpu.memref_slice %arg4[%add3A_994, %dma_start3A_1002] : memref<16384x1024xf32, #tpu.memory_space<hbm>> -> memref<16x1024xf32, #tpu.memory_space<hbm>>
    %dma_start3A_1004 = arith.constant 0 : i32
    %dma_start3A_1005 = arith.constant 0 : i32
    %dma_start3A_1006 = tpu.memref_slice %arg6[%dma_start3A_995, %dma_start3A_1004, %dma_start3A_1005] : memref<5x16x1024xf32, #tpu.memory_space<vmem>> -> memref<1x16x1024xf32, #tpu.memory_space<vmem>>
    %dma_start3A_1007 = tpu.memref_squeeze %dma_start3A_1006 : memref<1x16x1024xf32, #tpu.memory_space<vmem>> -> memref<16x1024xf32, #tpu.memory_space<vmem>>
    tpu.enqueue_dma source(%dma_start3A_1007 : memref<16x1024xf32, #tpu.memory_space<vmem>>) target(%dma_start3A_1003 : memref<16x1024xf32, #tpu.memory_space<hbm>>) target_semaphore(%arg8 : memref<!tpu.dma_semaphore, #tpu.memory_space<semaphore_mem>>)
    %dma_wait3A_1008 = arith.constant 0 : i32
    %dma_wait3A_1009 = arith.constant 0 : i32
    %dma_wait3A_1010 = arith.constant 0 : i32
    %dma_wait3A_1011 = tpu.memref_slice %arg6[%dma_wait3A_1008, %dma_wait3A_1009, %dma_wait3A_1010] : memref<5x16x1024xf32, #tpu.memory_space<vmem>> -> memref<1x16x1024xf32, #tpu.memory_space<vmem>>
    %dma_wait3A_1012 = tpu.memref_squeeze %dma_wait3A_1011 : memref<1x16x1024xf32, #tpu.memory_space<vmem>> -> memref<16x1024xf32, #tpu.memory_space<vmem>>
    %dma_wait3A_1013 = arith.constant 320 : i32
    %dma_wait3A_1014 = tpu.memref_slice %arg5[%dma_wait3A_1013] : memref<512xi32, #tpu.memory_space<vmem>> -> memref<16xi32, #tpu.memory_space<vmem>>
    %dma_wait3A_1015 = arith.constant 0 : i32
    %dma_wait3A_1016 = arith.constant 0 : i32
    %dma_wait3A_1017 = tpu.memref_slice %arg3[%dma_wait3A_1015, %dma_wait3A_1016] : memref<1001x1024xf32, #tpu.memory_space<hbm>> -> memref<1001x1024xf32, #tpu.memory_space<hbm>>
    tpu.wait_indirect_dma semaphore(%arg7 : memref<!tpu.dma_semaphore, #tpu.memory_space<semaphore_mem>>) src(%dma_wait3A_1017 : memref<1001x1024xf32, #tpu.memory_space<hbm>>) dst(%dma_wait3A_1012 : memref<16x1024xf32, #tpu.memory_space<vmem>>)
    %dma_wait3A_1018 = arith.constant 2 : i32
    %dma_wait3A_1019 = arith.constant 0 : i32
    %dma_wait3A_1020 = arith.constant 0 : i32
    %dma_wait3A_1021 = tpu.memref_slice %arg6[%dma_wait3A_1018, %dma_wait3A_1019, %dma_wait3A_1020] : memref<5x16x1024xf32, #tpu.memory_space<vmem>> -> memref<1x16x1024xf32, #tpu.memory_space<vmem>>
    %dma_wait3A_1022 = tpu.memref_squeeze %dma_wait3A_1021 : memref<1x16x1024xf32, #tpu.memory_space<vmem>> -> memref<16x1024xf32, #tpu.memory_space<vmem>>
    %dma_wait3A_1023 = arith.constant 0 : i32
    %dma_wait3A_1024 = tpu.memref_slice %arg4[%add3A_946, %dma_wait3A_1023] : memref<16384x1024xf32, #tpu.memory_space<hbm>> -> memref<16x1024xf32, #tpu.memory_space<hbm>>
    %dma_wait3A_1025 = arith.constant 0 : i32
    %dma_wait3A_1026 = tpu.memref_slice %arg4[%add3A_946, %dma_wait3A_1025] : memref<16384x1024xf32, #tpu.memory_space<hbm>> -> memref<16x1024xf32, #tpu.memory_space<hbm>>
    %dma_wait3A_1027 = arith.constant 0 : i32
    %dma_wait3A_1028 = arith.constant 0 : i32
    %dma_wait3A_1029 = tpu.memref_slice %arg6[%dma_wait3A_1018, %dma_wait3A_1027, %dma_wait3A_1028] : memref<5x16x1024xf32, #tpu.memory_space<vmem>> -> memref<1x16x1024xf32, #tpu.memory_space<vmem>>
    %dma_wait3A_1030 = tpu.memref_squeeze %dma_wait3A_1029 : memref<1x16x1024xf32, #tpu.memory_space<vmem>> -> memref<16x1024xf32, #tpu.memory_space<vmem>>
    tpu.wait_dma2 semaphore(%arg8 : memref<!tpu.dma_semaphore, #tpu.memory_space<semaphore_mem>>) src(%dma_wait3A_1030 : memref<16x1024xf32, #tpu.memory_space<vmem>>) dst(%dma_wait3A_1026 : memref<16x1024xf32, #tpu.memory_space<hbm>>)
    %dma_start3A_1031 = arith.constant 2 : i32
    %dma_start3A_1032 = arith.constant 0 : i32
    %dma_start3A_1033 = arith.constant 0 : i32
    %dma_start3A_1034 = tpu.memref_slice %arg6[%dma_start3A_1031, %dma_start3A_1032, %dma_start3A_1033] : memref<5x16x1024xf32, #tpu.memory_space<vmem>> -> memref<1x16x1024xf32, #tpu.memory_space<vmem>>
    %dma_start3A_1035 = tpu.memref_squeeze %dma_start3A_1034 : memref<1x16x1024xf32, #tpu.memory_space<vmem>> -> memref<16x1024xf32, #tpu.memory_space<vmem>>
    %dma_start3A_1036 = arith.constant 352 : i32
    %dma_start3A_1037 = tpu.memref_slice %arg5[%dma_start3A_1036] : memref<512xi32, #tpu.memory_space<vmem>> -> memref<16xi32, #tpu.memory_space<vmem>>
    %dma_start3A_1038 = arith.constant 0 : i32
    %dma_start3A_1039 = arith.constant 0 : i32
    %dma_start3A_1040 = tpu.memref_slice %arg3[%dma_start3A_1038, %dma_start3A_1039] : memref<1001x1024xf32, #tpu.memory_space<hbm>> -> memref<1001x1024xf32, #tpu.memory_space<hbm>>
    tpu.enqueue_indirect_dma source(%dma_start3A_1040 : memref<1001x1024xf32, #tpu.memory_space<hbm>>) target(%dma_start3A_1035 : memref<16x1024xf32, #tpu.memory_space<vmem>>) offsets(%dma_start3A_1037 : memref<16xi32, #tpu.memory_space<vmem>>) semaphore(%arg7 : memref<!tpu.dma_semaphore, #tpu.memory_space<semaphore_mem>>)
    %add3A_1041 = arith.constant 320 : i32
    %add3A_1042 = arith.addi %mul3A_2, %add3A_1041 : i32
    %dma_start3A_1043 = arith.constant 0 : i32
    %dma_start3A_1044 = arith.constant 0 : i32
    %dma_start3A_1045 = arith.constant 0 : i32
    %dma_start3A_1046 = tpu.memref_slice %arg6[%dma_start3A_1043, %dma_start3A_1044, %dma_start3A_1045] : memref<5x16x1024xf32, #tpu.memory_space<vmem>> -> memref<1x16x1024xf32, #tpu.memory_space<vmem>>
    %dma_start3A_1047 = tpu.memref_squeeze %dma_start3A_1046 : memref<1x16x1024xf32, #tpu.memory_space<vmem>> -> memref<16x1024xf32, #tpu.memory_space<vmem>>
    %dma_start3A_1048 = arith.constant 0 : i32
    %dma_start3A_1049 = tpu.memref_slice %arg4[%add3A_1042, %dma_start3A_1048] : memref<16384x1024xf32, #tpu.memory_space<hbm>> -> memref<16x1024xf32, #tpu.memory_space<hbm>>
    %dma_start3A_1050 = arith.constant 0 : i32
    %dma_start3A_1051 = tpu.memref_slice %arg4[%add3A_1042, %dma_start3A_1050] : memref<16384x1024xf32, #tpu.memory_space<hbm>> -> memref<16x1024xf32, #tpu.memory_space<hbm>>
    %dma_start3A_1052 = arith.constant 0 : i32
    %dma_start3A_1053 = arith.constant 0 : i32
    %dma_start3A_1054 = tpu.memref_slice %arg6[%dma_start3A_1043, %dma_start3A_1052, %dma_start3A_1053] : memref<5x16x1024xf32, #tpu.memory_space<vmem>> -> memref<1x16x1024xf32, #tpu.memory_space<vmem>>
    %dma_start3A_1055 = tpu.memref_squeeze %dma_start3A_1054 : memref<1x16x1024xf32, #tpu.memory_space<vmem>> -> memref<16x1024xf32, #tpu.memory_space<vmem>>
    tpu.enqueue_dma source(%dma_start3A_1055 : memref<16x1024xf32, #tpu.memory_space<vmem>>) target(%dma_start3A_1051 : memref<16x1024xf32, #tpu.memory_space<hbm>>) target_semaphore(%arg8 : memref<!tpu.dma_semaphore, #tpu.memory_space<semaphore_mem>>)
    %dma_wait3A_1056 = arith.constant 1 : i32
    %dma_wait3A_1057 = arith.constant 0 : i32
    %dma_wait3A_1058 = arith.constant 0 : i32
    %dma_wait3A_1059 = tpu.memref_slice %arg6[%dma_wait3A_1056, %dma_wait3A_1057, %dma_wait3A_1058] : memref<5x16x1024xf32, #tpu.memory_space<vmem>> -> memref<1x16x1024xf32, #tpu.memory_space<vmem>>
    %dma_wait3A_1060 = tpu.memref_squeeze %dma_wait3A_1059 : memref<1x16x1024xf32, #tpu.memory_space<vmem>> -> memref<16x1024xf32, #tpu.memory_space<vmem>>
    %dma_wait3A_1061 = arith.constant 336 : i32
    %dma_wait3A_1062 = tpu.memref_slice %arg5[%dma_wait3A_1061] : memref<512xi32, #tpu.memory_space<vmem>> -> memref<16xi32, #tpu.memory_space<vmem>>
    %dma_wait3A_1063 = arith.constant 0 : i32
    %dma_wait3A_1064 = arith.constant 0 : i32
    %dma_wait3A_1065 = tpu.memref_slice %arg3[%dma_wait3A_1063, %dma_wait3A_1064] : memref<1001x1024xf32, #tpu.memory_space<hbm>> -> memref<1001x1024xf32, #tpu.memory_space<hbm>>
    tpu.wait_indirect_dma semaphore(%arg7 : memref<!tpu.dma_semaphore, #tpu.memory_space<semaphore_mem>>) src(%dma_wait3A_1065 : memref<1001x1024xf32, #tpu.memory_space<hbm>>) dst(%dma_wait3A_1060 : memref<16x1024xf32, #tpu.memory_space<vmem>>)
    %dma_wait3A_1066 = arith.constant 3 : i32
    %dma_wait3A_1067 = arith.constant 0 : i32
    %dma_wait3A_1068 = arith.constant 0 : i32
    %dma_wait3A_1069 = tpu.memref_slice %arg6[%dma_wait3A_1066, %dma_wait3A_1067, %dma_wait3A_1068] : memref<5x16x1024xf32, #tpu.memory_space<vmem>> -> memref<1x16x1024xf32, #tpu.memory_space<vmem>>
    %dma_wait3A_1070 = tpu.memref_squeeze %dma_wait3A_1069 : memref<1x16x1024xf32, #tpu.memory_space<vmem>> -> memref<16x1024xf32, #tpu.memory_space<vmem>>
    %dma_wait3A_1071 = arith.constant 0 : i32
    %dma_wait3A_1072 = tpu.memref_slice %arg4[%add3A_994, %dma_wait3A_1071] : memref<16384x1024xf32, #tpu.memory_space<hbm>> -> memref<16x1024xf32, #tpu.memory_space<hbm>>
    %dma_wait3A_1073 = arith.constant 0 : i32
    %dma_wait3A_1074 = tpu.memref_slice %arg4[%add3A_994, %dma_wait3A_1073] : memref<16384x1024xf32, #tpu.memory_space<hbm>> -> memref<16x1024xf32, #tpu.memory_space<hbm>>
    %dma_wait3A_1075 = arith.constant 0 : i32
    %dma_wait3A_1076 = arith.constant 0 : i32
    %dma_wait3A_1077 = tpu.memref_slice %arg6[%dma_wait3A_1066, %dma_wait3A_1075, %dma_wait3A_1076] : memref<5x16x1024xf32, #tpu.memory_space<vmem>> -> memref<1x16x1024xf32, #tpu.memory_space<vmem>>
    %dma_wait3A_1078 = tpu.memref_squeeze %dma_wait3A_1077 : memref<1x16x1024xf32, #tpu.memory_space<vmem>> -> memref<16x1024xf32, #tpu.memory_space<vmem>>
    tpu.wait_dma2 semaphore(%arg8 : memref<!tpu.dma_semaphore, #tpu.memory_space<semaphore_mem>>) src(%dma_wait3A_1078 : memref<16x1024xf32, #tpu.memory_space<vmem>>) dst(%dma_wait3A_1074 : memref<16x1024xf32, #tpu.memory_space<hbm>>)
    %dma_start3A_1079 = arith.constant 3 : i32
    %dma_start3A_1080 = arith.constant 0 : i32
    %dma_start3A_1081 = arith.constant 0 : i32
    %dma_start3A_1082 = tpu.memref_slice %arg6[%dma_start3A_1079, %dma_start3A_1080, %dma_start3A_1081] : memref<5x16x1024xf32, #tpu.memory_space<vmem>> -> memref<1x16x1024xf32, #tpu.memory_space<vmem>>
    %dma_start3A_1083 = tpu.memref_squeeze %dma_start3A_1082 : memref<1x16x1024xf32, #tpu.memory_space<vmem>> -> memref<16x1024xf32, #tpu.memory_space<vmem>>
    %dma_start3A_1084 = arith.constant 368 : i32
    %dma_start3A_1085 = tpu.memref_slice %arg5[%dma_start3A_1084] : memref<512xi32, #tpu.memory_space<vmem>> -> memref<16xi32, #tpu.memory_space<vmem>>
    %dma_start3A_1086 = arith.constant 0 : i32
    %dma_start3A_1087 = arith.constant 0 : i32
    %dma_start3A_1088 = tpu.memref_slice %arg3[%dma_start3A_1086, %dma_start3A_1087] : memref<1001x1024xf32, #tpu.memory_space<hbm>> -> memref<1001x1024xf32, #tpu.memory_space<hbm>>
    tpu.enqueue_indirect_dma source(%dma_start3A_1088 : memref<1001x1024xf32, #tpu.memory_space<hbm>>) target(%dma_start3A_1083 : memref<16x1024xf32, #tpu.memory_space<vmem>>) offsets(%dma_start3A_1085 : memref<16xi32, #tpu.memory_space<vmem>>) semaphore(%arg7 : memref<!tpu.dma_semaphore, #tpu.memory_space<semaphore_mem>>)
    %add3A_1089 = arith.constant 336 : i32
    %add3A_1090 = arith.addi %mul3A_2, %add3A_1089 : i32
    %dma_start3A_1091 = arith.constant 1 : i32
    %dma_start3A_1092 = arith.constant 0 : i32
    %dma_start3A_1093 = arith.constant 0 : i32
    %dma_start3A_1094 = tpu.memref_slice %arg6[%dma_start3A_1091, %dma_start3A_1092, %dma_start3A_1093] : memref<5x16x1024xf32, #tpu.memory_space<vmem>> -> memref<1x16x1024xf32, #tpu.memory_space<vmem>>
    %dma_start3A_1095 = tpu.memref_squeeze %dma_start3A_1094 : memref<1x16x1024xf32, #tpu.memory_space<vmem>> -> memref<16x1024xf32, #tpu.memory_space<vmem>>
    %dma_start3A_1096 = arith.constant 0 : i32
    %dma_start3A_1097 = tpu.memref_slice %arg4[%add3A_1090, %dma_start3A_1096] : memref<16384x1024xf32, #tpu.memory_space<hbm>> -> memref<16x1024xf32, #tpu.memory_space<hbm>>
    %dma_start3A_1098 = arith.constant 0 : i32
    %dma_start3A_1099 = tpu.memref_slice %arg4[%add3A_1090, %dma_start3A_1098] : memref<16384x1024xf32, #tpu.memory_space<hbm>> -> memref<16x1024xf32, #tpu.memory_space<hbm>>
    %dma_start3A_1100 = arith.constant 0 : i32
    %dma_start3A_1101 = arith.constant 0 : i32
    %dma_start3A_1102 = tpu.memref_slice %arg6[%dma_start3A_1091, %dma_start3A_1100, %dma_start3A_1101] : memref<5x16x1024xf32, #tpu.memory_space<vmem>> -> memref<1x16x1024xf32, #tpu.memory_space<vmem>>
    %dma_start3A_1103 = tpu.memref_squeeze %dma_start3A_1102 : memref<1x16x1024xf32, #tpu.memory_space<vmem>> -> memref<16x1024xf32, #tpu.memory_space<vmem>>
    tpu.enqueue_dma source(%dma_start3A_1103 : memref<16x1024xf32, #tpu.memory_space<vmem>>) target(%dma_start3A_1099 : memref<16x1024xf32, #tpu.memory_space<hbm>>) target_semaphore(%arg8 : memref<!tpu.dma_semaphore, #tpu.memory_space<semaphore_mem>>)
    %dma_wait3A_1104 = arith.constant 2 : i32
    %dma_wait3A_1105 = arith.constant 0 : i32
    %dma_wait3A_1106 = arith.constant 0 : i32
    %dma_wait3A_1107 = tpu.memref_slice %arg6[%dma_wait3A_1104, %dma_wait3A_1105, %dma_wait3A_1106] : memref<5x16x1024xf32, #tpu.memory_space<vmem>> -> memref<1x16x1024xf32, #tpu.memory_space<vmem>>
    %dma_wait3A_1108 = tpu.memref_squeeze %dma_wait3A_1107 : memref<1x16x1024xf32, #tpu.memory_space<vmem>> -> memref<16x1024xf32, #tpu.memory_space<vmem>>
    %dma_wait3A_1109 = arith.constant 352 : i32
    %dma_wait3A_1110 = tpu.memref_slice %arg5[%dma_wait3A_1109] : memref<512xi32, #tpu.memory_space<vmem>> -> memref<16xi32, #tpu.memory_space<vmem>>
    %dma_wait3A_1111 = arith.constant 0 : i32
    %dma_wait3A_1112 = arith.constant 0 : i32
    %dma_wait3A_1113 = tpu.memref_slice %arg3[%dma_wait3A_1111, %dma_wait3A_1112] : memref<1001x1024xf32, #tpu.memory_space<hbm>> -> memref<1001x1024xf32, #tpu.memory_space<hbm>>
    tpu.wait_indirect_dma semaphore(%arg7 : memref<!tpu.dma_semaphore, #tpu.memory_space<semaphore_mem>>) src(%dma_wait3A_1113 : memref<1001x1024xf32, #tpu.memory_space<hbm>>) dst(%dma_wait3A_1108 : memref<16x1024xf32, #tpu.memory_space<vmem>>)
    %dma_wait3A_1114 = arith.constant 0 : i32
    %dma_wait3A_1115 = arith.constant 0 : i32
    %dma_wait3A_1116 = arith.constant 0 : i32
    %dma_wait3A_1117 = tpu.memref_slice %arg6[%dma_wait3A_1114, %dma_wait3A_1115, %dma_wait3A_1116] : memref<5x16x1024xf32, #tpu.memory_space<vmem>> -> memref<1x16x1024xf32, #tpu.memory_space<vmem>>
    %dma_wait3A_1118 = tpu.memref_squeeze %dma_wait3A_1117 : memref<1x16x1024xf32, #tpu.memory_space<vmem>> -> memref<16x1024xf32, #tpu.memory_space<vmem>>
    %dma_wait3A_1119 = arith.constant 0 : i32
    %dma_wait3A_1120 = tpu.memref_slice %arg4[%add3A_1042, %dma_wait3A_1119] : memref<16384x1024xf32, #tpu.memory_space<hbm>> -> memref<16x1024xf32, #tpu.memory_space<hbm>>
    %dma_wait3A_1121 = arith.constant 0 : i32
    %dma_wait3A_1122 = tpu.memref_slice %arg4[%add3A_1042, %dma_wait3A_1121] : memref<16384x1024xf32, #tpu.memory_space<hbm>> -> memref<16x1024xf32, #tpu.memory_space<hbm>>
    %dma_wait3A_1123 = arith.constant 0 : i32
    %dma_wait3A_1124 = arith.constant 0 : i32
    %dma_wait3A_1125 = tpu.memref_slice %arg6[%dma_wait3A_1114, %dma_wait3A_1123, %dma_wait3A_1124] : memref<5x16x1024xf32, #tpu.memory_space<vmem>> -> memref<1x16x1024xf32, #tpu.memory_space<vmem>>
    %dma_wait3A_1126 = tpu.memref_squeeze %dma_wait3A_1125 : memref<1x16x1024xf32, #tpu.memory_space<vmem>> -> memref<16x1024xf32, #tpu.memory_space<vmem>>
    tpu.wait_dma2 semaphore(%arg8 : memref<!tpu.dma_semaphore, #tpu.memory_space<semaphore_mem>>) src(%dma_wait3A_1126 : memref<16x1024xf32, #tpu.memory_space<vmem>>) dst(%dma_wait3A_1122 : memref<16x1024xf32, #tpu.memory_space<hbm>>)
    %dma_start3A_1127 = arith.constant 0 : i32
    %dma_start3A_1128 = arith.constant 0 : i32
    %dma_start3A_1129 = arith.constant 0 : i32
    %dma_start3A_1130 = tpu.memref_slice %arg6[%dma_start3A_1127, %dma_start3A_1128, %dma_start3A_1129] : memref<5x16x1024xf32, #tpu.memory_space<vmem>> -> memref<1x16x1024xf32, #tpu.memory_space<vmem>>
    %dma_start3A_1131 = tpu.memref_squeeze %dma_start3A_1130 : memref<1x16x1024xf32, #tpu.memory_space<vmem>> -> memref<16x1024xf32, #tpu.memory_space<vmem>>
    %dma_start3A_1132 = arith.constant 384 : i32
    %dma_start3A_1133 = tpu.memref_slice %arg5[%dma_start3A_1132] : memref<512xi32, #tpu.memory_space<vmem>> -> memref<16xi32, #tpu.memory_space<vmem>>
    %dma_start3A_1134 = arith.constant 0 : i32
    %dma_start3A_1135 = arith.constant 0 : i32
    %dma_start3A_1136 = tpu.memref_slice %arg3[%dma_start3A_1134, %dma_start3A_1135] : memref<1001x1024xf32, #tpu.memory_space<hbm>> -> memref<1001x1024xf32, #tpu.memory_space<hbm>>
    tpu.enqueue_indirect_dma source(%dma_start3A_1136 : memref<1001x1024xf32, #tpu.memory_space<hbm>>) target(%dma_start3A_1131 : memref<16x1024xf32, #tpu.memory_space<vmem>>) offsets(%dma_start3A_1133 : memref<16xi32, #tpu.memory_space<vmem>>) semaphore(%arg7 : memref<!tpu.dma_semaphore, #tpu.memory_space<semaphore_mem>>)
    %add3A_1137 = arith.constant 352 : i32
    %add3A_1138 = arith.addi %mul3A_2, %add3A_1137 : i32
    %dma_start3A_1139 = arith.constant 2 : i32
    %dma_start3A_1140 = arith.constant 0 : i32
    %dma_start3A_1141 = arith.constant 0 : i32
    %dma_start3A_1142 = tpu.memref_slice %arg6[%dma_start3A_1139, %dma_start3A_1140, %dma_start3A_1141] : memref<5x16x1024xf32, #tpu.memory_space<vmem>> -> memref<1x16x1024xf32, #tpu.memory_space<vmem>>
    %dma_start3A_1143 = tpu.memref_squeeze %dma_start3A_1142 : memref<1x16x1024xf32, #tpu.memory_space<vmem>> -> memref<16x1024xf32, #tpu.memory_space<vmem>>
    %dma_start3A_1144 = arith.constant 0 : i32
    %dma_start3A_1145 = tpu.memref_slice %arg4[%add3A_1138, %dma_start3A_1144] : memref<16384x1024xf32, #tpu.memory_space<hbm>> -> memref<16x1024xf32, #tpu.memory_space<hbm>>
    %dma_start3A_1146 = arith.constant 0 : i32
    %dma_start3A_1147 = tpu.memref_slice %arg4[%add3A_1138, %dma_start3A_1146] : memref<16384x1024xf32, #tpu.memory_space<hbm>> -> memref<16x1024xf32, #tpu.memory_space<hbm>>
    %dma_start3A_1148 = arith.constant 0 : i32
    %dma_start3A_1149 = arith.constant 0 : i32
    %dma_start3A_1150 = tpu.memref_slice %arg6[%dma_start3A_1139, %dma_start3A_1148, %dma_start3A_1149] : memref<5x16x1024xf32, #tpu.memory_space<vmem>> -> memref<1x16x1024xf32, #tpu.memory_space<vmem>>
    %dma_start3A_1151 = tpu.memref_squeeze %dma_start3A_1150 : memref<1x16x1024xf32, #tpu.memory_space<vmem>> -> memref<16x1024xf32, #tpu.memory_space<vmem>>
    tpu.enqueue_dma source(%dma_start3A_1151 : memref<16x1024xf32, #tpu.memory_space<vmem>>) target(%dma_start3A_1147 : memref<16x1024xf32, #tpu.memory_space<hbm>>) target_semaphore(%arg8 : memref<!tpu.dma_semaphore, #tpu.memory_space<semaphore_mem>>)
    %dma_wait3A_1152 = arith.constant 3 : i32
    %dma_wait3A_1153 = arith.constant 0 : i32
    %dma_wait3A_1154 = arith.constant 0 : i32
    %dma_wait3A_1155 = tpu.memref_slice %arg6[%dma_wait3A_1152, %dma_wait3A_1153, %dma_wait3A_1154] : memref<5x16x1024xf32, #tpu.memory_space<vmem>> -> memref<1x16x1024xf32, #tpu.memory_space<vmem>>
    %dma_wait3A_1156 = tpu.memref_squeeze %dma_wait3A_1155 : memref<1x16x1024xf32, #tpu.memory_space<vmem>> -> memref<16x1024xf32, #tpu.memory_space<vmem>>
    %dma_wait3A_1157 = arith.constant 368 : i32
    %dma_wait3A_1158 = tpu.memref_slice %arg5[%dma_wait3A_1157] : memref<512xi32, #tpu.memory_space<vmem>> -> memref<16xi32, #tpu.memory_space<vmem>>
    %dma_wait3A_1159 = arith.constant 0 : i32
    %dma_wait3A_1160 = arith.constant 0 : i32
    %dma_wait3A_1161 = tpu.memref_slice %arg3[%dma_wait3A_1159, %dma_wait3A_1160] : memref<1001x1024xf32, #tpu.memory_space<hbm>> -> memref<1001x1024xf32, #tpu.memory_space<hbm>>
    tpu.wait_indirect_dma semaphore(%arg7 : memref<!tpu.dma_semaphore, #tpu.memory_space<semaphore_mem>>) src(%dma_wait3A_1161 : memref<1001x1024xf32, #tpu.memory_space<hbm>>) dst(%dma_wait3A_1156 : memref<16x1024xf32, #tpu.memory_space<vmem>>)
    %dma_wait3A_1162 = arith.constant 1 : i32
    %dma_wait3A_1163 = arith.constant 0 : i32
    %dma_wait3A_1164 = arith.constant 0 : i32
    %dma_wait3A_1165 = tpu.memref_slice %arg6[%dma_wait3A_1162, %dma_wait3A_1163, %dma_wait3A_1164] : memref<5x16x1024xf32, #tpu.memory_space<vmem>> -> memref<1x16x1024xf32, #tpu.memory_space<vmem>>
    %dma_wait3A_1166 = tpu.memref_squeeze %dma_wait3A_1165 : memref<1x16x1024xf32, #tpu.memory_space<vmem>> -> memref<16x1024xf32, #tpu.memory_space<vmem>>
    %dma_wait3A_1167 = arith.constant 0 : i32
    %dma_wait3A_1168 = tpu.memref_slice %arg4[%add3A_1090, %dma_wait3A_1167] : memref<16384x1024xf32, #tpu.memory_space<hbm>> -> memref<16x1024xf32, #tpu.memory_space<hbm>>
    %dma_wait3A_1169 = arith.constant 0 : i32
    %dma_wait3A_1170 = tpu.memref_slice %arg4[%add3A_1090, %dma_wait3A_1169] : memref<16384x1024xf32, #tpu.memory_space<hbm>> -> memref<16x1024xf32, #tpu.memory_space<hbm>>
    %dma_wait3A_1171 = arith.constant 0 : i32
    %dma_wait3A_1172 = arith.constant 0 : i32
    %dma_wait3A_1173 = tpu.memref_slice %arg6[%dma_wait3A_1162, %dma_wait3A_1171, %dma_wait3A_1172] : memref<5x16x1024xf32, #tpu.memory_space<vmem>> -> memref<1x16x1024xf32, #tpu.memory_space<vmem>>
    %dma_wait3A_1174 = tpu.memref_squeeze %dma_wait3A_1173 : memref<1x16x1024xf32, #tpu.memory_space<vmem>> -> memref<16x1024xf32, #tpu.memory_space<vmem>>
    tpu.wait_dma2 semaphore(%arg8 : memref<!tpu.dma_semaphore, #tpu.memory_space<semaphore_mem>>) src(%dma_wait3A_1174 : memref<16x1024xf32, #tpu.memory_space<vmem>>) dst(%dma_wait3A_1170 : memref<16x1024xf32, #tpu.memory_space<hbm>>)
    %dma_start3A_1175 = arith.constant 1 : i32
    %dma_start3A_1176 = arith.constant 0 : i32
    %dma_start3A_1177 = arith.constant 0 : i32
    %dma_start3A_1178 = tpu.memref_slice %arg6[%dma_start3A_1175, %dma_start3A_1176, %dma_start3A_1177] : memref<5x16x1024xf32, #tpu.memory_space<vmem>> -> memref<1x16x1024xf32, #tpu.memory_space<vmem>>
    %dma_start3A_1179 = tpu.memref_squeeze %dma_start3A_1178 : memref<1x16x1024xf32, #tpu.memory_space<vmem>> -> memref<16x1024xf32, #tpu.memory_space<vmem>>
    %dma_start3A_1180 = arith.constant 400 : i32
    %dma_start3A_1181 = tpu.memref_slice %arg5[%dma_start3A_1180] : memref<512xi32, #tpu.memory_space<vmem>> -> memref<16xi32, #tpu.memory_space<vmem>>
    %dma_start3A_1182 = arith.constant 0 : i32
    %dma_start3A_1183 = arith.constant 0 : i32
    %dma_start3A_1184 = tpu.memref_slice %arg3[%dma_start3A_1182, %dma_start3A_1183] : memref<1001x1024xf32, #tpu.memory_space<hbm>> -> memref<1001x1024xf32, #tpu.memory_space<hbm>>
    tpu.enqueue_indirect_dma source(%dma_start3A_1184 : memref<1001x1024xf32, #tpu.memory_space<hbm>>) target(%dma_start3A_1179 : memref<16x1024xf32, #tpu.memory_space<vmem>>) offsets(%dma_start3A_1181 : memref<16xi32, #tpu.memory_space<vmem>>) semaphore(%arg7 : memref<!tpu.dma_semaphore, #tpu.memory_space<semaphore_mem>>)
    %add3A_1185 = arith.constant 368 : i32
    %add3A_1186 = arith.addi %mul3A_2, %add3A_1185 : i32
    %dma_start3A_1187 = arith.constant 3 : i32
    %dma_start3A_1188 = arith.constant 0 : i32
    %dma_start3A_1189 = arith.constant 0 : i32
    %dma_start3A_1190 = tpu.memref_slice %arg6[%dma_start3A_1187, %dma_start3A_1188, %dma_start3A_1189] : memref<5x16x1024xf32, #tpu.memory_space<vmem>> -> memref<1x16x1024xf32, #tpu.memory_space<vmem>>
    %dma_start3A_1191 = tpu.memref_squeeze %dma_start3A_1190 : memref<1x16x1024xf32, #tpu.memory_space<vmem>> -> memref<16x1024xf32, #tpu.memory_space<vmem>>
    %dma_start3A_1192 = arith.constant 0 : i32
    %dma_start3A_1193 = tpu.memref_slice %arg4[%add3A_1186, %dma_start3A_1192] : memref<16384x1024xf32, #tpu.memory_space<hbm>> -> memref<16x1024xf32, #tpu.memory_space<hbm>>
    %dma_start3A_1194 = arith.constant 0 : i32
    %dma_start3A_1195 = tpu.memref_slice %arg4[%add3A_1186, %dma_start3A_1194] : memref<16384x1024xf32, #tpu.memory_space<hbm>> -> memref<16x1024xf32, #tpu.memory_space<hbm>>
    %dma_start3A_1196 = arith.constant 0 : i32
    %dma_start3A_1197 = arith.constant 0 : i32
    %dma_start3A_1198 = tpu.memref_slice %arg6[%dma_start3A_1187, %dma_start3A_1196, %dma_start3A_1197] : memref<5x16x1024xf32, #tpu.memory_space<vmem>> -> memref<1x16x1024xf32, #tpu.memory_space<vmem>>
    %dma_start3A_1199 = tpu.memref_squeeze %dma_start3A_1198 : memref<1x16x1024xf32, #tpu.memory_space<vmem>> -> memref<16x1024xf32, #tpu.memory_space<vmem>>
    tpu.enqueue_dma source(%dma_start3A_1199 : memref<16x1024xf32, #tpu.memory_space<vmem>>) target(%dma_start3A_1195 : memref<16x1024xf32, #tpu.memory_space<hbm>>) target_semaphore(%arg8 : memref<!tpu.dma_semaphore, #tpu.memory_space<semaphore_mem>>)
    %dma_wait3A_1200 = arith.constant 0 : i32
    %dma_wait3A_1201 = arith.constant 0 : i32
    %dma_wait3A_1202 = arith.constant 0 : i32
    %dma_wait3A_1203 = tpu.memref_slice %arg6[%dma_wait3A_1200, %dma_wait3A_1201, %dma_wait3A_1202] : memref<5x16x1024xf32, #tpu.memory_space<vmem>> -> memref<1x16x1024xf32, #tpu.memory_space<vmem>>
    %dma_wait3A_1204 = tpu.memref_squeeze %dma_wait3A_1203 : memref<1x16x1024xf32, #tpu.memory_space<vmem>> -> memref<16x1024xf32, #tpu.memory_space<vmem>>
    %dma_wait3A_1205 = arith.constant 384 : i32
    %dma_wait3A_1206 = tpu.memref_slice %arg5[%dma_wait3A_1205] : memref<512xi32, #tpu.memory_space<vmem>> -> memref<16xi32, #tpu.memory_space<vmem>>
    %dma_wait3A_1207 = arith.constant 0 : i32
    %dma_wait3A_1208 = arith.constant 0 : i32
    %dma_wait3A_1209 = tpu.memref_slice %arg3[%dma_wait3A_1207, %dma_wait3A_1208] : memref<1001x1024xf32, #tpu.memory_space<hbm>> -> memref<1001x1024xf32, #tpu.memory_space<hbm>>
    tpu.wait_indirect_dma semaphore(%arg7 : memref<!tpu.dma_semaphore, #tpu.memory_space<semaphore_mem>>) src(%dma_wait3A_1209 : memref<1001x1024xf32, #tpu.memory_space<hbm>>) dst(%dma_wait3A_1204 : memref<16x1024xf32, #tpu.memory_space<vmem>>)
    %dma_wait3A_1210 = arith.constant 2 : i32
    %dma_wait3A_1211 = arith.constant 0 : i32
    %dma_wait3A_1212 = arith.constant 0 : i32
    %dma_wait3A_1213 = tpu.memref_slice %arg6[%dma_wait3A_1210, %dma_wait3A_1211, %dma_wait3A_1212] : memref<5x16x1024xf32, #tpu.memory_space<vmem>> -> memref<1x16x1024xf32, #tpu.memory_space<vmem>>
    %dma_wait3A_1214 = tpu.memref_squeeze %dma_wait3A_1213 : memref<1x16x1024xf32, #tpu.memory_space<vmem>> -> memref<16x1024xf32, #tpu.memory_space<vmem>>
    %dma_wait3A_1215 = arith.constant 0 : i32
    %dma_wait3A_1216 = tpu.memref_slice %arg4[%add3A_1138, %dma_wait3A_1215] : memref<16384x1024xf32, #tpu.memory_space<hbm>> -> memref<16x1024xf32, #tpu.memory_space<hbm>>
    %dma_wait3A_1217 = arith.constant 0 : i32
    %dma_wait3A_1218 = tpu.memref_slice %arg4[%add3A_1138, %dma_wait3A_1217] : memref<16384x1024xf32, #tpu.memory_space<hbm>> -> memref<16x1024xf32, #tpu.memory_space<hbm>>
    %dma_wait3A_1219 = arith.constant 0 : i32
    %dma_wait3A_1220 = arith.constant 0 : i32
    %dma_wait3A_1221 = tpu.memref_slice %arg6[%dma_wait3A_1210, %dma_wait3A_1219, %dma_wait3A_1220] : memref<5x16x1024xf32, #tpu.memory_space<vmem>> -> memref<1x16x1024xf32, #tpu.memory_space<vmem>>
    %dma_wait3A_1222 = tpu.memref_squeeze %dma_wait3A_1221 : memref<1x16x1024xf32, #tpu.memory_space<vmem>> -> memref<16x1024xf32, #tpu.memory_space<vmem>>
    tpu.wait_dma2 semaphore(%arg8 : memref<!tpu.dma_semaphore, #tpu.memory_space<semaphore_mem>>) src(%dma_wait3A_1222 : memref<16x1024xf32, #tpu.memory_space<vmem>>) dst(%dma_wait3A_1218 : memref<16x1024xf32, #tpu.memory_space<hbm>>)
    %dma_start3A_1223 = arith.constant 2 : i32
    %dma_start3A_1224 = arith.constant 0 : i32
    %dma_start3A_1225 = arith.constant 0 : i32
    %dma_start3A_1226 = tpu.memref_slice %arg6[%dma_start3A_1223, %dma_start3A_1224, %dma_start3A_1225] : memref<5x16x1024xf32, #tpu.memory_space<vmem>> -> memref<1x16x1024xf32, #tpu.memory_space<vmem>>
    %dma_start3A_1227 = tpu.memref_squeeze %dma_start3A_1226 : memref<1x16x1024xf32, #tpu.memory_space<vmem>> -> memref<16x1024xf32, #tpu.memory_space<vmem>>
    %dma_start3A_1228 = arith.constant 416 : i32
    %dma_start3A_1229 = tpu.memref_slice %arg5[%dma_start3A_1228] : memref<512xi32, #tpu.memory_space<vmem>> -> memref<16xi32, #tpu.memory_space<vmem>>
    %dma_start3A_1230 = arith.constant 0 : i32
    %dma_start3A_1231 = arith.constant 0 : i32
    %dma_start3A_1232 = tpu.memref_slice %arg3[%dma_start3A_1230, %dma_start3A_1231] : memref<1001x1024xf32, #tpu.memory_space<hbm>> -> memref<1001x1024xf32, #tpu.memory_space<hbm>>
    tpu.enqueue_indirect_dma source(%dma_start3A_1232 : memref<1001x1024xf32, #tpu.memory_space<hbm>>) target(%dma_start3A_1227 : memref<16x1024xf32, #tpu.memory_space<vmem>>) offsets(%dma_start3A_1229 : memref<16xi32, #tpu.memory_space<vmem>>) semaphore(%arg7 : memref<!tpu.dma_semaphore, #tpu.memory_space<semaphore_mem>>)
    %add3A_1233 = arith.constant 384 : i32
    %add3A_1234 = arith.addi %mul3A_2, %add3A_1233 : i32
    %dma_start3A_1235 = arith.constant 0 : i32
    %dma_start3A_1236 = arith.constant 0 : i32
    %dma_start3A_1237 = arith.constant 0 : i32
    %dma_start3A_1238 = tpu.memref_slice %arg6[%dma_start3A_1235, %dma_start3A_1236, %dma_start3A_1237] : memref<5x16x1024xf32, #tpu.memory_space<vmem>> -> memref<1x16x1024xf32, #tpu.memory_space<vmem>>
    %dma_start3A_1239 = tpu.memref_squeeze %dma_start3A_1238 : memref<1x16x1024xf32, #tpu.memory_space<vmem>> -> memref<16x1024xf32, #tpu.memory_space<vmem>>
    %dma_start3A_1240 = arith.constant 0 : i32
    %dma_start3A_1241 = tpu.memref_slice %arg4[%add3A_1234, %dma_start3A_1240] : memref<16384x1024xf32, #tpu.memory_space<hbm>> -> memref<16x1024xf32, #tpu.memory_space<hbm>>
    %dma_start3A_1242 = arith.constant 0 : i32
    %dma_start3A_1243 = tpu.memref_slice %arg4[%add3A_1234, %dma_start3A_1242] : memref<16384x1024xf32, #tpu.memory_space<hbm>> -> memref<16x1024xf32, #tpu.memory_space<hbm>>
    %dma_start3A_1244 = arith.constant 0 : i32
    %dma_start3A_1245 = arith.constant 0 : i32
    %dma_start3A_1246 = tpu.memref_slice %arg6[%dma_start3A_1235, %dma_start3A_1244, %dma_start3A_1245] : memref<5x16x1024xf32, #tpu.memory_space<vmem>> -> memref<1x16x1024xf32, #tpu.memory_space<vmem>>
    %dma_start3A_1247 = tpu.memref_squeeze %dma_start3A_1246 : memref<1x16x1024xf32, #tpu.memory_space<vmem>> -> memref<16x1024xf32, #tpu.memory_space<vmem>>
    tpu.enqueue_dma source(%dma_start3A_1247 : memref<16x1024xf32, #tpu.memory_space<vmem>>) target(%dma_start3A_1243 : memref<16x1024xf32, #tpu.memory_space<hbm>>) target_semaphore(%arg8 : memref<!tpu.dma_semaphore, #tpu.memory_space<semaphore_mem>>)
    %dma_wait3A_1248 = arith.constant 1 : i32
    %dma_wait3A_1249 = arith.constant 0 : i32
    %dma_wait3A_1250 = arith.constant 0 : i32
    %dma_wait3A_1251 = tpu.memref_slice %arg6[%dma_wait3A_1248, %dma_wait3A_1249, %dma_wait3A_1250] : memref<5x16x1024xf32, #tpu.memory_space<vmem>> -> memref<1x16x1024xf32, #tpu.memory_space<vmem>>
    %dma_wait3A_1252 = tpu.memref_squeeze %dma_wait3A_1251 : memref<1x16x1024xf32, #tpu.memory_space<vmem>> -> memref<16x1024xf32, #tpu.memory_space<vmem>>
    %dma_wait3A_1253 = arith.constant 400 : i32
    %dma_wait3A_1254 = tpu.memref_slice %arg5[%dma_wait3A_1253] : memref<512xi32, #tpu.memory_space<vmem>> -> memref<16xi32, #tpu.memory_space<vmem>>
    %dma_wait3A_1255 = arith.constant 0 : i32
    %dma_wait3A_1256 = arith.constant 0 : i32
    %dma_wait3A_1257 = tpu.memref_slice %arg3[%dma_wait3A_1255, %dma_wait3A_1256] : memref<1001x1024xf32, #tpu.memory_space<hbm>> -> memref<1001x1024xf32, #tpu.memory_space<hbm>>
    tpu.wait_indirect_dma semaphore(%arg7 : memref<!tpu.dma_semaphore, #tpu.memory_space<semaphore_mem>>) src(%dma_wait3A_1257 : memref<1001x1024xf32, #tpu.memory_space<hbm>>) dst(%dma_wait3A_1252 : memref<16x1024xf32, #tpu.memory_space<vmem>>)
    %dma_wait3A_1258 = arith.constant 3 : i32
    %dma_wait3A_1259 = arith.constant 0 : i32
    %dma_wait3A_1260 = arith.constant 0 : i32
    %dma_wait3A_1261 = tpu.memref_slice %arg6[%dma_wait3A_1258, %dma_wait3A_1259, %dma_wait3A_1260] : memref<5x16x1024xf32, #tpu.memory_space<vmem>> -> memref<1x16x1024xf32, #tpu.memory_space<vmem>>
    %dma_wait3A_1262 = tpu.memref_squeeze %dma_wait3A_1261 : memref<1x16x1024xf32, #tpu.memory_space<vmem>> -> memref<16x1024xf32, #tpu.memory_space<vmem>>
    %dma_wait3A_1263 = arith.constant 0 : i32
    %dma_wait3A_1264 = tpu.memref_slice %arg4[%add3A_1186, %dma_wait3A_1263] : memref<16384x1024xf32, #tpu.memory_space<hbm>> -> memref<16x1024xf32, #tpu.memory_space<hbm>>
    %dma_wait3A_1265 = arith.constant 0 : i32
    %dma_wait3A_1266 = tpu.memref_slice %arg4[%add3A_1186, %dma_wait3A_1265] : memref<16384x1024xf32, #tpu.memory_space<hbm>> -> memref<16x1024xf32, #tpu.memory_space<hbm>>
    %dma_wait3A_1267 = arith.constant 0 : i32
    %dma_wait3A_1268 = arith.constant 0 : i32
    %dma_wait3A_1269 = tpu.memref_slice %arg6[%dma_wait3A_1258, %dma_wait3A_1267, %dma_wait3A_1268] : memref<5x16x1024xf32, #tpu.memory_space<vmem>> -> memref<1x16x1024xf32, #tpu.memory_space<vmem>>
    %dma_wait3A_1270 = tpu.memref_squeeze %dma_wait3A_1269 : memref<1x16x1024xf32, #tpu.memory_space<vmem>> -> memref<16x1024xf32, #tpu.memory_space<vmem>>
    tpu.wait_dma2 semaphore(%arg8 : memref<!tpu.dma_semaphore, #tpu.memory_space<semaphore_mem>>) src(%dma_wait3A_1270 : memref<16x1024xf32, #tpu.memory_space<vmem>>) dst(%dma_wait3A_1266 : memref<16x1024xf32, #tpu.memory_space<hbm>>)
    %dma_start3A_1271 = arith.constant 3 : i32
    %dma_start3A_1272 = arith.constant 0 : i32
    %dma_start3A_1273 = arith.constant 0 : i32
    %dma_start3A_1274 = tpu.memref_slice %arg6[%dma_start3A_1271, %dma_start3A_1272, %dma_start3A_1273] : memref<5x16x1024xf32, #tpu.memory_space<vmem>> -> memref<1x16x1024xf32, #tpu.memory_space<vmem>>
    %dma_start3A_1275 = tpu.memref_squeeze %dma_start3A_1274 : memref<1x16x1024xf32, #tpu.memory_space<vmem>> -> memref<16x1024xf32, #tpu.memory_space<vmem>>
    %dma_start3A_1276 = arith.constant 432 : i32
    %dma_start3A_1277 = tpu.memref_slice %arg5[%dma_start3A_1276] : memref<512xi32, #tpu.memory_space<vmem>> -> memref<16xi32, #tpu.memory_space<vmem>>
    %dma_start3A_1278 = arith.constant 0 : i32
    %dma_start3A_1279 = arith.constant 0 : i32
    %dma_start3A_1280 = tpu.memref_slice %arg3[%dma_start3A_1278, %dma_start3A_1279] : memref<1001x1024xf32, #tpu.memory_space<hbm>> -> memref<1001x1024xf32, #tpu.memory_space<hbm>>
    tpu.enqueue_indirect_dma source(%dma_start3A_1280 : memref<1001x1024xf32, #tpu.memory_space<hbm>>) target(%dma_start3A_1275 : memref<16x1024xf32, #tpu.memory_space<vmem>>) offsets(%dma_start3A_1277 : memref<16xi32, #tpu.memory_space<vmem>>) semaphore(%arg7 : memref<!tpu.dma_semaphore, #tpu.memory_space<semaphore_mem>>)
    %add3A_1281 = arith.constant 400 : i32
    %add3A_1282 = arith.addi %mul3A_2, %add3A_1281 : i32
    %dma_start3A_1283 = arith.constant 1 : i32
    %dma_start3A_1284 = arith.constant 0 : i32
    %dma_start3A_1285 = arith.constant 0 : i32
    %dma_start3A_1286 = tpu.memref_slice %arg6[%dma_start3A_1283, %dma_start3A_1284, %dma_start3A_1285] : memref<5x16x1024xf32, #tpu.memory_space<vmem>> -> memref<1x16x1024xf32, #tpu.memory_space<vmem>>
    %dma_start3A_1287 = tpu.memref_squeeze %dma_start3A_1286 : memref<1x16x1024xf32, #tpu.memory_space<vmem>> -> memref<16x1024xf32, #tpu.memory_space<vmem>>
    %dma_start3A_1288 = arith.constant 0 : i32
    %dma_start3A_1289 = tpu.memref_slice %arg4[%add3A_1282, %dma_start3A_1288] : memref<16384x1024xf32, #tpu.memory_space<hbm>> -> memref<16x1024xf32, #tpu.memory_space<hbm>>
    %dma_start3A_1290 = arith.constant 0 : i32
    %dma_start3A_1291 = tpu.memref_slice %arg4[%add3A_1282, %dma_start3A_1290] : memref<16384x1024xf32, #tpu.memory_space<hbm>> -> memref<16x1024xf32, #tpu.memory_space<hbm>>
    %dma_start3A_1292 = arith.constant 0 : i32
    %dma_start3A_1293 = arith.constant 0 : i32
    %dma_start3A_1294 = tpu.memref_slice %arg6[%dma_start3A_1283, %dma_start3A_1292, %dma_start3A_1293] : memref<5x16x1024xf32, #tpu.memory_space<vmem>> -> memref<1x16x1024xf32, #tpu.memory_space<vmem>>
    %dma_start3A_1295 = tpu.memref_squeeze %dma_start3A_1294 : memref<1x16x1024xf32, #tpu.memory_space<vmem>> -> memref<16x1024xf32, #tpu.memory_space<vmem>>
    tpu.enqueue_dma source(%dma_start3A_1295 : memref<16x1024xf32, #tpu.memory_space<vmem>>) target(%dma_start3A_1291 : memref<16x1024xf32, #tpu.memory_space<hbm>>) target_semaphore(%arg8 : memref<!tpu.dma_semaphore, #tpu.memory_space<semaphore_mem>>)
    %dma_wait3A_1296 = arith.constant 2 : i32
    %dma_wait3A_1297 = arith.constant 0 : i32
    %dma_wait3A_1298 = arith.constant 0 : i32
    %dma_wait3A_1299 = tpu.memref_slice %arg6[%dma_wait3A_1296, %dma_wait3A_1297, %dma_wait3A_1298] : memref<5x16x1024xf32, #tpu.memory_space<vmem>> -> memref<1x16x1024xf32, #tpu.memory_space<vmem>>
    %dma_wait3A_1300 = tpu.memref_squeeze %dma_wait3A_1299 : memref<1x16x1024xf32, #tpu.memory_space<vmem>> -> memref<16x1024xf32, #tpu.memory_space<vmem>>
    %dma_wait3A_1301 = arith.constant 416 : i32
    %dma_wait3A_1302 = tpu.memref_slice %arg5[%dma_wait3A_1301] : memref<512xi32, #tpu.memory_space<vmem>> -> memref<16xi32, #tpu.memory_space<vmem>>
    %dma_wait3A_1303 = arith.constant 0 : i32
    %dma_wait3A_1304 = arith.constant 0 : i32
    %dma_wait3A_1305 = tpu.memref_slice %arg3[%dma_wait3A_1303, %dma_wait3A_1304] : memref<1001x1024xf32, #tpu.memory_space<hbm>> -> memref<1001x1024xf32, #tpu.memory_space<hbm>>
    tpu.wait_indirect_dma semaphore(%arg7 : memref<!tpu.dma_semaphore, #tpu.memory_space<semaphore_mem>>) src(%dma_wait3A_1305 : memref<1001x1024xf32, #tpu.memory_space<hbm>>) dst(%dma_wait3A_1300 : memref<16x1024xf32, #tpu.memory_space<vmem>>)
    %dma_wait3A_1306 = arith.constant 0 : i32
    %dma_wait3A_1307 = arith.constant 0 : i32
    %dma_wait3A_1308 = arith.constant 0 : i32
    %dma_wait3A_1309 = tpu.memref_slice %arg6[%dma_wait3A_1306, %dma_wait3A_1307, %dma_wait3A_1308] : memref<5x16x1024xf32, #tpu.memory_space<vmem>> -> memref<1x16x1024xf32, #tpu.memory_space<vmem>>
    %dma_wait3A_1310 = tpu.memref_squeeze %dma_wait3A_1309 : memref<1x16x1024xf32, #tpu.memory_space<vmem>> -> memref<16x1024xf32, #tpu.memory_space<vmem>>
    %dma_wait3A_1311 = arith.constant 0 : i32
    %dma_wait3A_1312 = tpu.memref_slice %arg4[%add3A_1234, %dma_wait3A_1311] : memref<16384x1024xf32, #tpu.memory_space<hbm>> -> memref<16x1024xf32, #tpu.memory_space<hbm>>
    %dma_wait3A_1313 = arith.constant 0 : i32
    %dma_wait3A_1314 = tpu.memref_slice %arg4[%add3A_1234, %dma_wait3A_1313] : memref<16384x1024xf32, #tpu.memory_space<hbm>> -> memref<16x1024xf32, #tpu.memory_space<hbm>>
    %dma_wait3A_1315 = arith.constant 0 : i32
    %dma_wait3A_1316 = arith.constant 0 : i32
    %dma_wait3A_1317 = tpu.memref_slice %arg6[%dma_wait3A_1306, %dma_wait3A_1315, %dma_wait3A_1316] : memref<5x16x1024xf32, #tpu.memory_space<vmem>> -> memref<1x16x1024xf32, #tpu.memory_space<vmem>>
    %dma_wait3A_1318 = tpu.memref_squeeze %dma_wait3A_1317 : memref<1x16x1024xf32, #tpu.memory_space<vmem>> -> memref<16x1024xf32, #tpu.memory_space<vmem>>
    tpu.wait_dma2 semaphore(%arg8 : memref<!tpu.dma_semaphore, #tpu.memory_space<semaphore_mem>>) src(%dma_wait3A_1318 : memref<16x1024xf32, #tpu.memory_space<vmem>>) dst(%dma_wait3A_1314 : memref<16x1024xf32, #tpu.memory_space<hbm>>)
    %dma_start3A_1319 = arith.constant 0 : i32
    %dma_start3A_1320 = arith.constant 0 : i32
    %dma_start3A_1321 = arith.constant 0 : i32
    %dma_start3A_1322 = tpu.memref_slice %arg6[%dma_start3A_1319, %dma_start3A_1320, %dma_start3A_1321] : memref<5x16x1024xf32, #tpu.memory_space<vmem>> -> memref<1x16x1024xf32, #tpu.memory_space<vmem>>
    %dma_start3A_1323 = tpu.memref_squeeze %dma_start3A_1322 : memref<1x16x1024xf32, #tpu.memory_space<vmem>> -> memref<16x1024xf32, #tpu.memory_space<vmem>>
    %dma_start3A_1324 = arith.constant 448 : i32
    %dma_start3A_1325 = tpu.memref_slice %arg5[%dma_start3A_1324] : memref<512xi32, #tpu.memory_space<vmem>> -> memref<16xi32, #tpu.memory_space<vmem>>
    %dma_start3A_1326 = arith.constant 0 : i32
    %dma_start3A_1327 = arith.constant 0 : i32
    %dma_start3A_1328 = tpu.memref_slice %arg3[%dma_start3A_1326, %dma_start3A_1327] : memref<1001x1024xf32, #tpu.memory_space<hbm>> -> memref<1001x1024xf32, #tpu.memory_space<hbm>>
    tpu.enqueue_indirect_dma source(%dma_start3A_1328 : memref<1001x1024xf32, #tpu.memory_space<hbm>>) target(%dma_start3A_1323 : memref<16x1024xf32, #tpu.memory_space<vmem>>) offsets(%dma_start3A_1325 : memref<16xi32, #tpu.memory_space<vmem>>) semaphore(%arg7 : memref<!tpu.dma_semaphore, #tpu.memory_space<semaphore_mem>>)
    %add3A_1329 = arith.constant 416 : i32
    %add3A_1330 = arith.addi %mul3A_2, %add3A_1329 : i32
    %dma_start3A_1331 = arith.constant 2 : i32
    %dma_start3A_1332 = arith.constant 0 : i32
    %dma_start3A_1333 = arith.constant 0 : i32
    %dma_start3A_1334 = tpu.memref_slice %arg6[%dma_start3A_1331, %dma_start3A_1332, %dma_start3A_1333] : memref<5x16x1024xf32, #tpu.memory_space<vmem>> -> memref<1x16x1024xf32, #tpu.memory_space<vmem>>
    %dma_start3A_1335 = tpu.memref_squeeze %dma_start3A_1334 : memref<1x16x1024xf32, #tpu.memory_space<vmem>> -> memref<16x1024xf32, #tpu.memory_space<vmem>>
    %dma_start3A_1336 = arith.constant 0 : i32
    %dma_start3A_1337 = tpu.memref_slice %arg4[%add3A_1330, %dma_start3A_1336] : memref<16384x1024xf32, #tpu.memory_space<hbm>> -> memref<16x1024xf32, #tpu.memory_space<hbm>>
    %dma_start3A_1338 = arith.constant 0 : i32
    %dma_start3A_1339 = tpu.memref_slice %arg4[%add3A_1330, %dma_start3A_1338] : memref<16384x1024xf32, #tpu.memory_space<hbm>> -> memref<16x1024xf32, #tpu.memory_space<hbm>>
    %dma_start3A_1340 = arith.constant 0 : i32
    %dma_start3A_1341 = arith.constant 0 : i32
    %dma_start3A_1342 = tpu.memref_slice %arg6[%dma_start3A_1331, %dma_start3A_1340, %dma_start3A_1341] : memref<5x16x1024xf32, #tpu.memory_space<vmem>> -> memref<1x16x1024xf32, #tpu.memory_space<vmem>>
    %dma_start3A_1343 = tpu.memref_squeeze %dma_start3A_1342 : memref<1x16x1024xf32, #tpu.memory_space<vmem>> -> memref<16x1024xf32, #tpu.memory_space<vmem>>
    tpu.enqueue_dma source(%dma_start3A_1343 : memref<16x1024xf32, #tpu.memory_space<vmem>>) target(%dma_start3A_1339 : memref<16x1024xf32, #tpu.memory_space<hbm>>) target_semaphore(%arg8 : memref<!tpu.dma_semaphore, #tpu.memory_space<semaphore_mem>>)
    %dma_wait3A_1344 = arith.constant 3 : i32
    %dma_wait3A_1345 = arith.constant 0 : i32
    %dma_wait3A_1346 = arith.constant 0 : i32
    %dma_wait3A_1347 = tpu.memref_slice %arg6[%dma_wait3A_1344, %dma_wait3A_1345, %dma_wait3A_1346] : memref<5x16x1024xf32, #tpu.memory_space<vmem>> -> memref<1x16x1024xf32, #tpu.memory_space<vmem>>
    %dma_wait3A_1348 = tpu.memref_squeeze %dma_wait3A_1347 : memref<1x16x1024xf32, #tpu.memory_space<vmem>> -> memref<16x1024xf32, #tpu.memory_space<vmem>>
    %dma_wait3A_1349 = arith.constant 432 : i32
    %dma_wait3A_1350 = tpu.memref_slice %arg5[%dma_wait3A_1349] : memref<512xi32, #tpu.memory_space<vmem>> -> memref<16xi32, #tpu.memory_space<vmem>>
    %dma_wait3A_1351 = arith.constant 0 : i32
    %dma_wait3A_1352 = arith.constant 0 : i32
    %dma_wait3A_1353 = tpu.memref_slice %arg3[%dma_wait3A_1351, %dma_wait3A_1352] : memref<1001x1024xf32, #tpu.memory_space<hbm>> -> memref<1001x1024xf32, #tpu.memory_space<hbm>>
    tpu.wait_indirect_dma semaphore(%arg7 : memref<!tpu.dma_semaphore, #tpu.memory_space<semaphore_mem>>) src(%dma_wait3A_1353 : memref<1001x1024xf32, #tpu.memory_space<hbm>>) dst(%dma_wait3A_1348 : memref<16x1024xf32, #tpu.memory_space<vmem>>)
    %dma_wait3A_1354 = arith.constant 1 : i32
    %dma_wait3A_1355 = arith.constant 0 : i32
    %dma_wait3A_1356 = arith.constant 0 : i32
    %dma_wait3A_1357 = tpu.memref_slice %arg6[%dma_wait3A_1354, %dma_wait3A_1355, %dma_wait3A_1356] : memref<5x16x1024xf32, #tpu.memory_space<vmem>> -> memref<1x16x1024xf32, #tpu.memory_space<vmem>>
    %dma_wait3A_1358 = tpu.memref_squeeze %dma_wait3A_1357 : memref<1x16x1024xf32, #tpu.memory_space<vmem>> -> memref<16x1024xf32, #tpu.memory_space<vmem>>
    %dma_wait3A_1359 = arith.constant 0 : i32
    %dma_wait3A_1360 = tpu.memref_slice %arg4[%add3A_1282, %dma_wait3A_1359] : memref<16384x1024xf32, #tpu.memory_space<hbm>> -> memref<16x1024xf32, #tpu.memory_space<hbm>>
    %dma_wait3A_1361 = arith.constant 0 : i32
    %dma_wait3A_1362 = tpu.memref_slice %arg4[%add3A_1282, %dma_wait3A_1361] : memref<16384x1024xf32, #tpu.memory_space<hbm>> -> memref<16x1024xf32, #tpu.memory_space<hbm>>
    %dma_wait3A_1363 = arith.constant 0 : i32
    %dma_wait3A_1364 = arith.constant 0 : i32
    %dma_wait3A_1365 = tpu.memref_slice %arg6[%dma_wait3A_1354, %dma_wait3A_1363, %dma_wait3A_1364] : memref<5x16x1024xf32, #tpu.memory_space<vmem>> -> memref<1x16x1024xf32, #tpu.memory_space<vmem>>
    %dma_wait3A_1366 = tpu.memref_squeeze %dma_wait3A_1365 : memref<1x16x1024xf32, #tpu.memory_space<vmem>> -> memref<16x1024xf32, #tpu.memory_space<vmem>>
    tpu.wait_dma2 semaphore(%arg8 : memref<!tpu.dma_semaphore, #tpu.memory_space<semaphore_mem>>) src(%dma_wait3A_1366 : memref<16x1024xf32, #tpu.memory_space<vmem>>) dst(%dma_wait3A_1362 : memref<16x1024xf32, #tpu.memory_space<hbm>>)
    %dma_start3A_1367 = arith.constant 1 : i32
    %dma_start3A_1368 = arith.constant 0 : i32
    %dma_start3A_1369 = arith.constant 0 : i32
    %dma_start3A_1370 = tpu.memref_slice %arg6[%dma_start3A_1367, %dma_start3A_1368, %dma_start3A_1369] : memref<5x16x1024xf32, #tpu.memory_space<vmem>> -> memref<1x16x1024xf32, #tpu.memory_space<vmem>>
    %dma_start3A_1371 = tpu.memref_squeeze %dma_start3A_1370 : memref<1x16x1024xf32, #tpu.memory_space<vmem>> -> memref<16x1024xf32, #tpu.memory_space<vmem>>
    %dma_start3A_1372 = arith.constant 464 : i32
    %dma_start3A_1373 = tpu.memref_slice %arg5[%dma_start3A_1372] : memref<512xi32, #tpu.memory_space<vmem>> -> memref<16xi32, #tpu.memory_space<vmem>>
    %dma_start3A_1374 = arith.constant 0 : i32
    %dma_start3A_1375 = arith.constant 0 : i32
    %dma_start3A_1376 = tpu.memref_slice %arg3[%dma_start3A_1374, %dma_start3A_1375] : memref<1001x1024xf32, #tpu.memory_space<hbm>> -> memref<1001x1024xf32, #tpu.memory_space<hbm>>
    tpu.enqueue_indirect_dma source(%dma_start3A_1376 : memref<1001x1024xf32, #tpu.memory_space<hbm>>) target(%dma_start3A_1371 : memref<16x1024xf32, #tpu.memory_space<vmem>>) offsets(%dma_start3A_1373 : memref<16xi32, #tpu.memory_space<vmem>>) semaphore(%arg7 : memref<!tpu.dma_semaphore, #tpu.memory_space<semaphore_mem>>)
    %add3A_1377 = arith.constant 432 : i32
    %add3A_1378 = arith.addi %mul3A_2, %add3A_1377 : i32
    %dma_start3A_1379 = arith.constant 3 : i32
    %dma_start3A_1380 = arith.constant 0 : i32
    %dma_start3A_1381 = arith.constant 0 : i32
    %dma_start3A_1382 = tpu.memref_slice %arg6[%dma_start3A_1379, %dma_start3A_1380, %dma_start3A_1381] : memref<5x16x1024xf32, #tpu.memory_space<vmem>> -> memref<1x16x1024xf32, #tpu.memory_space<vmem>>
    %dma_start3A_1383 = tpu.memref_squeeze %dma_start3A_1382 : memref<1x16x1024xf32, #tpu.memory_space<vmem>> -> memref<16x1024xf32, #tpu.memory_space<vmem>>
    %dma_start3A_1384 = arith.constant 0 : i32
    %dma_start3A_1385 = tpu.memref_slice %arg4[%add3A_1378, %dma_start3A_1384] : memref<16384x1024xf32, #tpu.memory_space<hbm>> -> memref<16x1024xf32, #tpu.memory_space<hbm>>
    %dma_start3A_1386 = arith.constant 0 : i32
    %dma_start3A_1387 = tpu.memref_slice %arg4[%add3A_1378, %dma_start3A_1386] : memref<16384x1024xf32, #tpu.memory_space<hbm>> -> memref<16x1024xf32, #tpu.memory_space<hbm>>
    %dma_start3A_1388 = arith.constant 0 : i32
    %dma_start3A_1389 = arith.constant 0 : i32
    %dma_start3A_1390 = tpu.memref_slice %arg6[%dma_start3A_1379, %dma_start3A_1388, %dma_start3A_1389] : memref<5x16x1024xf32, #tpu.memory_space<vmem>> -> memref<1x16x1024xf32, #tpu.memory_space<vmem>>
    %dma_start3A_1391 = tpu.memref_squeeze %dma_start3A_1390 : memref<1x16x1024xf32, #tpu.memory_space<vmem>> -> memref<16x1024xf32, #tpu.memory_space<vmem>>
    tpu.enqueue_dma source(%dma_start3A_1391 : memref<16x1024xf32, #tpu.memory_space<vmem>>) target(%dma_start3A_1387 : memref<16x1024xf32, #tpu.memory_space<hbm>>) target_semaphore(%arg8 : memref<!tpu.dma_semaphore, #tpu.memory_space<semaphore_mem>>)
    %dma_wait3A_1392 = arith.constant 0 : i32
    %dma_wait3A_1393 = arith.constant 0 : i32
    %dma_wait3A_1394 = arith.constant 0 : i32
    %dma_wait3A_1395 = tpu.memref_slice %arg6[%dma_wait3A_1392, %dma_wait3A_1393, %dma_wait3A_1394] : memref<5x16x1024xf32, #tpu.memory_space<vmem>> -> memref<1x16x1024xf32, #tpu.memory_space<vmem>>
    %dma_wait3A_1396 = tpu.memref_squeeze %dma_wait3A_1395 : memref<1x16x1024xf32, #tpu.memory_space<vmem>> -> memref<16x1024xf32, #tpu.memory_space<vmem>>
    %dma_wait3A_1397 = arith.constant 448 : i32
    %dma_wait3A_1398 = tpu.memref_slice %arg5[%dma_wait3A_1397] : memref<512xi32, #tpu.memory_space<vmem>> -> memref<16xi32, #tpu.memory_space<vmem>>
    %dma_wait3A_1399 = arith.constant 0 : i32
    %dma_wait3A_1400 = arith.constant 0 : i32
    %dma_wait3A_1401 = tpu.memref_slice %arg3[%dma_wait3A_1399, %dma_wait3A_1400] : memref<1001x1024xf32, #tpu.memory_space<hbm>> -> memref<1001x1024xf32, #tpu.memory_space<hbm>>
    tpu.wait_indirect_dma semaphore(%arg7 : memref<!tpu.dma_semaphore, #tpu.memory_space<semaphore_mem>>) src(%dma_wait3A_1401 : memref<1001x1024xf32, #tpu.memory_space<hbm>>) dst(%dma_wait3A_1396 : memref<16x1024xf32, #tpu.memory_space<vmem>>)
    %dma_wait3A_1402 = arith.constant 2 : i32
    %dma_wait3A_1403 = arith.constant 0 : i32
    %dma_wait3A_1404 = arith.constant 0 : i32
    %dma_wait3A_1405 = tpu.memref_slice %arg6[%dma_wait3A_1402, %dma_wait3A_1403, %dma_wait3A_1404] : memref<5x16x1024xf32, #tpu.memory_space<vmem>> -> memref<1x16x1024xf32, #tpu.memory_space<vmem>>
    %dma_wait3A_1406 = tpu.memref_squeeze %dma_wait3A_1405 : memref<1x16x1024xf32, #tpu.memory_space<vmem>> -> memref<16x1024xf32, #tpu.memory_space<vmem>>
    %dma_wait3A_1407 = arith.constant 0 : i32
    %dma_wait3A_1408 = tpu.memref_slice %arg4[%add3A_1330, %dma_wait3A_1407] : memref<16384x1024xf32, #tpu.memory_space<hbm>> -> memref<16x1024xf32, #tpu.memory_space<hbm>>
    %dma_wait3A_1409 = arith.constant 0 : i32
    %dma_wait3A_1410 = tpu.memref_slice %arg4[%add3A_1330, %dma_wait3A_1409] : memref<16384x1024xf32, #tpu.memory_space<hbm>> -> memref<16x1024xf32, #tpu.memory_space<hbm>>
    %dma_wait3A_1411 = arith.constant 0 : i32
    %dma_wait3A_1412 = arith.constant 0 : i32
    %dma_wait3A_1413 = tpu.memref_slice %arg6[%dma_wait3A_1402, %dma_wait3A_1411, %dma_wait3A_1412] : memref<5x16x1024xf32, #tpu.memory_space<vmem>> -> memref<1x16x1024xf32, #tpu.memory_space<vmem>>
    %dma_wait3A_1414 = tpu.memref_squeeze %dma_wait3A_1413 : memref<1x16x1024xf32, #tpu.memory_space<vmem>> -> memref<16x1024xf32, #tpu.memory_space<vmem>>
    tpu.wait_dma2 semaphore(%arg8 : memref<!tpu.dma_semaphore, #tpu.memory_space<semaphore_mem>>) src(%dma_wait3A_1414 : memref<16x1024xf32, #tpu.memory_space<vmem>>) dst(%dma_wait3A_1410 : memref<16x1024xf32, #tpu.memory_space<hbm>>)
    %dma_start3A_1415 = arith.constant 2 : i32
    %dma_start3A_1416 = arith.constant 0 : i32
    %dma_start3A_1417 = arith.constant 0 : i32
    %dma_start3A_1418 = tpu.memref_slice %arg6[%dma_start3A_1415, %dma_start3A_1416, %dma_start3A_1417] : memref<5x16x1024xf32, #tpu.memory_space<vmem>> -> memref<1x16x1024xf32, #tpu.memory_space<vmem>>
    %dma_start3A_1419 = tpu.memref_squeeze %dma_start3A_1418 : memref<1x16x1024xf32, #tpu.memory_space<vmem>> -> memref<16x1024xf32, #tpu.memory_space<vmem>>
    %dma_start3A_1420 = arith.constant 480 : i32
    %dma_start3A_1421 = tpu.memref_slice %arg5[%dma_start3A_1420] : memref<512xi32, #tpu.memory_space<vmem>> -> memref<16xi32, #tpu.memory_space<vmem>>
    %dma_start3A_1422 = arith.constant 0 : i32
    %dma_start3A_1423 = arith.constant 0 : i32
    %dma_start3A_1424 = tpu.memref_slice %arg3[%dma_start3A_1422, %dma_start3A_1423] : memref<1001x1024xf32, #tpu.memory_space<hbm>> -> memref<1001x1024xf32, #tpu.memory_space<hbm>>
    tpu.enqueue_indirect_dma source(%dma_start3A_1424 : memref<1001x1024xf32, #tpu.memory_space<hbm>>) target(%dma_start3A_1419 : memref<16x1024xf32, #tpu.memory_space<vmem>>) offsets(%dma_start3A_1421 : memref<16xi32, #tpu.memory_space<vmem>>) semaphore(%arg7 : memref<!tpu.dma_semaphore, #tpu.memory_space<semaphore_mem>>)
    %add3A_1425 = arith.constant 448 : i32
    %add3A_1426 = arith.addi %mul3A_2, %add3A_1425 : i32
    %dma_start3A_1427 = arith.constant 0 : i32
    %dma_start3A_1428 = arith.constant 0 : i32
    %dma_start3A_1429 = arith.constant 0 : i32
    %dma_start3A_1430 = tpu.memref_slice %arg6[%dma_start3A_1427, %dma_start3A_1428, %dma_start3A_1429] : memref<5x16x1024xf32, #tpu.memory_space<vmem>> -> memref<1x16x1024xf32, #tpu.memory_space<vmem>>
    %dma_start3A_1431 = tpu.memref_squeeze %dma_start3A_1430 : memref<1x16x1024xf32, #tpu.memory_space<vmem>> -> memref<16x1024xf32, #tpu.memory_space<vmem>>
    %dma_start3A_1432 = arith.constant 0 : i32
    %dma_start3A_1433 = tpu.memref_slice %arg4[%add3A_1426, %dma_start3A_1432] : memref<16384x1024xf32, #tpu.memory_space<hbm>> -> memref<16x1024xf32, #tpu.memory_space<hbm>>
    %dma_start3A_1434 = arith.constant 0 : i32
    %dma_start3A_1435 = tpu.memref_slice %arg4[%add3A_1426, %dma_start3A_1434] : memref<16384x1024xf32, #tpu.memory_space<hbm>> -> memref<16x1024xf32, #tpu.memory_space<hbm>>
    %dma_start3A_1436 = arith.constant 0 : i32
    %dma_start3A_1437 = arith.constant 0 : i32
    %dma_start3A_1438 = tpu.memref_slice %arg6[%dma_start3A_1427, %dma_start3A_1436, %dma_start3A_1437] : memref<5x16x1024xf32, #tpu.memory_space<vmem>> -> memref<1x16x1024xf32, #tpu.memory_space<vmem>>
    %dma_start3A_1439 = tpu.memref_squeeze %dma_start3A_1438 : memref<1x16x1024xf32, #tpu.memory_space<vmem>> -> memref<16x1024xf32, #tpu.memory_space<vmem>>
    tpu.enqueue_dma source(%dma_start3A_1439 : memref<16x1024xf32, #tpu.memory_space<vmem>>) target(%dma_start3A_1435 : memref<16x1024xf32, #tpu.memory_space<hbm>>) target_semaphore(%arg8 : memref<!tpu.dma_semaphore, #tpu.memory_space<semaphore_mem>>)
    %dma_wait3A_1440 = arith.constant 1 : i32
    %dma_wait3A_1441 = arith.constant 0 : i32
    %dma_wait3A_1442 = arith.constant 0 : i32
    %dma_wait3A_1443 = tpu.memref_slice %arg6[%dma_wait3A_1440, %dma_wait3A_1441, %dma_wait3A_1442] : memref<5x16x1024xf32, #tpu.memory_space<vmem>> -> memref<1x16x1024xf32, #tpu.memory_space<vmem>>
    %dma_wait3A_1444 = tpu.memref_squeeze %dma_wait3A_1443 : memref<1x16x1024xf32, #tpu.memory_space<vmem>> -> memref<16x1024xf32, #tpu.memory_space<vmem>>
    %dma_wait3A_1445 = arith.constant 464 : i32
    %dma_wait3A_1446 = tpu.memref_slice %arg5[%dma_wait3A_1445] : memref<512xi32, #tpu.memory_space<vmem>> -> memref<16xi32, #tpu.memory_space<vmem>>
    %dma_wait3A_1447 = arith.constant 0 : i32
    %dma_wait3A_1448 = arith.constant 0 : i32
    %dma_wait3A_1449 = tpu.memref_slice %arg3[%dma_wait3A_1447, %dma_wait3A_1448] : memref<1001x1024xf32, #tpu.memory_space<hbm>> -> memref<1001x1024xf32, #tpu.memory_space<hbm>>
    tpu.wait_indirect_dma semaphore(%arg7 : memref<!tpu.dma_semaphore, #tpu.memory_space<semaphore_mem>>) src(%dma_wait3A_1449 : memref<1001x1024xf32, #tpu.memory_space<hbm>>) dst(%dma_wait3A_1444 : memref<16x1024xf32, #tpu.memory_space<vmem>>)
    %dma_wait3A_1450 = arith.constant 3 : i32
    %dma_wait3A_1451 = arith.constant 0 : i32
    %dma_wait3A_1452 = arith.constant 0 : i32
    %dma_wait3A_1453 = tpu.memref_slice %arg6[%dma_wait3A_1450, %dma_wait3A_1451, %dma_wait3A_1452] : memref<5x16x1024xf32, #tpu.memory_space<vmem>> -> memref<1x16x1024xf32, #tpu.memory_space<vmem>>
    %dma_wait3A_1454 = tpu.memref_squeeze %dma_wait3A_1453 : memref<1x16x1024xf32, #tpu.memory_space<vmem>> -> memref<16x1024xf32, #tpu.memory_space<vmem>>
    %dma_wait3A_1455 = arith.constant 0 : i32
    %dma_wait3A_1456 = tpu.memref_slice %arg4[%add3A_1378, %dma_wait3A_1455] : memref<16384x1024xf32, #tpu.memory_space<hbm>> -> memref<16x1024xf32, #tpu.memory_space<hbm>>
    %dma_wait3A_1457 = arith.constant 0 : i32
    %dma_wait3A_1458 = tpu.memref_slice %arg4[%add3A_1378, %dma_wait3A_1457] : memref<16384x1024xf32, #tpu.memory_space<hbm>> -> memref<16x1024xf32, #tpu.memory_space<hbm>>
    %dma_wait3A_1459 = arith.constant 0 : i32
    %dma_wait3A_1460 = arith.constant 0 : i32
    %dma_wait3A_1461 = tpu.memref_slice %arg6[%dma_wait3A_1450, %dma_wait3A_1459, %dma_wait3A_1460] : memref<5x16x1024xf32, #tpu.memory_space<vmem>> -> memref<1x16x1024xf32, #tpu.memory_space<vmem>>
    %dma_wait3A_1462 = tpu.memref_squeeze %dma_wait3A_1461 : memref<1x16x1024xf32, #tpu.memory_space<vmem>> -> memref<16x1024xf32, #tpu.memory_space<vmem>>
    tpu.wait_dma2 semaphore(%arg8 : memref<!tpu.dma_semaphore, #tpu.memory_space<semaphore_mem>>) src(%dma_wait3A_1462 : memref<16x1024xf32, #tpu.memory_space<vmem>>) dst(%dma_wait3A_1458 : memref<16x1024xf32, #tpu.memory_space<hbm>>)
    %dma_start3A_1463 = arith.constant 3 : i32
    %dma_start3A_1464 = arith.constant 0 : i32
    %dma_start3A_1465 = arith.constant 0 : i32
    %dma_start3A_1466 = tpu.memref_slice %arg6[%dma_start3A_1463, %dma_start3A_1464, %dma_start3A_1465] : memref<5x16x1024xf32, #tpu.memory_space<vmem>> -> memref<1x16x1024xf32, #tpu.memory_space<vmem>>
    %dma_start3A_1467 = tpu.memref_squeeze %dma_start3A_1466 : memref<1x16x1024xf32, #tpu.memory_space<vmem>> -> memref<16x1024xf32, #tpu.memory_space<vmem>>
    %dma_start3A_1468 = arith.constant 496 : i32
    %dma_start3A_1469 = tpu.memref_slice %arg5[%dma_start3A_1468] : memref<512xi32, #tpu.memory_space<vmem>> -> memref<16xi32, #tpu.memory_space<vmem>>
    %dma_start3A_1470 = arith.constant 0 : i32
    %dma_start3A_1471 = arith.constant 0 : i32
    %dma_start3A_1472 = tpu.memref_slice %arg3[%dma_start3A_1470, %dma_start3A_1471] : memref<1001x1024xf32, #tpu.memory_space<hbm>> -> memref<1001x1024xf32, #tpu.memory_space<hbm>>
    tpu.enqueue_indirect_dma source(%dma_start3A_1472 : memref<1001x1024xf32, #tpu.memory_space<hbm>>) target(%dma_start3A_1467 : memref<16x1024xf32, #tpu.memory_space<vmem>>) offsets(%dma_start3A_1469 : memref<16xi32, #tpu.memory_space<vmem>>) semaphore(%arg7 : memref<!tpu.dma_semaphore, #tpu.memory_space<semaphore_mem>>)
    %add3A_1473 = arith.constant 464 : i32
    %add3A_1474 = arith.addi %mul3A_2, %add3A_1473 : i32
    %dma_start3A_1475 = arith.constant 1 : i32
    %dma_start3A_1476 = arith.constant 0 : i32
    %dma_start3A_1477 = arith.constant 0 : i32
    %dma_start3A_1478 = tpu.memref_slice %arg6[%dma_start3A_1475, %dma_start3A_1476, %dma_start3A_1477] : memref<5x16x1024xf32, #tpu.memory_space<vmem>> -> memref<1x16x1024xf32, #tpu.memory_space<vmem>>
    %dma_start3A_1479 = tpu.memref_squeeze %dma_start3A_1478 : memref<1x16x1024xf32, #tpu.memory_space<vmem>> -> memref<16x1024xf32, #tpu.memory_space<vmem>>
    %dma_start3A_1480 = arith.constant 0 : i32
    %dma_start3A_1481 = tpu.memref_slice %arg4[%add3A_1474, %dma_start3A_1480] : memref<16384x1024xf32, #tpu.memory_space<hbm>> -> memref<16x1024xf32, #tpu.memory_space<hbm>>
    %dma_start3A_1482 = arith.constant 0 : i32
    %dma_start3A_1483 = tpu.memref_slice %arg4[%add3A_1474, %dma_start3A_1482] : memref<16384x1024xf32, #tpu.memory_space<hbm>> -> memref<16x1024xf32, #tpu.memory_space<hbm>>
    %dma_start3A_1484 = arith.constant 0 : i32
    %dma_start3A_1485 = arith.constant 0 : i32
    %dma_start3A_1486 = tpu.memref_slice %arg6[%dma_start3A_1475, %dma_start3A_1484, %dma_start3A_1485] : memref<5x16x1024xf32, #tpu.memory_space<vmem>> -> memref<1x16x1024xf32, #tpu.memory_space<vmem>>
    %dma_start3A_1487 = tpu.memref_squeeze %dma_start3A_1486 : memref<1x16x1024xf32, #tpu.memory_space<vmem>> -> memref<16x1024xf32, #tpu.memory_space<vmem>>
    tpu.enqueue_dma source(%dma_start3A_1487 : memref<16x1024xf32, #tpu.memory_space<vmem>>) target(%dma_start3A_1483 : memref<16x1024xf32, #tpu.memory_space<hbm>>) target_semaphore(%arg8 : memref<!tpu.dma_semaphore, #tpu.memory_space<semaphore_mem>>)
    %dma_wait3A_1488 = arith.constant 2 : i32
    %dma_wait3A_1489 = arith.constant 0 : i32
    %dma_wait3A_1490 = arith.constant 0 : i32
    %dma_wait3A_1491 = tpu.memref_slice %arg6[%dma_wait3A_1488, %dma_wait3A_1489, %dma_wait3A_1490] : memref<5x16x1024xf32, #tpu.memory_space<vmem>> -> memref<1x16x1024xf32, #tpu.memory_space<vmem>>
    %dma_wait3A_1492 = tpu.memref_squeeze %dma_wait3A_1491 : memref<1x16x1024xf32, #tpu.memory_space<vmem>> -> memref<16x1024xf32, #tpu.memory_space<vmem>>
    %dma_wait3A_1493 = arith.constant 480 : i32
    %dma_wait3A_1494 = tpu.memref_slice %arg5[%dma_wait3A_1493] : memref<512xi32, #tpu.memory_space<vmem>> -> memref<16xi32, #tpu.memory_space<vmem>>
    %dma_wait3A_1495 = arith.constant 0 : i32
    %dma_wait3A_1496 = arith.constant 0 : i32
    %dma_wait3A_1497 = tpu.memref_slice %arg3[%dma_wait3A_1495, %dma_wait3A_1496] : memref<1001x1024xf32, #tpu.memory_space<hbm>> -> memref<1001x1024xf32, #tpu.memory_space<hbm>>
    tpu.wait_indirect_dma semaphore(%arg7 : memref<!tpu.dma_semaphore, #tpu.memory_space<semaphore_mem>>) src(%dma_wait3A_1497 : memref<1001x1024xf32, #tpu.memory_space<hbm>>) dst(%dma_wait3A_1492 : memref<16x1024xf32, #tpu.memory_space<vmem>>)
    %dma_wait3A_1498 = arith.constant 0 : i32
    %dma_wait3A_1499 = arith.constant 0 : i32
    %dma_wait3A_1500 = arith.constant 0 : i32
    %dma_wait3A_1501 = tpu.memref_slice %arg6[%dma_wait3A_1498, %dma_wait3A_1499, %dma_wait3A_1500] : memref<5x16x1024xf32, #tpu.memory_space<vmem>> -> memref<1x16x1024xf32, #tpu.memory_space<vmem>>
    %dma_wait3A_1502 = tpu.memref_squeeze %dma_wait3A_1501 : memref<1x16x1024xf32, #tpu.memory_space<vmem>> -> memref<16x1024xf32, #tpu.memory_space<vmem>>
    %dma_wait3A_1503 = arith.constant 0 : i32
    %dma_wait3A_1504 = tpu.memref_slice %arg4[%add3A_1426, %dma_wait3A_1503] : memref<16384x1024xf32, #tpu.memory_space<hbm>> -> memref<16x1024xf32, #tpu.memory_space<hbm>>
    %dma_wait3A_1505 = arith.constant 0 : i32
    %dma_wait3A_1506 = tpu.memref_slice %arg4[%add3A_1426, %dma_wait3A_1505] : memref<16384x1024xf32, #tpu.memory_space<hbm>> -> memref<16x1024xf32, #tpu.memory_space<hbm>>
    %dma_wait3A_1507 = arith.constant 0 : i32
    %dma_wait3A_1508 = arith.constant 0 : i32
    %dma_wait3A_1509 = tpu.memref_slice %arg6[%dma_wait3A_1498, %dma_wait3A_1507, %dma_wait3A_1508] : memref<5x16x1024xf32, #tpu.memory_space<vmem>> -> memref<1x16x1024xf32, #tpu.memory_space<vmem>>
    %dma_wait3A_1510 = tpu.memref_squeeze %dma_wait3A_1509 : memref<1x16x1024xf32, #tpu.memory_space<vmem>> -> memref<16x1024xf32, #tpu.memory_space<vmem>>
    tpu.wait_dma2 semaphore(%arg8 : memref<!tpu.dma_semaphore, #tpu.memory_space<semaphore_mem>>) src(%dma_wait3A_1510 : memref<16x1024xf32, #tpu.memory_space<vmem>>) dst(%dma_wait3A_1506 : memref<16x1024xf32, #tpu.memory_space<hbm>>)
    %add3A_1511 = arith.constant 480 : i32
    %add3A_1512 = arith.addi %mul3A_2, %add3A_1511 : i32
    %dma_start3A_1513 = arith.constant 2 : i32
    %dma_start3A_1514 = arith.constant 0 : i32
    %dma_start3A_1515 = arith.constant 0 : i32
    %dma_start3A_1516 = tpu.memref_slice %arg6[%dma_start3A_1513, %dma_start3A_1514, %dma_start3A_1515] : memref<5x16x1024xf32, #tpu.memory_space<vmem>> -> memref<1x16x1024xf32, #tpu.memory_space<vmem>>
    %dma_start3A_1517 = tpu.memref_squeeze %dma_start3A_1516 : memref<1x16x1024xf32, #tpu.memory_space<vmem>> -> memref<16x1024xf32, #tpu.memory_space<vmem>>
    %dma_start3A_1518 = arith.constant 0 : i32
    %dma_start3A_1519 = tpu.memref_slice %arg4[%add3A_1512, %dma_start3A_1518] : memref<16384x1024xf32, #tpu.memory_space<hbm>> -> memref<16x1024xf32, #tpu.memory_space<hbm>>
    %dma_start3A_1520 = arith.constant 0 : i32
    %dma_start3A_1521 = tpu.memref_slice %arg4[%add3A_1512, %dma_start3A_1520] : memref<16384x1024xf32, #tpu.memory_space<hbm>> -> memref<16x1024xf32, #tpu.memory_space<hbm>>
    %dma_start3A_1522 = arith.constant 0 : i32
    %dma_start3A_1523 = arith.constant 0 : i32
    %dma_start3A_1524 = tpu.memref_slice %arg6[%dma_start3A_1513, %dma_start3A_1522, %dma_start3A_1523] : memref<5x16x1024xf32, #tpu.memory_space<vmem>> -> memref<1x16x1024xf32, #tpu.memory_space<vmem>>
    %dma_start3A_1525 = tpu.memref_squeeze %dma_start3A_1524 : memref<1x16x1024xf32, #tpu.memory_space<vmem>> -> memref<16x1024xf32, #tpu.memory_space<vmem>>
    tpu.enqueue_dma source(%dma_start3A_1525 : memref<16x1024xf32, #tpu.memory_space<vmem>>) target(%dma_start3A_1521 : memref<16x1024xf32, #tpu.memory_space<hbm>>) target_semaphore(%arg8 : memref<!tpu.dma_semaphore, #tpu.memory_space<semaphore_mem>>)
    %dma_wait3A_1526 = arith.constant 3 : i32
    %dma_wait3A_1527 = arith.constant 0 : i32
    %dma_wait3A_1528 = arith.constant 0 : i32
    %dma_wait3A_1529 = tpu.memref_slice %arg6[%dma_wait3A_1526, %dma_wait3A_1527, %dma_wait3A_1528] : memref<5x16x1024xf32, #tpu.memory_space<vmem>> -> memref<1x16x1024xf32, #tpu.memory_space<vmem>>
    %dma_wait3A_1530 = tpu.memref_squeeze %dma_wait3A_1529 : memref<1x16x1024xf32, #tpu.memory_space<vmem>> -> memref<16x1024xf32, #tpu.memory_space<vmem>>
    %dma_wait3A_1531 = arith.constant 496 : i32
    %dma_wait3A_1532 = tpu.memref_slice %arg5[%dma_wait3A_1531] : memref<512xi32, #tpu.memory_space<vmem>> -> memref<16xi32, #tpu.memory_space<vmem>>
    %dma_wait3A_1533 = arith.constant 0 : i32
    %dma_wait3A_1534 = arith.constant 0 : i32
    %dma_wait3A_1535 = tpu.memref_slice %arg3[%dma_wait3A_1533, %dma_wait3A_1534] : memref<1001x1024xf32, #tpu.memory_space<hbm>> -> memref<1001x1024xf32, #tpu.memory_space<hbm>>
    tpu.wait_indirect_dma semaphore(%arg7 : memref<!tpu.dma_semaphore, #tpu.memory_space<semaphore_mem>>) src(%dma_wait3A_1535 : memref<1001x1024xf32, #tpu.memory_space<hbm>>) dst(%dma_wait3A_1530 : memref<16x1024xf32, #tpu.memory_space<vmem>>)
    %dma_wait3A_1536 = arith.constant 1 : i32
    %dma_wait3A_1537 = arith.constant 0 : i32
    %dma_wait3A_1538 = arith.constant 0 : i32
    %dma_wait3A_1539 = tpu.memref_slice %arg6[%dma_wait3A_1536, %dma_wait3A_1537, %dma_wait3A_1538] : memref<5x16x1024xf32, #tpu.memory_space<vmem>> -> memref<1x16x1024xf32, #tpu.memory_space<vmem>>
    %dma_wait3A_1540 = tpu.memref_squeeze %dma_wait3A_1539 : memref<1x16x1024xf32, #tpu.memory_space<vmem>> -> memref<16x1024xf32, #tpu.memory_space<vmem>>
    %dma_wait3A_1541 = arith.constant 0 : i32
    %dma_wait3A_1542 = tpu.memref_slice %arg4[%add3A_1474, %dma_wait3A_1541] : memref<16384x1024xf32, #tpu.memory_space<hbm>> -> memref<16x1024xf32, #tpu.memory_space<hbm>>
    %dma_wait3A_1543 = arith.constant 0 : i32
    %dma_wait3A_1544 = tpu.memref_slice %arg4[%add3A_1474, %dma_wait3A_1543] : memref<16384x1024xf32, #tpu.memory_space<hbm>> -> memref<16x1024xf32, #tpu.memory_space<hbm>>
    %dma_wait3A_1545 = arith.constant 0 : i32
    %dma_wait3A_1546 = arith.constant 0 : i32
    %dma_wait3A_1547 = tpu.memref_slice %arg6[%dma_wait3A_1536, %dma_wait3A_1545, %dma_wait3A_1546] : memref<5x16x1024xf32, #tpu.memory_space<vmem>> -> memref<1x16x1024xf32, #tpu.memory_space<vmem>>
    %dma_wait3A_1548 = tpu.memref_squeeze %dma_wait3A_1547 : memref<1x16x1024xf32, #tpu.memory_space<vmem>> -> memref<16x1024xf32, #tpu.memory_space<vmem>>
    tpu.wait_dma2 semaphore(%arg8 : memref<!tpu.dma_semaphore, #tpu.memory_space<semaphore_mem>>) src(%dma_wait3A_1548 : memref<16x1024xf32, #tpu.memory_space<vmem>>) dst(%dma_wait3A_1544 : memref<16x1024xf32, #tpu.memory_space<hbm>>)
    %add3A_1549 = arith.constant 496 : i32
    %add3A_1550 = arith.addi %mul3A_2, %add3A_1549 : i32
    %dma_start3A_1551 = arith.constant 3 : i32
    %dma_start3A_1552 = arith.constant 0 : i32
    %dma_start3A_1553 = arith.constant 0 : i32
    %dma_start3A_1554 = tpu.memref_slice %arg6[%dma_start3A_1551, %dma_start3A_1552, %dma_start3A_1553] : memref<5x16x1024xf32, #tpu.memory_space<vmem>> -> memref<1x16x1024xf32, #tpu.memory_space<vmem>>
    %dma_start3A_1555 = tpu.memref_squeeze %dma_start3A_1554 : memref<1x16x1024xf32, #tpu.memory_space<vmem>> -> memref<16x1024xf32, #tpu.memory_space<vmem>>
    %dma_start3A_1556 = arith.constant 0 : i32
    %dma_start3A_1557 = tpu.memref_slice %arg4[%add3A_1550, %dma_start3A_1556] : memref<16384x1024xf32, #tpu.memory_space<hbm>> -> memref<16x1024xf32, #tpu.memory_space<hbm>>
    %dma_start3A_1558 = arith.constant 0 : i32
    %dma_start3A_1559 = tpu.memref_slice %arg4[%add3A_1550, %dma_start3A_1558] : memref<16384x1024xf32, #tpu.memory_space<hbm>> -> memref<16x1024xf32, #tpu.memory_space<hbm>>
    %dma_start3A_1560 = arith.constant 0 : i32
    %dma_start3A_1561 = arith.constant 0 : i32
    %dma_start3A_1562 = tpu.memref_slice %arg6[%dma_start3A_1551, %dma_start3A_1560, %dma_start3A_1561] : memref<5x16x1024xf32, #tpu.memory_space<vmem>> -> memref<1x16x1024xf32, #tpu.memory_space<vmem>>
    %dma_start3A_1563 = tpu.memref_squeeze %dma_start3A_1562 : memref<1x16x1024xf32, #tpu.memory_space<vmem>> -> memref<16x1024xf32, #tpu.memory_space<vmem>>
    tpu.enqueue_dma source(%dma_start3A_1563 : memref<16x1024xf32, #tpu.memory_space<vmem>>) target(%dma_start3A_1559 : memref<16x1024xf32, #tpu.memory_space<hbm>>) target_semaphore(%arg8 : memref<!tpu.dma_semaphore, #tpu.memory_space<semaphore_mem>>)
    %dma_wait3A_1564 = arith.constant 2 : i32
    %dma_wait3A_1565 = arith.constant 0 : i32
    %dma_wait3A_1566 = arith.constant 0 : i32
    %dma_wait3A_1567 = tpu.memref_slice %arg6[%dma_wait3A_1564, %dma_wait3A_1565, %dma_wait3A_1566] : memref<5x16x1024xf32, #tpu.memory_space<vmem>> -> memref<1x16x1024xf32, #tpu.memory_space<vmem>>
    %dma_wait3A_1568 = tpu.memref_squeeze %dma_wait3A_1567 : memref<1x16x1024xf32, #tpu.memory_space<vmem>> -> memref<16x1024xf32, #tpu.memory_space<vmem>>
    %dma_wait3A_1569 = arith.constant 0 : i32
    %dma_wait3A_1570 = tpu.memref_slice %arg4[%add3A_1512, %dma_wait3A_1569] : memref<16384x1024xf32, #tpu.memory_space<hbm>> -> memref<16x1024xf32, #tpu.memory_space<hbm>>
    %dma_wait3A_1571 = arith.constant 0 : i32
    %dma_wait3A_1572 = tpu.memref_slice %arg4[%add3A_1512, %dma_wait3A_1571] : memref<16384x1024xf32, #tpu.memory_space<hbm>> -> memref<16x1024xf32, #tpu.memory_space<hbm>>
    %dma_wait3A_1573 = arith.constant 0 : i32
    %dma_wait3A_1574 = arith.constant 0 : i32
    %dma_wait3A_1575 = tpu.memref_slice %arg6[%dma_wait3A_1564, %dma_wait3A_1573, %dma_wait3A_1574] : memref<5x16x1024xf32, #tpu.memory_space<vmem>> -> memref<1x16x1024xf32, #tpu.memory_space<vmem>>
    %dma_wait3A_1576 = tpu.memref_squeeze %dma_wait3A_1575 : memref<1x16x1024xf32, #tpu.memory_space<vmem>> -> memref<16x1024xf32, #tpu.memory_space<vmem>>
    tpu.wait_dma2 semaphore(%arg8 : memref<!tpu.dma_semaphore, #tpu.memory_space<semaphore_mem>>) src(%dma_wait3A_1576 : memref<16x1024xf32, #tpu.memory_space<vmem>>) dst(%dma_wait3A_1572 : memref<16x1024xf32, #tpu.memory_space<hbm>>)
    %dma_wait3A_1577 = arith.constant 3 : i32
    %dma_wait3A_1578 = arith.constant 0 : i32
    %dma_wait3A_1579 = arith.constant 0 : i32
    %dma_wait3A_1580 = tpu.memref_slice %arg6[%dma_wait3A_1577, %dma_wait3A_1578, %dma_wait3A_1579] : memref<5x16x1024xf32, #tpu.memory_space<vmem>> -> memref<1x16x1024xf32, #tpu.memory_space<vmem>>
    %dma_wait3A_1581 = tpu.memref_squeeze %dma_wait3A_1580 : memref<1x16x1024xf32, #tpu.memory_space<vmem>> -> memref<16x1024xf32, #tpu.memory_space<vmem>>
    %dma_wait3A_1582 = arith.constant 0 : i32
    %dma_wait3A_1583 = tpu.memref_slice %arg4[%add3A_1550, %dma_wait3A_1582] : memref<16384x1024xf32, #tpu.memory_space<hbm>> -> memref<16x1024xf32, #tpu.memory_space<hbm>>
    %dma_wait3A_1584 = arith.constant 0 : i32
    %dma_wait3A_1585 = tpu.memref_slice %arg4[%add3A_1550, %dma_wait3A_1584] : memref<16384x1024xf32, #tpu.memory_space<hbm>> -> memref<16x1024xf32, #tpu.memory_space<hbm>>
    %dma_wait3A_1586 = arith.constant 0 : i32
    %dma_wait3A_1587 = arith.constant 0 : i32
    %dma_wait3A_1588 = tpu.memref_slice %arg6[%dma_wait3A_1577, %dma_wait3A_1586, %dma_wait3A_1587] : memref<5x16x1024xf32, #tpu.memory_space<vmem>> -> memref<1x16x1024xf32, #tpu.memory_space<vmem>>
    %dma_wait3A_1589 = tpu.memref_squeeze %dma_wait3A_1588 : memref<1x16x1024xf32, #tpu.memory_space<vmem>> -> memref<16x1024xf32, #tpu.memory_space<vmem>>
    tpu.wait_dma2 semaphore(%arg8 : memref<!tpu.dma_semaphore, #tpu.memory_space<semaphore_mem>>) src(%dma_wait3A_1589 : memref<16x1024xf32, #tpu.memory_space<vmem>>) dst(%dma_wait3A_1585 : memref<16x1024xf32, #tpu.memory_space<hbm>>)
    return
  }
}

</mosaic_0001>

<sc_bundles>
// kernel: wrapper.3.cloned.1.call-start
scs
__scs_entry_jumppad:
0x0: {  	(pc) =	sbr.rel $0x88, $3  }
0x1: {  	(tag) =	ssettag $0x0;
	lr =	simm.s32 $0x1  }
0x2: {  	[smem:$0x3F9F] =	sst lr;
	_ =	strace $0xD0000000  }
0x3: {  	_ = 	snop  }
0x4: {  	_ = 	snop  }
0x5: {  	_ = 	snop  }
0x6: {  	_ = 	snop  }
0x7: {  	_ = 	snop  }
__scs_overlays_trampoline_lowered:
0x8: {  	[smem:$0x3FAE] =	sst s0  }
0x9: {  	[smem:$0x3FAF] =	sst s1  }
0xa: {  	[smem:$0x3FB0] =	sst s2  }
0xb: {  	[smem:$0x3FB1] =	sst s3  }
0xc: {  	[smem:$0x3FB2] =	sst s4  }
0xd: {  	[smem:$0x3FB3] =	sst s5  }
0xe: {  	[smem:$0x3FB4] =	sst s6  }
0xf: {  	[smem:$0x3FB5] =	sst s7  }
0x10: {  	[smem:$0x3FB6] =	sst s8  }
0x11: {  	[smem:$0x3FB7] =	sst s9;
	s0 =	simm.s32 @!p0 $0x0  }
0x12: {  	s1 =	sld [smem:$0x3F9D];
	s0 =	simm.s32 @p0 $0x1  }
0x13: {  	[smem:$0x3FB8] =	sst s0;
	s0 =	simm.s32 @!p1 $0x0  }
0x14: {  	s2 =	sld [smem:$0x3F9C];
	s0 =	simm.s32 @p1 $0x1  }
0x15: {  	[smem:$0x3FB9] =	sst s0;
	s0 =	simm.s32 @!p2 $0x0  }
0x16: {  	s3 =	sld [smem:$0x3FDB];
	s0 =	simm.s32 @p2 $0x1  }
0x17: {  	s4 =	simm.s32 $0x1BF5;
	[smem:$0x3FBB] =	sst s0  }
0x18: {  	s0 =	sld [smem:$0x3F9E];
	_ =	swait.ge [sflag:s4], $0x0  }
0x19: {  	s7 =	sld [smem:$0x3F9F]  }
0x1a: {  	s8 =	sadd.s32 $0xFFFFE003, lr  }
0x1b: {  	s9 =	sadd.s32 $0xFFFFFEF7, lr;
	s5 =	simm.s32 $0xFFFFFFFF;
	p2 =	slt.u32 s8, $0xFFFFF086  }
0x1c: {  	p1 =	slt.u32 s9, $0xF7A;
	s5 =	simm.s32 @!p2 $0x0  }
0x1d: {  	s5 =	simm.s32 @p1 $0x1;
	p0 =	seq.s32 s7, s2  }
0x1e: {  	s7 =	smul.u32 @!p0 $0xF7A, s2;
	p2 =	seq.s32 @!p0 s5, $0x0  }
0x1f: {  	s9 =	smul.u32 $0xF7A, s1;
	s8 =	simm.s32 @!p0 $0x1BF5;
	p2 =	por !p2, p0  }
0x20: {  	[sflag:s8] =	ssyncset.s32 @!p0 $0xFFFFF086;
	s6 =	sadd.s32 @!p0 s3, s7;
	s7 =	simm.s32 @!p0 $0x108  }
0x21: {  	s3 =	sadd.s32 s3, s9;
	s6 =	sadd.s32 @!p0 $0x88, s6;
	s7 =	simm.s32 @p2 $0x1082  }
0x22: {  	[simem:s7], [sflag:s8] =	dma.local @!p0 [hbm:s6], $0xF7A  }
0x23: {  	s9 =	sor.u32 $0xD0000000, s2;
	s6 =	simm.s32 $0x108;
	_ =	swait.ge @!p0 [sflag:s8], $0x0  }
0x24: {  	s3 =	sadd.s32 $0x88, s3;
	s6 =	simm.s32 @!p1 $0x1082;
	[sflag:s4] =	ssyncset.s32 $0xFFFFF086  }
0x25: {  	[simem:s6], [sflag:s4] =	dma.local [hbm:s3], $0xF7A  }
0x26: {  	[smem:$0x3F9F] =	sst s1;
	(tag) =	ssettag s2;
	_ =	strace s9  }
0x27: {  	s1 =	sld [smem:$0x3FAF]  }
0x28: {  	s2 =	sld [smem:$0x3FB0]  }
0x29: {  	s4 =	sld [smem:$0x3FB2]  }
0x2a: {  	p0 =	seq.s32 s5, $0x0;
	s5 =	sld [smem:$0x3FB3]  }
0x2b: {  	s6 =	sld [smem:$0x3FB4]  }
0x2c: {  	s7 =	sld [smem:$0x3FB5]  }
0x2d: {  	s3 =	simm.s32 $0x108;
	s8 =	sld [smem:$0x3FB6]  }
0x2e: {  	s3 =	simm.s32 @!p0 $0x1082;
	s9 =	sld [smem:$0x3FB7]  }
0x2f: {  	lr =	sadd.s32 s0, s3;
	s0 =	sld [smem:$0x3FAE]  }
0x30: {  	s3 =	sld [smem:$0x3FB1]  }
0x31: {  	[smem:$0x3FBA] =	sst s10  }
0x32: {  	s10 =	sld [smem:$0x3FB8];
	_ =	sdelay $0x3  }
0x33: {  	p0 =	seq.s32 s10, $0x1;
	s10 =	sld [smem:$0x3FBA];
	_ =	sdelay $0x3  }
0x34: {  	[smem:$0x3FBA] =	sst s10  }
0x35: {  	s10 =	sld [smem:$0x3FB9];
	_ =	sdelay $0x3  }
0x36: {  	p1 =	seq.s32 s10, $0x1;
	s10 =	sld [smem:$0x3FBA];
	_ =	sdelay $0x3  }
0x37: {  	[smem:$0x3FBA] =	sst s10  }
0x38: {  	s10 =	sld [smem:$0x3FBB]  }
0x39: {  	_ = 	snop;
	(pc) =	sbr.ind lr, $3  }
0x3a: {  	_ = 	snop  }
0x3b: {  	_ = 	snop  }
0x3c: {  	p2 =	seq.s32 s10, $0x1;
	s10 =	sld [smem:$0x3FBA]  }
0x3d: {  	_ =	shalt  }
0x3e: {  	_ =	shalt  }
0x3f: {  	_ =	shalt  }
0x40: {  	_ =	shalt  }
0x41: {  	_ =	shalt  }
0x42: {  	_ =	shalt  }
0x43: {  	_ =	shalt  }
0x44: {  	_ =	shalt  }
0x45: {  	_ =	shalt  }
0x46: {  	_ =	shalt  }
0x47: {  	_ =	shalt  }
0x48: {  	_ =	shalt  }
0x49: {  	_ =	shalt  }
0x4a: {  	_ =	shalt  }
0x4b: {  	_ =	shalt  }
0x4c: {  	_ =	shalt  }
0x4d: {  	_ =	shalt  }
0x4e: {  	_ =	shalt  }
0x4f: {  	_ =	shalt  }
0x50: {  	_ =	shalt  }
0x51: {  	_ =	shalt  }
0x52: {  	_ =	shalt  }
0x53: {  	_ =	shalt  }
0x54: {  	_ =	shalt  }
0x55: {  	_ =	shalt  }
0x56: {  	_ =	shalt  }
0x57: {  	_ =	shalt  }
0x58: {  	_ =	shalt  }
0x59: {  	_ =	shalt  }
0x5a: {  	_ =	shalt  }
0x5b: {  	_ =	shalt  }
0x5c: {  	_ =	shalt  }
0x5d: {  	_ =	shalt  }
0x5e: {  	_ =	shalt  }
0x5f: {  	_ =	shalt  }
0x60: {  	_ =	shalt  }
0x61: {  	_ =	shalt  }
0x62: {  	_ =	shalt  }
0x63: {  	_ =	shalt  }
0x64: {  	_ =	shalt  }
0x65: {  	_ =	shalt  }
0x66: {  	_ =	shalt  }
0x67: {  	_ =	shalt  }
0x68: {  	_ =	shalt  }
0x69: {  	_ =	shalt  }
0x6a: {  	_ =	shalt  }
0x6b: {  	_ =	shalt  }
0x6c: {  	_ =	shalt  }
0x6d: {  	_ =	shalt  }
0x6e: {  	_ =	shalt  }
0x6f: {  	_ =	shalt  }
0x70: {  	_ =	shalt  }
0x71: {  	_ =	shalt  }
0x72: {  	_ =	shalt  }
0x73: {  	_ =	shalt  }
0x74: {  	_ =	shalt  }
0x75: {  	_ =	shalt  }
0x76: {  	_ =	shalt  }
0x77: {  	_ =	shalt  }
0x78: {  	_ =	shalt  }
0x79: {  	_ =	shalt  }
0x7a: {  	_ =	shalt  }
0x7b: {  	_ =	shalt  }
0x7c: {  	_ =	shalt  }
0x7d: {  	_ =	shalt  }
0x7e: {  	_ =	shalt  }
0x7f: {  	_ =	shalt  }
0x80: {  	_ =	shalt  }
0x81: {  	_ =	shalt  }
0x82: {  	_ =	shalt  }
0x83: {  	_ =	shalt  }
0x84: {  	_ =	shalt  }
0x85: {  	_ =	shalt  }
0x86: {  	_ =	shalt  }
0x87: {  	_ =	shalt  }
.Lfunc_end0:
.L_simem_size_0:
called_computation_lowered:
.L_overlay_start_0:
0x88: {  	s2 =	sld [smem:$0x3FD9]  }
0x89: {  	s3 =	sld [smem:$0x3FFE];
	_ =	sdelay $0x1  }
0x8a: {  	s1 =	srdreg.scid  }
0x8b: {  	s0 =	sand.u32 $0x1, s1  }
0x8c: {  	s18 =	sshll.u32 s0, $0xA;
	s2 =	sadd.s32 s3, s2  }
0x8d: {  	s2 =	sadd.s32 s2, s18  }
0x8e: {  	[smem:$0x3FC6] =	sst s2  }
0x8f: {  	_ = 	snop  }
0x90: {  	s2 =	sld [smem:$0x3FC9]  }
0x91: {  	s19 =	sld [smem:$0x3FC8]  }
0x92: {  	s4 =	sld [smem:$0x3FD0];
	(tm) =	ssettm $0x1  }
0x93: {  	s5 =	sld [smem:$0x3FFB];
	_ =	sdelay $0x3  }
0x94: {  	_ =	strace s5  }
0x95: {  	s5 =	sld [smem:$0x3FFC];
	_ =	sdelay $0x3  }
0x96: {  	_ =	strace s5  }
0x97: {  	s5 =	sld [smem:$0x3FFD];
	_ =	sdelay $0x3  }
0x98: {  	_ =	strace s5  }
0x99: {  	_ =	strace $0x8FFFFFFF  }
0x9a: {  	s20 =	sld [smem:$0x3FDB];
	_ =	sdelay $0x1  }
0x9b: {  	s6 =	simm.s32 $_scs_section_size  }
0x9c: {  	s7 =	simm.s32 $_size__tile_overlayer_lowered;
	s8 =	simm.s32 $_tile_overlayer_lowered  }
0x9d: {  	s23 =	simm.s32 $0x1BFF;
	s22 =	sshll.u32 s8, $0x1;
	s5 =	sadd.s32 s6, s20  }
0x9e: {  	s9 =	simm.s32 $0x0;
	s21 =	sshll.u32 s7, $0x1;
	s7 =	sadd.s32 s22, s5  }
0x9f: {  	[timem:s9], [sflag:s23] =	dma.local [hbm:s7], s21  }
0xa0: {  	_ =	swait.ge [sflag:s23], s21  }
0xa1: {  	s6 =	ssub.s32 $0x0, s21;
	[sflag:s23] =	ssyncset.done $0x0  }
0xa2: {  	[sflag:s23] =	ssyncadd.s32 s6;
	_ =	sdelay $0x1  }
0xa3: {  	s24 =	simm.s32 $0x1B8B  }
0xa4: {  	_ =	swait.ge [sflag:s24], $0x1  }
0xa5: {  	[sflag:s24] =	ssyncset.done $0x0  }
0xa6: {  	s25 =	simm.s32 $0x1B8E;
	[sflag:s24] =	ssyncadd.s32 $0xFFFFFFFF  }
0xa7: {  	s26 =	simm.s32 $execute0_lowered;
	[smem:$0x3FD2] =	sst s25  }
0xa8: {  	s6 =	sshll.u32 s26, $0x1;
	_ =	strace $0x80000046;
	[dreg:$0x1] =	wrdreg $0xFFFFFFFF  }
0xa9: {  	s28 =	simm.s32 $_size_execute0_lowered;
	s5 =	sadd.s32 s5, s6;
	[dreg:$0x0] =	wrdreg $0x0  }
0xaa: {  	s6 =	sshll.u32 s28, $0x1;
	[dreg:$0x2] =	wrdreg s5  }
0xab: {  	[dreg:$0x3] =	wrdreg s6  }
0xac: {  	[dreg:$0x4] =	wrdreg $0xC0  }
0xad: {  	_ =	task [dreg:s9], $0x5FFFF  }
0xae: {  	[dreg:$0x1] =	wrdreg $0xFFFFFFFF  }
0xaf: {  	[dreg:$0x0] =	wrdreg $0x60  }
0xb0: {  	[dreg:$0x2] =	wrdreg s2  }
0xb1: {  	[dreg:$0x3] =	wrdreg s19  }
0xb2: {  	[dreg:$0x4] =	wrdreg s4  }
0xb3: {  	[dreg:$0x5] =	wrdreg $0x9  }
0xb4: {  	_ =	task.clear_ibuf [dreg:s9], $0x6FFFF;
	_ =	strace $0x90000046  }
0xb5: {  	s29 =	simm.s32 $0x9;
	_ =	strace $0x80000048  }
0xb6: {  	_ =	swait.ge [sflag:s29], $0x1  }
0xb7: {  	[sflag:s29] =	ssyncadd.s32 $0xFFFFFFFF  }
0xb8: {  	_ =	strace $0x90000048  }
0xb9: {  	_ =	sfence  }
0xba: {  	s30 =	sld [smem:$0x0];
	_ =	sdelay $0x2  }
0xbb: {  	s31 =	sshll.u32 s1, $0xD;
	s1 =	sshrl.u32 s1, $0x2  }
0xbc: {  	s3 =	sand.u32 $0x4000, s31;
	s1 =	sadd.s32 s1, s30  }
0xbd: {  	s0 =	sor.u32 s3, s0;
	s1 =	sshll.u32 s1, $0x11  }
0xbe: {  	s0 =	sor.u32 s1, s0  }
0xbf: {  	s0 =	sadd.s32 $0x8F2B, s0  }
0xc0: {  	[sflag:s0] =	ssyncadd.remote.s32 $0x1  }
0xc1: {  	_ =	sfence.sel $0xFFFF  }
0xc2: {  	[dreg:$0x0] =	wrdreg $0xFFFFFFFF;
	(pc) =	sbr.abs _section_cstart, $3  }
0xc3: {  	[dreg:$0x1] =	wrdreg $0xFFFFFFFF  }
0xc4: {  	_ =	task.clear_ibuf [dreg:s9], $0x2FFFF;
	_ =	strace $0x9FFFFFFF  }
0xc5: {  	(tm) =	ssettm $0x7FFFFFFF  }
tec
execute0_lowered:
.L_overlay_start_1:
0x0: {  	(tag) =	ssettag $0x1  }
0x1: {  	s4 =	srdreg.scid;
	s5 =	stileid.u32  }
0x2: {  	s0 =	rddreg [dreg:$0x0];
	s4 =	sand.u32 $0x1, s4;
	s5 =	sshll.u32 s5, $0x1  }
0x3: {  	s2 =	rddreg [dreg:$0x1];
	s6 =	ssub.s32 $0x2, s4;
	s4 =	sor.u32 s4, s5  }
0x4: {  	s1 =	rddreg [dreg:$0x2];
	s3 =	simm.s32 $0x0;
	s7 =	sshll.u32 s4, $0x6  }
0x5: {  	[smem:$0x7FF] =	sst s3;
	s21 =	sshll.u32 s4, $0x10;
	s0 =	sadd.s32 s0, s7  }
0x6: {  	_ =	strace $0x80000047;
	[dreg:$0x4] =	wrdreg s0;
	s0 =	sadd.s32 s1, s21  }
0x7: {  	s1 =	sadd.s32 $0x800, s0;
	[dreg:$0x5] =	wrdreg s0  }
0x8: {  	s22 =	sadd.s32 $0x1000, s0;
	[dreg:$0x6] =	wrdreg s1  }
0x9: {  	s23 =	sadd.s32 $0x1800, s0;
	[dreg:$0x7] =	wrdreg s22  }
0xa: {  	s24 =	sadd.s32 $0x2000, s0;
	[dreg:$0x8] =	wrdreg s23  }
0xb: {  	s25 =	sadd.s32 $0x2800, s0;
	[dreg:$0x9] =	wrdreg s24  }
0xc: {  	s26 =	sadd.s32 $0x3000, s0;
	[dreg:$0xa] =	wrdreg s25  }
0xd: {  	s28 =	sadd.s32 $0x3800, s0;
	[dreg:$0xb] =	wrdreg s26  }
0xe: {  	s30 =	sadd.s32 $0x4000, s0;
	[dreg:$0xc] =	wrdreg s28  }
0xf: {  	s31 =	sadd.s32 $0x4800, s0;
	[dreg:$0xd] =	wrdreg s30  }
0x10: {  	s9 =	sadd.s32 $0x5000, s0;
	[dreg:$0xe] =	wrdreg s31  }
0x11: {  	s10 =	sadd.s32 $0x5800, s0;
	[dreg:$0xf] =	wrdreg s9  }
0x12: {  	s11 =	sadd.s32 $0x6000, s0;
	[dreg:$0x10] =	wrdreg s10  }
0x13: {  	s12 =	sadd.s32 $0x6800, s0;
	[dreg:$0x11] =	wrdreg s11  }
0x14: {  	s13 =	sadd.s32 $0x7000, s0;
	[dreg:$0x12] =	wrdreg s12  }
0x15: {  	s14 =	sadd.s32 $0x7800, s0;
	[dreg:$0x13] =	wrdreg s13  }
0x16: {  	s29 =	simm.s32 $0x2;
	s15 =	sadd.s32 $0x8000, s0;
	[dreg:$0x14] =	wrdreg s14  }
0x17: {  	s8 =	sadd.s32 $0x300, s2;
	s16 =	sadd.s32 $0x8800, s0;
	[dreg:$0x15] =	wrdreg s15  }
0x18: {  	s5 =	sadd.s32 $0x100, s2;
	s17 =	sadd.s32 $0x9000, s0;
	[dreg:$0x16] =	wrdreg s16  }
0x19: {  	s20 =	sshrl.u32 s6, $0x1;
	s18 =	sadd.s32 $0x9800, s0;
	[dreg:$0x17] =	wrdreg s17  }
0x1a: {  	s4 =	sand.u32 $0x3, s4;
	s19 =	sadd.s32 $0xA000, s0;
	[dreg:$0x18] =	wrdreg s18  }
0x1b: {  	s6 =	ssub.s32 s6, s20;
	s20 =	sadd.s32 $0xA800, s0;
	[dreg:$0x19] =	wrdreg s19  }
0x1c: {  	s7 =	sadd.s32 $0x200, s2;
	s21 =	sadd.s32 $0xB000, s0;
	[dreg:$0x1a] =	wrdreg s20  }
0x1d: {  	p0 =	seq.s32 s4, $0x0;
	[dreg:$0x1b] =	wrdreg s21;
	s22 =	sadd.s32 $0xB800, s0  }
0x1e: {  	p1 =	sne.s32 s4, $0x3;
	s23 =	sadd.s32 $0xC000, s0;
	[dreg:$0x1c] =	wrdreg s22  }
0x1f: {  	p2 =	seq.s32 @!p0 s4, $0x1;
	s24 =	sadd.s32 $0xC800, s0;
	[dreg:$0x1d] =	wrdreg s23  }
0x20: {  	s4 =	smax.u32 s6, $0x1;
	s25 =	sadd.s32 $0xD000, s0;
	[dreg:$0x1e] =	wrdreg s24  }
0x21: {  	p2 =	por p0, p2;
	s26 =	sadd.s32 $0xD800, s0;
	[dreg:$0x1f] =	wrdreg s25  }
.Ltmp0:
0x22: {  	s28 =	sadd.s32 $0xE000, s0;
	[smem:$0x7F9] =	sst s26;
	(pc) =	sbr.rel .LBB2_1-.Ltmp0, $4  }
0x23: {  	s30 =	sadd.s32 $0xE800, s0;
	s31 =	sadd.s32 $0xF000, s0;
	[smem:$0x7FA] =	sst s28  }
0x24: {  	v2 =	vlaneseq.u32;
	s0 =	sadd.s32 $0xF800, s0;
	s17 =	simm.s32 $0x200;
	[smem:$0x7FB] =	sst s30  }
0x25: {  	vm1 =	vmmov $0xffff;
	v0 =	vand.u32 $0x7, v2;
	v1 =	vshrl.u32 v2, $0x3;
	s9 =	simm.s32 $0x1;
	s10 =	simm.s32 $0x8200;
	[smem:$0x7FC] =	sst s31  }
0x26: {  	v2 =	vor.u32 $0x8, v2;
	v1 =	vmul.u32 $0x8, v1;
	vm0 =	vmmov @!p0 $0xffff;
	s18 =	simm.s32 $0xC200;
	[smem:$0x7FD] =	sst s0;
	s26 =	simm.s32 $0x4200  }
.LBB2_3:
0x27: {  	v3 =	vld [tilespmem:$0x0];
	_ =	sdelay $0x4  }
0x28: {  	v4 =	vshll.u32 v3, $0x3  }
0x29: {  	v3 =	vand.u32 $0x7, v3;
	v4 =	vand.u32 $0xFFFFFFC0, v4  }
0x2a: {  	v3 =	vor.u32 v3, v4  }
0x2b: {  	v4 =	vperm.xlane v3, v0;
	_ =	sdelay $0x1  }
0x2c: {  	v4 =	vadd.s32 v1, v4;
	_ =	sdelay $0x4  }
0x2d: {  	[tilespmem:s17], [sflag:$0x1] =	stream.indirect_vreg.gather [hbm4b:s2+s3], $0x80, v4, vm1, $0xb8;
	[tilespmem:$0x14200] =	vst v63  }
0x2e: {  	s0 =	simm.s32 $0xA00;
	v3 =	vperm.xlane v3, v2  }
0x2f: {  	[tilespmem:s0], [sflag:$0x1] =	stream.indirect_vreg.gather [hbm4b:s5+s3], $0x80, v4, vm1, $0xb8;
	[tilespmem:$0x14200] =	vst v63  }
0x30: {  	s21 =	simm.s32 $0x1200;
	v3 =	vadd.s32 v1, v3  }
0x31: {  	[tilespmem:s21], [sflag:$0x1] =	stream.indirect_vreg.gather [hbm4b:s7+s3], $0x80, v4, vm1, $0xb8;
	[tilespmem:$0x14200] =	vst v63  }
0x32: {  	s22 =	simm.s32 $0x1A00  }
0x33: {  	[tilespmem:s22], [sflag:$0x1] =	stream.indirect_vreg.gather [hbm4b:s8+s3], $0x80, v4, vm1, $0xb8;
	[tilespmem:$0x14200] =	vst v63  }
0x34: {  	s23 =	simm.s32 $0x2200  }
0x35: {  	[tilespmem:s23], [sflag:$0x1] =	stream.indirect_vreg.gather [hbm4b:s2+s3], $0x80, v3, vm1, $0xb8;
	[tilespmem:$0x14200] =	vst v63  }
0x36: {  	s24 =	simm.s32 $0x2A00  }
0x37: {  	[tilespmem:s24], [sflag:$0x1] =	stream.indirect_vreg.gather [hbm4b:s5+s3], $0x80, v3, vm1, $0xb8;
	[tilespmem:$0x14200] =	vst v63  }
0x38: {  	s25 =	simm.s32 $0x3200  }
0x39: {  	[tilespmem:s25], [sflag:$0x1] =	stream.indirect_vreg.gather [hbm4b:s7+s3], $0x80, v3, vm1, $0xb8;
	[tilespmem:$0x14200] =	vst v63  }
0x3a: {  	s28 =	simm.s32 $0x3A00  }
0x3b: {  	[tilespmem:s28], [sflag:$0x1] =	stream.indirect_vreg.gather [hbm4b:s8+s3], $0x80, v3, vm1, $0xb8;
	[tilespmem:$0x14200] =	vst v63  }
0x3c: {  	v3 =	vld [tilespmem:$0x10];
	_ =	sdelay $0x4  }
0x3d: {  	v33 =	vshll.u32 v3, $0x3  }
0x3e: {  	v3 =	vand.u32 $0x7, v3;
	v4 =	vand.u32 $0xFFFFFFC0, v33  }
0x3f: {  	v3 =	vor.u32 v3, v4  }
0x40: {  	v4 =	vperm.xlane v3, v0;
	_ =	sdelay $0x1  }
0x41: {  	v4 =	vadd.s32 v1, v4;
	_ =	sdelay $0x4  }
0x42: {  	[tilespmem:s26], [sflag:$0x1] =	stream.indirect_vreg.gather [hbm4b:s2+s3], $0x80, v4, vm1, $0xb8;
	[tilespmem:$0x14200] =	vst v63  }
0x43: {  	s30 =	simm.s32 $0x4A00;
	v3 =	vperm.xlane v3, v2  }
0x44: {  	[tilespmem:s30], [sflag:$0x1] =	stream.indirect_vreg.gather [hbm4b:s5+s3], $0x80, v4, vm1, $0xb8;
	[tilespmem:$0x14200] =	vst v63  }
0x45: {  	s31 =	simm.s32 $0x5200;
	v3 =	vadd.s32 v1, v3  }
0x46: {  	[tilespmem:s31], [sflag:$0x1] =	stream.indirect_vreg.gather [hbm4b:s7+s3], $0x80, v4, vm1, $0xb8;
	[tilespmem:$0x14200] =	vst v63  }
0x47: {  	s4 =	simm.s32 $0x5A00  }
0x48: {  	[tilespmem:s4], [sflag:$0x1] =	stream.indirect_vreg.gather [hbm4b:s8+s3], $0x80, v4, vm1, $0xb8;
	[tilespmem:$0x14200] =	vst v63  }
0x49: {  	s6 =	simm.s32 $0x6200  }
0x4a: {  	[tilespmem:s6], [sflag:$0x1] =	stream.indirect_vreg.gather [hbm4b:s2+s3], $0x80, v3, vm1, $0xb8;
	[tilespmem:$0x14200] =	vst v63  }
0x4b: {  	s11 =	simm.s32 $0x6A00  }
0x4c: {  	[tilespmem:s11], [sflag:$0x1] =	stream.indirect_vreg.gather [hbm4b:s5+s3], $0x80, v3, vm1, $0xb8;
	[tilespmem:$0x14200] =	vst v63  }
0x4d: {  	s12 =	simm.s32 $0x7200  }
0x4e: {  	[tilespmem:s12], [sflag:$0x1] =	stream.indirect_vreg.gather [hbm4b:s7+s3], $0x80, v3, vm1, $0xb8;
	[tilespmem:$0x14200] =	vst v63  }
0x4f: {  	s13 =	simm.s32 $0x7A00  }
0x50: {  	[tilespmem:s13], [sflag:$0x1] =	stream.indirect_vreg.gather [hbm4b:s8+s3], $0x80, v3, vm1, $0xb8;
	[tilespmem:$0x14200] =	vst v63  }
0x51: {  	_ =	swait.ge [sflag:s9], $0x4000  }
0x52: {  	[sflag:s9] =	ssyncset.done $0x0  }
0x53: {  	[sflag:s9] =	ssyncadd.s32 $0xFFFFC000  }
0x54: {  	v3 =	vld [tilespmem:$0x20];
	_ =	sdelay $0x4  }
0x55: {  	v34 =	vshll.u32 v3, $0x3  }
0x56: {  	v3 =	vand.u32 $0x7, v3;
	v4 =	vand.u32 $0xFFFFFFC0, v34  }
0x57: {  	v3 =	vor.u32 v3, v4  }
0x58: {  	v4 =	vperm.xlane v3, v0;
	_ =	sdelay $0x1  }
0x59: {  	v4 =	vadd.s32 v1, v4;
	_ =	sdelay $0x4  }
0x5a: {  	[tilespmem:s10], [sflag:$0x1] =	stream.indirect_vreg.gather [hbm4b:s2+s3], $0x80, v4, vm1, $0xb8;
	[tilespmem:$0x14200] =	vst v63  }
0x5b: {  	s16 =	simm.s32 $0x8A00;
	v3 =	vperm.xlane v3, v2  }
0x5c: {  	[tilespmem:s16], [sflag:$0x1] =	stream.indirect_vreg.gather [hbm4b:s5+s3], $0x80, v4, vm1, $0xb8;
	[tilespmem:$0x14200] =	vst v63  }
0x5d: {  	s19 =	simm.s32 $0x9200;
	v3 =	vadd.s32 v1, v3  }
0x5e: {  	[tilespmem:s19], [sflag:$0x1] =	stream.indirect_vreg.gather [hbm4b:s7+s3], $0x80, v4, vm1, $0xb8;
	[tilespmem:$0x14200] =	vst v63  }
0x5f: {  	s20 =	simm.s32 $0x9A00  }
0x60: {  	[tilespmem:s20], [sflag:$0x1] =	stream.indirect_vreg.gather [hbm4b:s8+s3], $0x80, v4, vm1, $0xb8;
	[tilespmem:$0x14200] =	vst v63  }
0x61: {  	s25 =	simm.s32 $0xA200  }
0x62: {  	[tilespmem:s25], [sflag:$0x1] =	stream.indirect_vreg.gather [hbm4b:s2+s3], $0x80, v3, vm1, $0xb8;
	[tilespmem:$0x14200] =	vst v63  }
0x63: {  	s30 =	simm.s32 $0xAA00  }
0x64: {  	[tilespmem:s30], [sflag:$0x1] =	stream.indirect_vreg.gather [hbm4b:s5+s3], $0x80, v3, vm1, $0xb8;
	[tilespmem:$0x14200] =	vst v63  }
0x65: {  	s31 =	simm.s32 $0xB200  }
0x66: {  	[tilespmem:s31], [sflag:$0x1] =	stream.indirect_vreg.gather [hbm4b:s7+s3], $0x80, v3, vm1, $0xb8;
	[tilespmem:$0x14200] =	vst v63  }
0x67: {  	s4 =	simm.s32 $0xBA00  }
0x68: {  	[tilespmem:s4], [sflag:$0x1] =	stream.indirect_vreg.gather [hbm4b:s8+s3], $0x80, v3, vm1, $0xb8;
	[tilespmem:$0x14200] =	vst v63  }
0x69: {  	s30 =	rddreg [dreg:$0x5]  }
0x6a: {  	[hbm4b:s30+s3] =	stream.linear.scatter [tilespmem:s17], [sflag:$0x2], $0x4000, $0x38;
	[tilespmem:$0x14200] =	vst v63  }
0x6b: {  	_ =	swait.ge [sflag:s9], $0x4000  }
0x6c: {  	[sflag:s9] =	ssyncset.done $0x0  }
0x6d: {  	[sflag:s9] =	ssyncadd.s32 $0xFFFFC000  }
0x6e: {  	v3 =	vld [tilespmem:$0x30];
	_ =	sdelay $0x4  }
0x6f: {  	v35 =	vshll.u32 v3, $0x3  }
0x70: {  	v3 =	vand.u32 $0x7, v3;
	v4 =	vand.u32 $0xFFFFFFC0, v35  }
0x71: {  	v3 =	vor.u32 v3, v4  }
0x72: {  	v4 =	vperm.xlane v3, v0;
	_ =	sdelay $0x1  }
0x73: {  	v4 =	vadd.s32 v1, v4;
	_ =	sdelay $0x4  }
0x74: {  	[tilespmem:s18], [sflag:$0x1] =	stream.indirect_vreg.gather [hbm4b:s2+s3], $0x80, v4, vm1, $0xb8;
	[tilespmem:$0x14200] =	vst v63  }
0x75: {  	s6 =	simm.s32 $0xCA00;
	v3 =	vperm.xlane v3, v2  }
0x76: {  	[tilespmem:s6], [sflag:$0x1] =	stream.indirect_vreg.gather [hbm4b:s5+s3], $0x80, v4, vm1, $0xb8;
	[tilespmem:$0x14200] =	vst v63  }
0x77: {  	s11 =	simm.s32 $0xD200;
	v3 =	vadd.s32 v1, v3  }
0x78: {  	[tilespmem:s11], [sflag:$0x1] =	stream.indirect_vreg.gather [hbm4b:s7+s3], $0x80, v4, vm1, $0xb8;
	[tilespmem:$0x14200] =	vst v63  }
0x79: {  	s12 =	simm.s32 $0xDA00  }
0x7a: {  	[tilespmem:s12], [sflag:$0x1] =	stream.indirect_vreg.gather [hbm4b:s8+s3], $0x80, v4, vm1, $0xb8;
	[tilespmem:$0x14200] =	vst v63  }
0x7b: {  	s16 =	simm.s32 $0xE200  }
0x7c: {  	[tilespmem:s16], [sflag:$0x1] =	stream.indirect_vreg.gather [hbm4b:s2+s3], $0x80, v3, vm1, $0xb8;
	[tilespmem:$0x14200] =	vst v63  }
0x7d: {  	s19 =	simm.s32 $0xEA00  }
0x7e: {  	[tilespmem:s19], [sflag:$0x1] =	stream.indirect_vreg.gather [hbm4b:s5+s3], $0x80, v3, vm1, $0xb8;
	[tilespmem:$0x14200] =	vst v63  }
0x7f: {  	s20 =	simm.s32 $0xF200  }
0x80: {  	[tilespmem:s20], [sflag:$0x1] =	stream.indirect_vreg.gather [hbm4b:s7+s3], $0x80, v3, vm1, $0xb8;
	[tilespmem:$0x14200] =	vst v63  }
0x81: {  	s31 =	simm.s32 $0xFA00  }
0x82: {  	[tilespmem:s31], [sflag:$0x1] =	stream.indirect_vreg.gather [hbm4b:s8+s3], $0x80, v3, vm1, $0xb8;
	[tilespmem:$0x14200] =	vst v63  }
0x83: {  	s0 =	rddreg [dreg:$0x6]  }
0x84: {  	[hbm4b:s0+s3] =	stream.linear.scatter [tilespmem:s26], [sflag:$0x2], $0x4000, $0x38;
	[tilespmem:$0x14200] =	vst v63  }
0x85: {  	_ =	swait.ge [sflag:s9], $0x4000  }
0x86: {  	[sflag:s9] =	ssyncset.done $0x0  }
0x87: {  	[sflag:s9] =	ssyncadd.s32 $0xFFFFC000  }
0x88: {  	_ =	swait.ge [sflag:s29], $0x4000  }
0x89: {  	[sflag:s29] =	ssyncset.done $0x0  }
0x8a: {  	[sflag:s29] =	ssyncadd.s32 $0xFFFFC000  }
0x8b: {  	v3 =	vld [tilespmem:$0x40];
	_ =	sdelay $0x4  }
0x8c: {  	v36 =	vshll.u32 v3, $0x3  }
0x8d: {  	v3 =	vand.u32 $0x7, v3;
	v4 =	vand.u32 $0xFFFFFFC0, v36  }
0x8e: {  	v3 =	vor.u32 v3, v4  }
0x8f: {  	v4 =	vperm.xlane v3, v0;
	_ =	sdelay $0x1  }
0x90: {  	v4 =	vadd.s32 v1, v4;
	_ =	sdelay $0x4  }
0x91: {  	[tilespmem:s17], [sflag:$0x1] =	stream.indirect_vreg.gather [hbm4b:s2+s3], $0x80, v4, vm1, $0xb8;
	[tilespmem:$0x14200] =	vst v63  }
0x92: {  	s1 =	simm.s32 $0xA00;
	v3 =	vperm.xlane v3, v2  }
0x93: {  	[tilespmem:s1], [sflag:$0x1] =	stream.indirect_vreg.gather [hbm4b:s5+s3], $0x80, v4, vm1, $0xb8;
	[tilespmem:$0x14200] =	vst v63  }
0x94: {  	s15 =	simm.s32 $0x1200;
	v3 =	vadd.s32 v1, v3  }
0x95: {  	[tilespmem:s15], [sflag:$0x1] =	stream.indirect_vreg.gather [hbm4b:s7+s3], $0x80, v4, vm1, $0xb8;
	[tilespmem:$0x14200] =	vst v63  }
0x96: {  	s16 =	simm.s32 $0x1A00  }
0x97: {  	[tilespmem:s16], [sflag:$0x1] =	stream.indirect_vreg.gather [hbm4b:s8+s3], $0x80, v4, vm1, $0xb8;
	[tilespmem:$0x14200] =	vst v63  }
0x98: {  	s19 =	simm.s32 $0x2200  }
0x99: {  	[tilespmem:s19], [sflag:$0x1] =	stream.indirect_vreg.gather [hbm4b:s2+s3], $0x80, v3, vm1, $0xb8;
	[tilespmem:$0x14200] =	vst v63  }
0x9a: {  	s20 =	simm.s32 $0x2A00  }
0x9b: {  	[tilespmem:s20], [sflag:$0x1] =	stream.indirect_vreg.gather [hbm4b:s5+s3], $0x80, v3, vm1, $0xb8;
	[tilespmem:$0x14200] =	vst v63  }
0x9c: {  	s0 =	simm.s32 $0x3200  }
0x9d: {  	[tilespmem:s0], [sflag:$0x1] =	stream.indirect_vreg.gather [hbm4b:s7+s3], $0x80, v3, vm1, $0xb8;
	[tilespmem:$0x14200] =	vst v63  }
0x9e: {  	s1 =	simm.s32 $0x3A00  }
0x9f: {  	[tilespmem:s1], [sflag:$0x1] =	stream.indirect_vreg.gather [hbm4b:s8+s3], $0x80, v3, vm1, $0xb8;
	[tilespmem:$0x14200] =	vst v63  }
0xa0: {  	s15 =	rddreg [dreg:$0x7]  }
0xa1: {  	[hbm4b:s15+s3] =	stream.linear.scatter [tilespmem:s10], [sflag:$0x2], $0x4000, $0x38;
	[tilespmem:$0x14200] =	vst v63  }
0xa2: {  	_ =	swait.ge [sflag:s9], $0x4000  }
0xa3: {  	[sflag:s9] =	ssyncset.done $0x0  }
0xa4: {  	[sflag:s9] =	ssyncadd.s32 $0xFFFFC000  }
0xa5: {  	_ =	swait.ge [sflag:s29], $0x4000  }
0xa6: {  	[sflag:s29] =	ssyncset.done $0x0  }
0xa7: {  	[sflag:s29] =	ssyncadd.s32 $0xFFFFC000  }
0xa8: {  	v3 =	vld [tilespmem:$0x50];
	_ =	sdelay $0x4  }
0xa9: {  	v37 =	vshll.u32 v3, $0x3  }
0xaa: {  	v3 =	vand.u32 $0x7, v3;
	v4 =	vand.u32 $0xFFFFFFC0, v37  }
0xab: {  	v3 =	vor.u32 v3, v4  }
0xac: {  	v4 =	vperm.xlane v3, v0;
	_ =	sdelay $0x1  }
0xad: {  	v4 =	vadd.s32 v1, v4;
	_ =	sdelay $0x4  }
0xae: {  	[tilespmem:s26], [sflag:$0x1] =	stream.indirect_vreg.gather [hbm4b:s2+s3], $0x80, v4, vm1, $0xb8;
	[tilespmem:$0x14200] =	vst v63  }
0xaf: {  	s14 =	simm.s32 $0x4A00;
	v3 =	vperm.xlane v3, v2  }
0xb0: {  	[tilespmem:s14], [sflag:$0x1] =	stream.indirect_vreg.gather [hbm4b:s5+s3], $0x80, v4, vm1, $0xb8;
	[tilespmem:$0x14200] =	vst v63  }
0xb1: {  	s22 =	simm.s32 $0x5200;
	v3 =	vadd.s32 v1, v3  }
0xb2: {  	[tilespmem:s22], [sflag:$0x1] =	stream.indirect_vreg.gather [hbm4b:s7+s3], $0x80, v4, vm1, $0xb8;
	[tilespmem:$0x14200] =	vst v63  }
0xb3: {  	s23 =	simm.s32 $0x5A00  }
0xb4: {  	[tilespmem:s23], [sflag:$0x1] =	stream.indirect_vreg.gather [hbm4b:s8+s3], $0x80, v4, vm1, $0xb8;
	[tilespmem:$0x14200] =	vst v63  }
0xb5: {  	s24 =	simm.s32 $0x6200  }
0xb6: {  	[tilespmem:s24], [sflag:$0x1] =	stream.indirect_vreg.gather [hbm4b:s2+s3], $0x80, v3, vm1, $0xb8;
	[tilespmem:$0x14200] =	vst v63  }
0xb7: {  	s28 =	simm.s32 $0x6A00  }
0xb8: {  	[tilespmem:s28], [sflag:$0x1] =	stream.indirect_vreg.gather [hbm4b:s5+s3], $0x80, v3, vm1, $0xb8;
	[tilespmem:$0x14200] =	vst v63  }
0xb9: {  	s14 =	simm.s32 $0x7200  }
0xba: {  	[tilespmem:s14], [sflag:$0x1] =	stream.indirect_vreg.gather [hbm4b:s7+s3], $0x80, v3, vm1, $0xb8;
	[tilespmem:$0x14200] =	vst v63  }
0xbb: {  	s15 =	simm.s32 $0x7A00  }
0xbc: {  	[tilespmem:s15], [sflag:$0x1] =	stream.indirect_vreg.gather [hbm4b:s8+s3], $0x80, v3, vm1, $0xb8;
	[tilespmem:$0x14200] =	vst v63  }
0xbd: {  	s31 =	rddreg [dreg:$0x8]  }
0xbe: {  	[hbm4b:s31+s3] =	stream.linear.scatter [tilespmem:s18], [sflag:$0x2], $0x4000, $0x38;
	[tilespmem:$0x14200] =	vst v63  }
0xbf: {  	_ =	swait.ge [sflag:s9], $0x4000  }
0xc0: {  	[sflag:s9] =	ssyncset.done $0x0  }
0xc1: {  	[sflag:s9] =	ssyncadd.s32 $0xFFFFC000  }
0xc2: {  	_ =	swait.ge [sflag:s29], $0x4000  }
0xc3: {  	[sflag:s29] =	ssyncset.done $0x0  }
0xc4: {  	[sflag:s29] =	ssyncadd.s32 $0xFFFFC000  }
0xc5: {  	v3 =	vld [tilespmem:$0x60];
	_ =	sdelay $0x4  }
0xc6: {  	v38 =	vshll.u32 v3, $0x3  }
0xc7: {  	v3 =	vand.u32 $0x7, v3;
	v4 =	vand.u32 $0xFFFFFFC0, v38  }
0xc8: {  	v3 =	vor.u32 v3, v4  }
0xc9: {  	v4 =	vperm.xlane v3, v0;
	_ =	sdelay $0x1  }
0xca: {  	v4 =	vadd.s32 v1, v4;
	_ =	sdelay $0x4  }
0xcb: {  	[tilespmem:s10], [sflag:$0x1] =	stream.indirect_vreg.gather [hbm4b:s2+s3], $0x80, v4, vm1, $0xb8;
	[tilespmem:$0x14200] =	vst v63  }
0xcc: {  	s21 =	simm.s32 $0x8A00;
	v3 =	vperm.xlane v3, v2  }
0xcd: {  	[tilespmem:s21], [sflag:$0x1] =	stream.indirect_vreg.gather [hbm4b:s5+s3], $0x80, v4, vm1, $0xb8;
	[tilespmem:$0x14200] =	vst v63  }
0xce: {  	v3 =	vadd.s32 v1, v3;
	s21 =	simm.s32 $0x9200  }
0xcf: {  	[tilespmem:s21], [sflag:$0x1] =	stream.indirect_vreg.gather [hbm4b:s7+s3], $0x80, v4, vm1, $0xb8;
	[tilespmem:$0x14200] =	vst v63  }
0xd0: {  	s22 =	simm.s32 $0x9A00  }
0xd1: {  	[tilespmem:s22], [sflag:$0x1] =	stream.indirect_vreg.gather [hbm4b:s8+s3], $0x80, v4, vm1, $0xb8;
	[tilespmem:$0x14200] =	vst v63  }
0xd2: {  	s23 =	simm.s32 $0xA200  }
0xd3: {  	[tilespmem:s23], [sflag:$0x1] =	stream.indirect_vreg.gather [hbm4b:s2+s3], $0x80, v3, vm1, $0xb8;
	[tilespmem:$0x14200] =	vst v63  }
0xd4: {  	s24 =	simm.s32 $0xAA00  }
0xd5: {  	[tilespmem:s24], [sflag:$0x1] =	stream.indirect_vreg.gather [hbm4b:s5+s3], $0x80, v3, vm1, $0xb8;
	[tilespmem:$0x14200] =	vst v63  }
0xd6: {  	s28 =	simm.s32 $0xB200  }
0xd7: {  	[tilespmem:s28], [sflag:$0x1] =	stream.indirect_vreg.gather [hbm4b:s7+s3], $0x80, v3, vm1, $0xb8;
	[tilespmem:$0x14200] =	vst v63  }
0xd8: {  	s13 =	simm.s32 $0xBA00  }
0xd9: {  	[tilespmem:s13], [sflag:$0x1] =	stream.indirect_vreg.gather [hbm4b:s8+s3], $0x80, v3, vm1, $0xb8;
	[tilespmem:$0x14200] =	vst v63  }
0xda: {  	s13 =	rddreg [dreg:$0x9]  }
0xdb: {  	[hbm4b:s13+s3] =	stream.linear.scatter [tilespmem:s17], [sflag:$0x2], $0x4000, $0x38;
	[tilespmem:$0x14200] =	vst v63  }
0xdc: {  	_ =	swait.ge [sflag:s9], $0x4000  }
0xdd: {  	[sflag:s9] =	ssyncset.done $0x0  }
0xde: {  	[sflag:s9] =	ssyncadd.s32 $0xFFFFC000  }
0xdf: {  	_ =	swait.ge [sflag:s29], $0x4000  }
0xe0: {  	[sflag:s29] =	ssyncset.done $0x0  }
0xe1: {  	[sflag:s29] =	ssyncadd.s32 $0xFFFFC000  }
0xe2: {  	v3 =	vld [tilespmem:$0x70];
	_ =	sdelay $0x4  }
0xe3: {  	v39 =	vshll.u32 v3, $0x3  }
0xe4: {  	v3 =	vand.u32 $0x7, v3;
	v4 =	vand.u32 $0xFFFFFFC0, v39  }
0xe5: {  	v3 =	vor.u32 v3, v4  }
0xe6: {  	v4 =	vperm.xlane v3, v0;
	_ =	sdelay $0x1  }
0xe7: {  	v4 =	vadd.s32 v1, v4;
	_ =	sdelay $0x4  }
0xe8: {  	[tilespmem:s18], [sflag:$0x1] =	stream.indirect_vreg.gather [hbm4b:s2+s3], $0x80, v4, vm1, $0xb8;
	[tilespmem:$0x14200] =	vst v63  }
0xe9: {  	s25 =	simm.s32 $0xCA00;
	v3 =	vperm.xlane v3, v2  }
0xea: {  	[tilespmem:s25], [sflag:$0x1] =	stream.indirect_vreg.gather [hbm4b:s5+s3], $0x80, v4, vm1, $0xb8;
	[tilespmem:$0x14200] =	vst v63  }
0xeb: {  	s4 =	simm.s32 $0xD200;
	v3 =	vadd.s32 v1, v3  }
0xec: {  	[tilespmem:s4], [sflag:$0x1] =	stream.indirect_vreg.gather [hbm4b:s7+s3], $0x80, v4, vm1, $0xb8;
	[tilespmem:$0x14200] =	vst v63  }
0xed: {  	s6 =	simm.s32 $0xDA00  }
0xee: {  	[tilespmem:s6], [sflag:$0x1] =	stream.indirect_vreg.gather [hbm4b:s8+s3], $0x80, v4, vm1, $0xb8;
	[tilespmem:$0x14200] =	vst v63  }
0xef: {  	s11 =	simm.s32 $0xE200  }
0xf0: {  	[tilespmem:s11], [sflag:$0x1] =	stream.indirect_vreg.gather [hbm4b:s2+s3], $0x80, v3, vm1, $0xb8;
	[tilespmem:$0x14200] =	vst v63  }
0xf1: {  	s12 =	simm.s32 $0xEA00  }
0xf2: {  	[tilespmem:s12], [sflag:$0x1] =	stream.indirect_vreg.gather [hbm4b:s5+s3], $0x80, v3, vm1, $0xb8;
	[tilespmem:$0x14200] =	vst v63  }
0xf3: {  	s30 =	simm.s32 $0xF200  }
0xf4: {  	[tilespmem:s30], [sflag:$0x1] =	stream.indirect_vreg.gather [hbm4b:s7+s3], $0x80, v3, vm1, $0xb8;
	[tilespmem:$0x14200] =	vst v63  }
0xf5: {  	s30 =	simm.s32 $0xFA00  }
0xf6: {  	[tilespmem:s30], [sflag:$0x1] =	stream.indirect_vreg.gather [hbm4b:s8+s3], $0x80, v3, vm1, $0xb8;
	[tilespmem:$0x14200] =	vst v63  }
0xf7: {  	s30 =	rddreg [dreg:$0xa]  }
0xf8: {  	[hbm4b:s30+s3] =	stream.linear.scatter [tilespmem:s26], [sflag:$0x2], $0x4000, $0x38;
	[tilespmem:$0x14200] =	vst v63  }
0xf9: {  	_ =	swait.ge [sflag:s9], $0x4000  }
0xfa: {  	[sflag:s9] =	ssyncset.done $0x0  }
0xfb: {  	[sflag:s9] =	ssyncadd.s32 $0xFFFFC000  }
0xfc: {  	_ =	swait.ge [sflag:s29], $0x4000  }
0xfd: {  	[sflag:s29] =	ssyncset.done $0x0  }
0xfe: {  	[sflag:s29] =	ssyncadd.s32 $0xFFFFC000  }
0xff: {  	v3 =	vld [tilespmem:$0x80];
	_ =	sdelay $0x4  }
0x100: {  	v40 =	vshll.u32 v3, $0x3  }
0x101: {  	v3 =	vand.u32 $0x7, v3;
	v4 =	vand.u32 $0xFFFFFFC0, v40  }
0x102: {  	v3 =	vor.u32 v3, v4  }
0x103: {  	v4 =	vperm.xlane v3, v0;
	_ =	sdelay $0x1  }
0x104: {  	v4 =	vadd.s32 v1, v4;
	_ =	sdelay $0x4  }
0x105: {  	[tilespmem:s17], [sflag:$0x1] =	stream.indirect_vreg.gather [hbm4b:s2+s3], $0x80, v4, vm1, $0xb8;
	[tilespmem:$0x14200] =	vst v63  }
0x106: {  	s30 =	simm.s32 $0xA00;
	v3 =	vperm.xlane v3, v2  }
0x107: {  	[tilespmem:s30], [sflag:$0x1] =	stream.indirect_vreg.gather [hbm4b:s5+s3], $0x80, v4, vm1, $0xb8;
	[tilespmem:$0x14200] =	vst v63  }
0x108: {  	v3 =	vadd.s32 v1, v3;
	s30 =	simm.s32 $0x1200  }
0x109: {  	[tilespmem:s30], [sflag:$0x1] =	stream.indirect_vreg.gather [hbm4b:s7+s3], $0x80, v4, vm1, $0xb8;
	[tilespmem:$0x14200] =	vst v63  }
0x10a: {  	_ = 	snop  }
0x10b: {  	[tilespmem:s16], [sflag:$0x1] =	stream.indirect_vreg.gather [hbm4b:s8+s3], $0x80, v4, vm1, $0xb8;
	[tilespmem:$0x14200] =	vst v63  }
0x10c: {  	_ = 	snop  }
0x10d: {  	[tilespmem:s19], [sflag:$0x1] =	stream.indirect_vreg.gather [hbm4b:s2+s3], $0x80, v3, vm1, $0xb8;
	[tilespmem:$0x14200] =	vst v63  }
0x10e: {  	_ = 	snop  }
0x10f: {  	[tilespmem:s20], [sflag:$0x1] =	stream.indirect_vreg.gather [hbm4b:s5+s3], $0x80, v3, vm1, $0xb8;
	[tilespmem:$0x14200] =	vst v63  }
0x110: {  	_ = 	snop  }
0x111: {  	[tilespmem:s0], [sflag:$0x1] =	stream.indirect_vreg.gather [hbm4b:s7+s3], $0x80, v3, vm1, $0xb8;
	[tilespmem:$0x14200] =	vst v63  }
0x112: {  	_ = 	snop  }
0x113: {  	[tilespmem:s1], [sflag:$0x1] =	stream.indirect_vreg.gather [hbm4b:s8+s3], $0x80, v3, vm1, $0xb8;
	[tilespmem:$0x14200] =	vst v63  }
0x114: {  	s0 =	rddreg [dreg:$0xb]  }
0x115: {  	[hbm4b:s0+s3] =	stream.linear.scatter [tilespmem:s10], [sflag:$0x2], $0x4000, $0x38;
	[tilespmem:$0x14200] =	vst v63  }
0x116: {  	_ =	swait.ge [sflag:s9], $0x4000  }
0x117: {  	[sflag:s9] =	ssyncset.done $0x0  }
0x118: {  	[sflag:s9] =	ssyncadd.s32 $0xFFFFC000  }
0x119: {  	_ =	swait.ge [sflag:s29], $0x4000  }
0x11a: {  	[sflag:s29] =	ssyncset.done $0x0  }
0x11b: {  	[sflag:s29] =	ssyncadd.s32 $0xFFFFC000  }
0x11c: {  	v3 =	vld [tilespmem:$0x90];
	_ =	sdelay $0x4  }
0x11d: {  	v41 =	vshll.u32 v3, $0x3  }
0x11e: {  	v3 =	vand.u32 $0x7, v3;
	v4 =	vand.u32 $0xFFFFFFC0, v41  }
0x11f: {  	v3 =	vor.u32 v3, v4  }
0x120: {  	v4 =	vperm.xlane v3, v0;
	_ =	sdelay $0x1  }
0x121: {  	v4 =	vadd.s32 v1, v4;
	_ =	sdelay $0x4  }
0x122: {  	[tilespmem:s26], [sflag:$0x1] =	stream.indirect_vreg.gather [hbm4b:s2+s3], $0x80, v4, vm1, $0xb8;
	[tilespmem:$0x14200] =	vst v63  }
0x123: {  	s1 =	simm.s32 $0x4A00;
	v3 =	vperm.xlane v3, v2  }
0x124: {  	[tilespmem:s1], [sflag:$0x1] =	stream.indirect_vreg.gather [hbm4b:s5+s3], $0x80, v4, vm1, $0xb8;
	[tilespmem:$0x14200] =	vst v63  }
0x125: {  	s30 =	simm.s32 $0x5200;
	v3 =	vadd.s32 v1, v3  }
0x126: {  	[tilespmem:s30], [sflag:$0x1] =	stream.indirect_vreg.gather [hbm4b:s7+s3], $0x80, v4, vm1, $0xb8;
	[tilespmem:$0x14200] =	vst v63  }
0x127: {  	s1 =	simm.s32 $0x5A00  }
0x128: {  	[tilespmem:s1], [sflag:$0x1] =	stream.indirect_vreg.gather [hbm4b:s8+s3], $0x80, v4, vm1, $0xb8;
	[tilespmem:$0x14200] =	vst v63  }
0x129: {  	s30 =	simm.s32 $0x6200  }
0x12a: {  	[tilespmem:s30], [sflag:$0x1] =	stream.indirect_vreg.gather [hbm4b:s2+s3], $0x80, v3, vm1, $0xb8;
	[tilespmem:$0x14200] =	vst v63  }
0x12b: {  	s1 =	simm.s32 $0x6A00  }
0x12c: {  	[tilespmem:s1], [sflag:$0x1] =	stream.indirect_vreg.gather [hbm4b:s5+s3], $0x80, v3, vm1, $0xb8;
	[tilespmem:$0x14200] =	vst v63  }
0x12d: {  	_ = 	snop  }
0x12e: {  	[tilespmem:s14], [sflag:$0x1] =	stream.indirect_vreg.gather [hbm4b:s7+s3], $0x80, v3, vm1, $0xb8;
	[tilespmem:$0x14200] =	vst v63  }
0x12f: {  	_ = 	snop  }
0x130: {  	[tilespmem:s15], [sflag:$0x1] =	stream.indirect_vreg.gather [hbm4b:s8+s3], $0x80, v3, vm1, $0xb8;
	[tilespmem:$0x14200] =	vst v63  }
0x131: {  	s15 =	rddreg [dreg:$0xc]  }
0x132: {  	[hbm4b:s15+s3] =	stream.linear.scatter [tilespmem:s18], [sflag:$0x2], $0x4000, $0x38;
	[tilespmem:$0x14200] =	vst v63  }
0x133: {  	_ =	swait.ge [sflag:s9], $0x4000  }
0x134: {  	[sflag:s9] =	ssyncset.done $0x0  }
0x135: {  	[sflag:s9] =	ssyncadd.s32 $0xFFFFC000  }
0x136: {  	_ =	swait.ge [sflag:s29], $0x4000  }
0x137: {  	[sflag:s29] =	ssyncset.done $0x0  }
0x138: {  	[sflag:s29] =	ssyncadd.s32 $0xFFFFC000  }
0x139: {  	v3 =	vld [tilespmem:$0xA0];
	_ =	sdelay $0x4  }
0x13a: {  	v42 =	vshll.u32 v3, $0x3  }
0x13b: {  	v3 =	vand.u32 $0x7, v3;
	v4 =	vand.u32 $0xFFFFFFC0, v42  }
0x13c: {  	v3 =	vor.u32 v3, v4  }
0x13d: {  	v4 =	vperm.xlane v3, v0;
	_ =	sdelay $0x1  }
0x13e: {  	v4 =	vadd.s32 v1, v4;
	_ =	sdelay $0x4  }
0x13f: {  	[tilespmem:s10], [sflag:$0x1] =	stream.indirect_vreg.gather [hbm4b:s2+s3], $0x80, v4, vm1, $0xb8;
	[tilespmem:$0x14200] =	vst v63  }
0x140: {  	s31 =	simm.s32 $0x8A00;
	v3 =	vperm.xlane v3, v2  }
0x141: {  	[tilespmem:s31], [sflag:$0x1] =	stream.indirect_vreg.gather [hbm4b:s5+s3], $0x80, v4, vm1, $0xb8;
	[tilespmem:$0x14200] =	vst v63  }
0x142: {  	v3 =	vadd.s32 v1, v3  }
0x143: {  	[tilespmem:s21], [sflag:$0x1] =	stream.indirect_vreg.gather [hbm4b:s7+s3], $0x80, v4, vm1, $0xb8;
	[tilespmem:$0x14200] =	vst v63  }
0x144: {  	_ = 	snop  }
0x145: {  	[tilespmem:s22], [sflag:$0x1] =	stream.indirect_vreg.gather [hbm4b:s8+s3], $0x80, v4, vm1, $0xb8;
	[tilespmem:$0x14200] =	vst v63  }
0x146: {  	_ = 	snop  }
0x147: {  	[tilespmem:s23], [sflag:$0x1] =	stream.indirect_vreg.gather [hbm4b:s2+s3], $0x80, v3, vm1, $0xb8;
	[tilespmem:$0x14200] =	vst v63  }
0x148: {  	_ = 	snop  }
0x149: {  	[tilespmem:s24], [sflag:$0x1] =	stream.indirect_vreg.gather [hbm4b:s5+s3], $0x80, v3, vm1, $0xb8;
	[tilespmem:$0x14200] =	vst v63  }
0x14a: {  	_ = 	snop  }
0x14b: {  	[tilespmem:s28], [sflag:$0x1] =	stream.indirect_vreg.gather [hbm4b:s7+s3], $0x80, v3, vm1, $0xb8;
	[tilespmem:$0x14200] =	vst v63  }
0x14c: {  	s30 =	simm.s32 $0xBA00  }
0x14d: {  	[tilespmem:s30], [sflag:$0x1] =	stream.indirect_vreg.gather [hbm4b:s8+s3], $0x80, v3, vm1, $0xb8;
	[tilespmem:$0x14200] =	vst v63  }
0x14e: {  	s1 =	rddreg [dreg:$0xd]  }
0x14f: {  	[hbm4b:s1+s3] =	stream.linear.scatter [tilespmem:s17], [sflag:$0x2], $0x4000, $0x38;
	[tilespmem:$0x14200] =	vst v63  }
0x150: {  	_ =	swait.ge [sflag:s9], $0x4000  }
0x151: {  	[sflag:s9] =	ssyncset.done $0x0  }
0x152: {  	[sflag:s9] =	ssyncadd.s32 $0xFFFFC000  }
0x153: {  	_ =	swait.ge [sflag:s29], $0x4000  }
0x154: {  	[sflag:s29] =	ssyncset.done $0x0  }
0x155: {  	[sflag:s29] =	ssyncadd.s32 $0xFFFFC000  }
0x156: {  	v3 =	vld [tilespmem:$0xB0];
	_ =	sdelay $0x4  }
0x157: {  	v43 =	vshll.u32 v3, $0x3  }
0x158: {  	v3 =	vand.u32 $0x7, v3;
	v4 =	vand.u32 $0xFFFFFFC0, v43  }
0x159: {  	v3 =	vor.u32 v3, v4  }
0x15a: {  	v4 =	vperm.xlane v3, v0;
	_ =	sdelay $0x1  }
0x15b: {  	v4 =	vadd.s32 v1, v4;
	_ =	sdelay $0x4  }
0x15c: {  	[tilespmem:s18], [sflag:$0x1] =	stream.indirect_vreg.gather [hbm4b:s2+s3], $0x80, v4, vm1, $0xb8;
	[tilespmem:$0x14200] =	vst v63  }
0x15d: {  	s25 =	simm.s32 $0xCA00;
	v3 =	vperm.xlane v3, v2  }
0x15e: {  	[tilespmem:s25], [sflag:$0x1] =	stream.indirect_vreg.gather [hbm4b:s5+s3], $0x80, v4, vm1, $0xb8;
	[tilespmem:$0x14200] =	vst v63  }
0x15f: {  	s4 =	simm.s32 $0xD200;
	v3 =	vadd.s32 v1, v3  }
0x160: {  	[tilespmem:s4], [sflag:$0x1] =	stream.indirect_vreg.gather [hbm4b:s7+s3], $0x80, v4, vm1, $0xb8;
	[tilespmem:$0x14200] =	vst v63  }
0x161: {  	s6 =	simm.s32 $0xDA00  }
0x162: {  	[tilespmem:s6], [sflag:$0x1] =	stream.indirect_vreg.gather [hbm4b:s8+s3], $0x80, v4, vm1, $0xb8;
	[tilespmem:$0x14200] =	vst v63  }
0x163: {  	s11 =	simm.s32 $0xE200  }
0x164: {  	[tilespmem:s11], [sflag:$0x1] =	stream.indirect_vreg.gather [hbm4b:s2+s3], $0x80, v3, vm1, $0xb8;
	[tilespmem:$0x14200] =	vst v63  }
0x165: {  	s12 =	simm.s32 $0xEA00  }
0x166: {  	[tilespmem:s12], [sflag:$0x1] =	stream.indirect_vreg.gather [hbm4b:s5+s3], $0x80, v3, vm1, $0xb8;
	[tilespmem:$0x14200] =	vst v63  }
0x167: {  	s13 =	simm.s32 $0xF200  }
0x168: {  	[tilespmem:s13], [sflag:$0x1] =	stream.indirect_vreg.gather [hbm4b:s7+s3], $0x80, v3, vm1, $0xb8;
	[tilespmem:$0x14200] =	vst v63  }
0x169: {  	s13 =	simm.s32 $0xFA00  }
0x16a: {  	[tilespmem:s13], [sflag:$0x1] =	stream.indirect_vreg.gather [hbm4b:s8+s3], $0x80, v3, vm1, $0xb8;
	[tilespmem:$0x14200] =	vst v63  }
0x16b: {  	s25 =	rddreg [dreg:$0xe]  }
0x16c: {  	[hbm4b:s25+s3] =	stream.linear.scatter [tilespmem:s26], [sflag:$0x2], $0x4000, $0x38;
	[tilespmem:$0x14200] =	vst v63  }
0x16d: {  	_ =	swait.ge [sflag:s9], $0x4000  }
0x16e: {  	[sflag:s9] =	ssyncset.done $0x0  }
0x16f: {  	[sflag:s9] =	ssyncadd.s32 $0xFFFFC000  }
0x170: {  	_ =	swait.ge [sflag:s29], $0x4000  }
0x171: {  	[sflag:s29] =	ssyncset.done $0x0  }
0x172: {  	[sflag:s29] =	ssyncadd.s32 $0xFFFFC000  }
0x173: {  	v3 =	vld [tilespmem:$0xC0];
	_ =	sdelay $0x4  }
0x174: {  	v44 =	vshll.u32 v3, $0x3  }
0x175: {  	v3 =	vand.u32 $0x7, v3;
	v4 =	vand.u32 $0xFFFFFFC0, v44  }
0x176: {  	v3 =	vor.u32 v3, v4  }
0x177: {  	v4 =	vperm.xlane v3, v0;
	_ =	sdelay $0x1  }
0x178: {  	v4 =	vadd.s32 v1, v4;
	_ =	sdelay $0x4  }
0x179: {  	[tilespmem:s17], [sflag:$0x1] =	stream.indirect_vreg.gather [hbm4b:s2+s3], $0x80, v4, vm1, $0xb8;
	[tilespmem:$0x14200] =	vst v63  }
0x17a: {  	s30 =	simm.s32 $0xA00;
	v3 =	vperm.xlane v3, v2  }
0x17b: {  	[tilespmem:s30], [sflag:$0x1] =	stream.indirect_vreg.gather [hbm4b:s5+s3], $0x80, v4, vm1, $0xb8;
	[tilespmem:$0x14200] =	vst v63  }
0x17c: {  	s13 =	simm.s32 $0x1200;
	v3 =	vadd.s32 v1, v3  }
0x17d: {  	[tilespmem:s13], [sflag:$0x1] =	stream.indirect_vreg.gather [hbm4b:s7+s3], $0x80, v4, vm1, $0xb8;
	[tilespmem:$0x14200] =	vst v63  }
0x17e: {  	s16 =	simm.s32 $0x1A00  }
0x17f: {  	[tilespmem:s16], [sflag:$0x1] =	stream.indirect_vreg.gather [hbm4b:s8+s3], $0x80, v4, vm1, $0xb8;
	[tilespmem:$0x14200] =	vst v63  }
0x180: {  	s19 =	simm.s32 $0x2200  }
0x181: {  	[tilespmem:s19], [sflag:$0x1] =	stream.indirect_vreg.gather [hbm4b:s2+s3], $0x80, v3, vm1, $0xb8;
	[tilespmem:$0x14200] =	vst v63  }
0x182: {  	s20 =	simm.s32 $0x2A00  }
0x183: {  	[tilespmem:s20], [sflag:$0x1] =	stream.indirect_vreg.gather [hbm4b:s5+s3], $0x80, v3, vm1, $0xb8;
	[tilespmem:$0x14200] =	vst v63  }
0x184: {  	s25 =	simm.s32 $0x3200  }
0x185: {  	[tilespmem:s25], [sflag:$0x1] =	stream.indirect_vreg.gather [hbm4b:s7+s3], $0x80, v3, vm1, $0xb8;
	[tilespmem:$0x14200] =	vst v63  }
0x186: {  	s30 =	simm.s32 $0x3A00  }
0x187: {  	[tilespmem:s30], [sflag:$0x1] =	stream.indirect_vreg.gather [hbm4b:s8+s3], $0x80, v3, vm1, $0xb8;
	[tilespmem:$0x14200] =	vst v63  }
0x188: {  	s20 =	rddreg [dreg:$0xf]  }
0x189: {  	[hbm4b:s20+s3] =	stream.linear.scatter [tilespmem:s10], [sflag:$0x2], $0x4000, $0x38;
	[tilespmem:$0x14200] =	vst v63  }
0x18a: {  	_ =	swait.ge [sflag:s9], $0x4000  }
0x18b: {  	[sflag:s9] =	ssyncset.done $0x0  }
0x18c: {  	[sflag:s9] =	ssyncadd.s32 $0xFFFFC000  }
0x18d: {  	_ =	swait.ge [sflag:s29], $0x4000  }
0x18e: {  	[sflag:s29] =	ssyncset.done $0x0  }
0x18f: {  	[sflag:s29] =	ssyncadd.s32 $0xFFFFC000  }
0x190: {  	v3 =	vld [tilespmem:$0xD0];
	_ =	sdelay $0x4  }
0x191: {  	v45 =	vshll.u32 v3, $0x3  }
0x192: {  	v3 =	vand.u32 $0x7, v3;
	v4 =	vand.u32 $0xFFFFFFC0, v45  }
0x193: {  	v3 =	vor.u32 v3, v4  }
0x194: {  	v4 =	vperm.xlane v3, v0;
	_ =	sdelay $0x1  }
0x195: {  	v4 =	vadd.s32 v1, v4;
	_ =	sdelay $0x4  }
0x196: {  	[tilespmem:s26], [sflag:$0x1] =	stream.indirect_vreg.gather [hbm4b:s2+s3], $0x80, v4, vm1, $0xb8;
	[tilespmem:$0x14200] =	vst v63  }
0x197: {  	s25 =	simm.s32 $0x4A00;
	v3 =	vperm.xlane v3, v2  }
0x198: {  	[tilespmem:s25], [sflag:$0x1] =	stream.indirect_vreg.gather [hbm4b:s5+s3], $0x80, v4, vm1, $0xb8;
	[tilespmem:$0x14200] =	vst v63  }
0x199: {  	s30 =	simm.s32 $0x5200;
	v3 =	vadd.s32 v1, v3  }
0x19a: {  	[tilespmem:s30], [sflag:$0x1] =	stream.indirect_vreg.gather [hbm4b:s7+s3], $0x80, v4, vm1, $0xb8;
	[tilespmem:$0x14200] =	vst v63  }
0x19b: {  	s25 =	simm.s32 $0x5A00  }
0x19c: {  	[tilespmem:s25], [sflag:$0x1] =	stream.indirect_vreg.gather [hbm4b:s8+s3], $0x80, v4, vm1, $0xb8;
	[tilespmem:$0x14200] =	vst v63  }
0x19d: {  	s30 =	simm.s32 $0x6200  }
0x19e: {  	[tilespmem:s30], [sflag:$0x1] =	stream.indirect_vreg.gather [hbm4b:s2+s3], $0x80, v3, vm1, $0xb8;
	[tilespmem:$0x14200] =	vst v63  }
0x19f: {  	s25 =	simm.s32 $0x6A00  }
0x1a0: {  	[tilespmem:s25], [sflag:$0x1] =	stream.indirect_vreg.gather [hbm4b:s5+s3], $0x80, v3, vm1, $0xb8;
	[tilespmem:$0x14200] =	vst v63  }
0x1a1: {  	s0 =	simm.s32 $0x7200  }
0x1a2: {  	[tilespmem:s0], [sflag:$0x1] =	stream.indirect_vreg.gather [hbm4b:s7+s3], $0x80, v3, vm1, $0xb8;
	[tilespmem:$0x14200] =	vst v63  }
0x1a3: {  	s30 =	simm.s32 $0x7A00  }
0x1a4: {  	[tilespmem:s30], [sflag:$0x1] =	stream.indirect_vreg.gather [hbm4b:s8+s3], $0x80, v3, vm1, $0xb8;
	[tilespmem:$0x14200] =	vst v63  }
0x1a5: {  	s20 =	rddreg [dreg:$0x10]  }
0x1a6: {  	[hbm4b:s20+s3] =	stream.linear.scatter [tilespmem:s18], [sflag:$0x2], $0x4000, $0x38;
	[tilespmem:$0x14200] =	vst v63  }
0x1a7: {  	_ =	swait.ge [sflag:s9], $0x4000  }
0x1a8: {  	[sflag:s9] =	ssyncset.done $0x0  }
0x1a9: {  	[sflag:s9] =	ssyncadd.s32 $0xFFFFC000  }
0x1aa: {  	_ =	swait.ge [sflag:s29], $0x4000  }
0x1ab: {  	[sflag:s29] =	ssyncset.done $0x0  }
0x1ac: {  	[sflag:s29] =	ssyncadd.s32 $0xFFFFC000  }
0x1ad: {  	v3 =	vld [tilespmem:$0xE0];
	_ =	sdelay $0x4  }
0x1ae: {  	v46 =	vshll.u32 v3, $0x3  }
0x1af: {  	v3 =	vand.u32 $0x7, v3;
	v4 =	vand.u32 $0xFFFFFFC0, v46  }
0x1b0: {  	v3 =	vor.u32 v3, v4  }
0x1b1: {  	v4 =	vperm.xlane v3, v0;
	_ =	sdelay $0x1  }
0x1b2: {  	v4 =	vadd.s32 v1, v4;
	_ =	sdelay $0x4  }
0x1b3: {  	[tilespmem:s10], [sflag:$0x1] =	stream.indirect_vreg.gather [hbm4b:s2+s3], $0x80, v4, vm1, $0xb8;
	[tilespmem:$0x14200] =	vst v63  }
0x1b4: {  	s25 =	simm.s32 $0x8A00;
	v3 =	vperm.xlane v3, v2  }
0x1b5: {  	[tilespmem:s25], [sflag:$0x1] =	stream.indirect_vreg.gather [hbm4b:s5+s3], $0x80, v4, vm1, $0xb8;
	[tilespmem:$0x14200] =	vst v63  }
0x1b6: {  	s31 =	simm.s32 $0x9200;
	v3 =	vadd.s32 v1, v3  }
0x1b7: {  	[tilespmem:s31], [sflag:$0x1] =	stream.indirect_vreg.gather [hbm4b:s7+s3], $0x80, v4, vm1, $0xb8;
	[tilespmem:$0x14200] =	vst v63  }
0x1b8: {  	s22 =	simm.s32 $0x9A00  }
0x1b9: {  	[tilespmem:s22], [sflag:$0x1] =	stream.indirect_vreg.gather [hbm4b:s8+s3], $0x80, v4, vm1, $0xb8;
	[tilespmem:$0x14200] =	vst v63  }
0x1ba: {  	s21 =	simm.s32 $0xA200  }
0x1bb: {  	[tilespmem:s21], [sflag:$0x1] =	stream.indirect_vreg.gather [hbm4b:s2+s3], $0x80, v3, vm1, $0xb8;
	[tilespmem:$0x14200] =	vst v63  }
0x1bc: {  	s24 =	simm.s32 $0xAA00  }
0x1bd: {  	[tilespmem:s24], [sflag:$0x1] =	stream.indirect_vreg.gather [hbm4b:s5+s3], $0x80, v3, vm1, $0xb8;
	[tilespmem:$0x14200] =	vst v63  }
0x1be: {  	s23 =	simm.s32 $0xB200  }
0x1bf: {  	[tilespmem:s23], [sflag:$0x1] =	stream.indirect_vreg.gather [hbm4b:s7+s3], $0x80, v3, vm1, $0xb8;
	[tilespmem:$0x14200] =	vst v63  }
0x1c0: {  	s28 =	simm.s32 $0xBA00  }
0x1c1: {  	[tilespmem:s28], [sflag:$0x1] =	stream.indirect_vreg.gather [hbm4b:s8+s3], $0x80, v3, vm1, $0xb8;
	[tilespmem:$0x14200] =	vst v63  }
0x1c2: {  	s28 =	rddreg [dreg:$0x11]  }
0x1c3: {  	[hbm4b:s28+s3] =	stream.linear.scatter [tilespmem:s17], [sflag:$0x2], $0x4000, $0x38;
	[tilespmem:$0x14200] =	vst v63  }
0x1c4: {  	_ =	swait.ge [sflag:s9], $0x4000  }
0x1c5: {  	[sflag:s9] =	ssyncset.done $0x0  }
0x1c6: {  	[sflag:s9] =	ssyncadd.s32 $0xFFFFC000  }
0x1c7: {  	_ =	swait.ge [sflag:s29], $0x4000  }
0x1c8: {  	[sflag:s29] =	ssyncset.done $0x0  }
0x1c9: {  	[sflag:s29] =	ssyncadd.s32 $0xFFFFC000  }
0x1ca: {  	v3 =	vld [tilespmem:$0xF0];
	_ =	sdelay $0x4  }
0x1cb: {  	v47 =	vshll.u32 v3, $0x3  }
0x1cc: {  	v3 =	vand.u32 $0x7, v3;
	v4 =	vand.u32 $0xFFFFFFC0, v47  }
0x1cd: {  	v3 =	vor.u32 v3, v4  }
0x1ce: {  	v4 =	vperm.xlane v3, v0;
	_ =	sdelay $0x1  }
0x1cf: {  	v4 =	vadd.s32 v1, v4;
	_ =	sdelay $0x4  }
0x1d0: {  	[tilespmem:s18], [sflag:$0x1] =	stream.indirect_vreg.gather [hbm4b:s2+s3], $0x80, v4, vm1, $0xb8;
	[tilespmem:$0x14200] =	vst v63  }
0x1d1: {  	s15 =	simm.s32 $0xCA00;
	v3 =	vperm.xlane v3, v2  }
0x1d2: {  	[tilespmem:s15], [sflag:$0x1] =	stream.indirect_vreg.gather [hbm4b:s5+s3], $0x80, v4, vm1, $0xb8;
	[tilespmem:$0x14200] =	vst v63  }
0x1d3: {  	s14 =	simm.s32 $0xD200;
	v3 =	vadd.s32 v1, v3  }
0x1d4: {  	[tilespmem:s14], [sflag:$0x1] =	stream.indirect_vreg.gather [hbm4b:s7+s3], $0x80, v4, vm1, $0xb8;
	[tilespmem:$0x14200] =	vst v63  }
0x1d5: {  	s1 =	simm.s32 $0xDA00  }
0x1d6: {  	[tilespmem:s1], [sflag:$0x1] =	stream.indirect_vreg.gather [hbm4b:s8+s3], $0x80, v4, vm1, $0xb8;
	[tilespmem:$0x14200] =	vst v63  }
0x1d7: {  	s4 =	simm.s32 $0xE200  }
0x1d8: {  	[tilespmem:s4], [sflag:$0x1] =	stream.indirect_vreg.gather [hbm4b:s2+s3], $0x80, v3, vm1, $0xb8;
	[tilespmem:$0x14200] =	vst v63  }
0x1d9: {  	s6 =	simm.s32 $0xEA00  }
0x1da: {  	[tilespmem:s6], [sflag:$0x1] =	stream.indirect_vreg.gather [hbm4b:s5+s3], $0x80, v3, vm1, $0xb8;
	[tilespmem:$0x14200] =	vst v63  }
0x1db: {  	s11 =	simm.s32 $0xF200  }
0x1dc: {  	[tilespmem:s11], [sflag:$0x1] =	stream.indirect_vreg.gather [hbm4b:s7+s3], $0x80, v3, vm1, $0xb8;
	[tilespmem:$0x14200] =	vst v63  }
0x1dd: {  	s30 =	simm.s32 $0xFA00  }
0x1de: {  	[tilespmem:s30], [sflag:$0x1] =	stream.indirect_vreg.gather [hbm4b:s8+s3], $0x80, v3, vm1, $0xb8;
	[tilespmem:$0x14200] =	vst v63  }
0x1df: {  	s24 =	rddreg [dreg:$0x12]  }
0x1e0: {  	[hbm4b:s24+s3] =	stream.linear.scatter [tilespmem:s26], [sflag:$0x2], $0x4000, $0x38;
	[tilespmem:$0x14200] =	vst v63  }
0x1e1: {  	_ =	swait.ge [sflag:s9], $0x4000  }
0x1e2: {  	[sflag:s9] =	ssyncset.done $0x0  }
0x1e3: {  	[sflag:s9] =	ssyncadd.s32 $0xFFFFC000  }
0x1e4: {  	_ =	swait.ge [sflag:s29], $0x4000  }
0x1e5: {  	[sflag:s29] =	ssyncset.done $0x0  }
0x1e6: {  	[sflag:s29] =	ssyncadd.s32 $0xFFFFC000  }
0x1e7: {  	v3 =	vld [tilespmem:$0x100];
	_ =	sdelay $0x4  }
0x1e8: {  	v48 =	vshll.u32 v3, $0x3  }
0x1e9: {  	v3 =	vand.u32 $0x7, v3;
	v4 =	vand.u32 $0xFFFFFFC0, v48  }
0x1ea: {  	v3 =	vor.u32 v3, v4  }
0x1eb: {  	v4 =	vperm.xlane v3, v0;
	_ =	sdelay $0x1  }
0x1ec: {  	v4 =	vadd.s32 v1, v4;
	_ =	sdelay $0x4  }
0x1ed: {  	[tilespmem:s17], [sflag:$0x1] =	stream.indirect_vreg.gather [hbm4b:s2+s3], $0x80, v4, vm1, $0xb8;
	[tilespmem:$0x14200] =	vst v63  }
0x1ee: {  	s30 =	simm.s32 $0xA00;
	v3 =	vperm.xlane v3, v2  }
0x1ef: {  	[tilespmem:s30], [sflag:$0x1] =	stream.indirect_vreg.gather [hbm4b:s5+s3], $0x80, v4, vm1, $0xb8;
	[tilespmem:$0x14200] =	vst v63  }
0x1f0: {  	s24 =	simm.s32 $0x1200;
	v3 =	vadd.s32 v1, v3  }
0x1f1: {  	[tilespmem:s24], [sflag:$0x1] =	stream.indirect_vreg.gather [hbm4b:s7+s3], $0x80, v4, vm1, $0xb8;
	[tilespmem:$0x14200] =	vst v63  }
0x1f2: {  	s12 =	simm.s32 $0x1A00  }
0x1f3: {  	[tilespmem:s12], [sflag:$0x1] =	stream.indirect_vreg.gather [hbm4b:s8+s3], $0x80, v4, vm1, $0xb8;
	[tilespmem:$0x14200] =	vst v63  }
0x1f4: {  	s13 =	simm.s32 $0x2200  }
0x1f5: {  	[tilespmem:s13], [sflag:$0x1] =	stream.indirect_vreg.gather [hbm4b:s2+s3], $0x80, v3, vm1, $0xb8;
	[tilespmem:$0x14200] =	vst v63  }
0x1f6: {  	s16 =	simm.s32 $0x2A00  }
0x1f7: {  	[tilespmem:s16], [sflag:$0x1] =	stream.indirect_vreg.gather [hbm4b:s5+s3], $0x80, v3, vm1, $0xb8;
	[tilespmem:$0x14200] =	vst v63  }
0x1f8: {  	s19 =	simm.s32 $0x3200  }
0x1f9: {  	[tilespmem:s19], [sflag:$0x1] =	stream.indirect_vreg.gather [hbm4b:s7+s3], $0x80, v3, vm1, $0xb8;
	[tilespmem:$0x14200] =	vst v63  }
0x1fa: {  	s30 =	simm.s32 $0x3A00  }
0x1fb: {  	[tilespmem:s30], [sflag:$0x1] =	stream.indirect_vreg.gather [hbm4b:s8+s3], $0x80, v3, vm1, $0xb8;
	[tilespmem:$0x14200] =	vst v63  }
0x1fc: {  	s19 =	rddreg [dreg:$0x13]  }
0x1fd: {  	[hbm4b:s19+s3] =	stream.linear.scatter [tilespmem:s10], [sflag:$0x2], $0x4000, $0x38;
	[tilespmem:$0x14200] =	vst v63  }
0x1fe: {  	_ =	swait.ge [sflag:s9], $0x4000  }
0x1ff: {  	[sflag:s9] =	ssyncset.done $0x0  }
0x200: {  	[sflag:s9] =	ssyncadd.s32 $0xFFFFC000  }
0x201: {  	_ =	swait.ge [sflag:s29], $0x4000  }
0x202: {  	[sflag:s29] =	ssyncset.done $0x0  }
0x203: {  	[sflag:s29] =	ssyncadd.s32 $0xFFFFC000  }
0x204: {  	v3 =	vld [tilespmem:$0x110];
	_ =	sdelay $0x4  }
0x205: {  	v49 =	vshll.u32 v3, $0x3  }
0x206: {  	v3 =	vand.u32 $0x7, v3;
	v4 =	vand.u32 $0xFFFFFFC0, v49  }
0x207: {  	v3 =	vor.u32 v3, v4  }
0x208: {  	v4 =	vperm.xlane v3, v0;
	_ =	sdelay $0x1  }
0x209: {  	v4 =	vadd.s32 v1, v4;
	_ =	sdelay $0x4  }
0x20a: {  	[tilespmem:s26], [sflag:$0x1] =	stream.indirect_vreg.gather [hbm4b:s2+s3], $0x80, v4, vm1, $0xb8;
	[tilespmem:$0x14200] =	vst v63  }
0x20b: {  	s24 =	simm.s32 $0x4A00;
	v3 =	vperm.xlane v3, v2  }
0x20c: {  	[tilespmem:s24], [sflag:$0x1] =	stream.indirect_vreg.gather [hbm4b:s5+s3], $0x80, v4, vm1, $0xb8;
	[tilespmem:$0x14200] =	vst v63  }
0x20d: {  	s30 =	simm.s32 $0x5200;
	v3 =	vadd.s32 v1, v3  }
0x20e: {  	[tilespmem:s30], [sflag:$0x1] =	stream.indirect_vreg.gather [hbm4b:s7+s3], $0x80, v4, vm1, $0xb8;
	[tilespmem:$0x14200] =	vst v63  }
0x20f: {  	s24 =	simm.s32 $0x5A00  }
0x210: {  	[tilespmem:s24], [sflag:$0x1] =	stream.indirect_vreg.gather [hbm4b:s8+s3], $0x80, v4, vm1, $0xb8;
	[tilespmem:$0x14200] =	vst v63  }
0x211: {  	s30 =	simm.s32 $0x6200  }
0x212: {  	[tilespmem:s30], [sflag:$0x1] =	stream.indirect_vreg.gather [hbm4b:s2+s3], $0x80, v3, vm1, $0xb8;
	[tilespmem:$0x14200] =	vst v63  }
0x213: {  	s24 =	simm.s32 $0x6A00  }
0x214: {  	[tilespmem:s24], [sflag:$0x1] =	stream.indirect_vreg.gather [hbm4b:s5+s3], $0x80, v3, vm1, $0xb8;
	[tilespmem:$0x14200] =	vst v63  }
0x215: {  	s0 =	simm.s32 $0x7200  }
0x216: {  	[tilespmem:s0], [sflag:$0x1] =	stream.indirect_vreg.gather [hbm4b:s7+s3], $0x80, v3, vm1, $0xb8;
	[tilespmem:$0x14200] =	vst v63  }
0x217: {  	s30 =	simm.s32 $0x7A00  }
0x218: {  	[tilespmem:s30], [sflag:$0x1] =	stream.indirect_vreg.gather [hbm4b:s8+s3], $0x80, v3, vm1, $0xb8;
	[tilespmem:$0x14200] =	vst v63  }
0x219: {  	s24 =	rddreg [dreg:$0x14]  }
0x21a: {  	[hbm4b:s24+s3] =	stream.linear.scatter [tilespmem:s18], [sflag:$0x2], $0x4000, $0x38;
	[tilespmem:$0x14200] =	vst v63  }
0x21b: {  	_ =	swait.ge [sflag:s9], $0x4000  }
0x21c: {  	[sflag:s9] =	ssyncset.done $0x0  }
0x21d: {  	[sflag:s9] =	ssyncadd.s32 $0xFFFFC000  }
0x21e: {  	_ =	swait.ge [sflag:s29], $0x4000  }
0x21f: {  	[sflag:s29] =	ssyncset.done $0x0  }
0x220: {  	[sflag:s29] =	ssyncadd.s32 $0xFFFFC000  }
0x221: {  	v3 =	vld [tilespmem:$0x120];
	_ =	sdelay $0x4  }
0x222: {  	v50 =	vshll.u32 v3, $0x3  }
0x223: {  	v3 =	vand.u32 $0x7, v3;
	v4 =	vand.u32 $0xFFFFFFC0, v50  }
0x224: {  	v3 =	vor.u32 v3, v4  }
0x225: {  	v4 =	vperm.xlane v3, v0;
	_ =	sdelay $0x1  }
0x226: {  	v4 =	vadd.s32 v1, v4;
	_ =	sdelay $0x4  }
0x227: {  	[tilespmem:s10], [sflag:$0x1] =	stream.indirect_vreg.gather [hbm4b:s2+s3], $0x80, v4, vm1, $0xb8;
	[tilespmem:$0x14200] =	vst v63  }
0x228: {  	s25 =	simm.s32 $0x8A00;
	v3 =	vperm.xlane v3, v2  }
0x229: {  	[tilespmem:s25], [sflag:$0x1] =	stream.indirect_vreg.gather [hbm4b:s5+s3], $0x80, v4, vm1, $0xb8;
	[tilespmem:$0x14200] =	vst v63  }
0x22a: {  	s31 =	simm.s32 $0x9200;
	v3 =	vadd.s32 v1, v3  }
0x22b: {  	[tilespmem:s31], [sflag:$0x1] =	stream.indirect_vreg.gather [hbm4b:s7+s3], $0x80, v4, vm1, $0xb8;
	[tilespmem:$0x14200] =	vst v63  }
0x22c: {  	s20 =	simm.s32 $0x9A00  }
0x22d: {  	[tilespmem:s20], [sflag:$0x1] =	stream.indirect_vreg.gather [hbm4b:s8+s3], $0x80, v4, vm1, $0xb8;
	[tilespmem:$0x14200] =	vst v63  }
0x22e: {  	s21 =	simm.s32 $0xA200  }
0x22f: {  	[tilespmem:s21], [sflag:$0x1] =	stream.indirect_vreg.gather [hbm4b:s2+s3], $0x80, v3, vm1, $0xb8;
	[tilespmem:$0x14200] =	vst v63  }
0x230: {  	s22 =	simm.s32 $0xAA00  }
0x231: {  	[tilespmem:s22], [sflag:$0x1] =	stream.indirect_vreg.gather [hbm4b:s5+s3], $0x80, v3, vm1, $0xb8;
	[tilespmem:$0x14200] =	vst v63  }
0x232: {  	s23 =	simm.s32 $0xB200  }
0x233: {  	[tilespmem:s23], [sflag:$0x1] =	stream.indirect_vreg.gather [hbm4b:s7+s3], $0x80, v3, vm1, $0xb8;
	[tilespmem:$0x14200] =	vst v63  }
0x234: {  	s31 =	simm.s32 $0xBA00  }
0x235: {  	[tilespmem:s31], [sflag:$0x1] =	stream.indirect_vreg.gather [hbm4b:s8+s3], $0x80, v3, vm1, $0xb8;
	[tilespmem:$0x14200] =	vst v63  }
0x236: {  	s23 =	rddreg [dreg:$0x15]  }
0x237: {  	[hbm4b:s23+s3] =	stream.linear.scatter [tilespmem:s17], [sflag:$0x2], $0x4000, $0x38;
	[tilespmem:$0x14200] =	vst v63  }
0x238: {  	_ =	swait.ge [sflag:s9], $0x4000  }
0x239: {  	[sflag:s9] =	ssyncset.done $0x0  }
0x23a: {  	[sflag:s9] =	ssyncadd.s32 $0xFFFFC000  }
0x23b: {  	_ =	swait.ge [sflag:s29], $0x4000  }
0x23c: {  	[sflag:s29] =	ssyncset.done $0x0  }
0x23d: {  	[sflag:s29] =	ssyncadd.s32 $0xFFFFC000  }
0x23e: {  	v3 =	vld [tilespmem:$0x130];
	_ =	sdelay $0x4  }
0x23f: {  	v51 =	vshll.u32 v3, $0x3  }
0x240: {  	v3 =	vand.u32 $0x7, v3;
	v4 =	vand.u32 $0xFFFFFFC0, v51  }
0x241: {  	v3 =	vor.u32 v3, v4  }
0x242: {  	v4 =	vperm.xlane v3, v0;
	_ =	sdelay $0x1  }
0x243: {  	v4 =	vadd.s32 v1, v4;
	_ =	sdelay $0x4  }
0x244: {  	[tilespmem:s18], [sflag:$0x1] =	stream.indirect_vreg.gather [hbm4b:s2+s3], $0x80, v4, vm1, $0xb8;
	[tilespmem:$0x14200] =	vst v63  }
0x245: {  	s28 =	simm.s32 $0xCA00;
	v3 =	vperm.xlane v3, v2  }
0x246: {  	[tilespmem:s28], [sflag:$0x1] =	stream.indirect_vreg.gather [hbm4b:s5+s3], $0x80, v4, vm1, $0xb8;
	[tilespmem:$0x14200] =	vst v63  }
0x247: {  	s14 =	simm.s32 $0xD200;
	v3 =	vadd.s32 v1, v3  }
0x248: {  	[tilespmem:s14], [sflag:$0x1] =	stream.indirect_vreg.gather [hbm4b:s7+s3], $0x80, v4, vm1, $0xb8;
	[tilespmem:$0x14200] =	vst v63  }
0x249: {  	s15 =	simm.s32 $0xDA00  }
0x24a: {  	[tilespmem:s15], [sflag:$0x1] =	stream.indirect_vreg.gather [hbm4b:s8+s3], $0x80, v4, vm1, $0xb8;
	[tilespmem:$0x14200] =	vst v63  }
0x24b: {  	s4 =	simm.s32 $0xE200  }
0x24c: {  	[tilespmem:s4], [sflag:$0x1] =	stream.indirect_vreg.gather [hbm4b:s2+s3], $0x80, v3, vm1, $0xb8;
	[tilespmem:$0x14200] =	vst v63  }
0x24d: {  	s1 =	simm.s32 $0xEA00  }
0x24e: {  	[tilespmem:s1], [sflag:$0x1] =	stream.indirect_vreg.gather [hbm4b:s5+s3], $0x80, v3, vm1, $0xb8;
	[tilespmem:$0x14200] =	vst v63  }
0x24f: {  	s6 =	simm.s32 $0xF200  }
0x250: {  	[tilespmem:s6], [sflag:$0x1] =	stream.indirect_vreg.gather [hbm4b:s7+s3], $0x80, v3, vm1, $0xb8;
	[tilespmem:$0x14200] =	vst v63  }
0x251: {  	s30 =	simm.s32 $0xFA00  }
0x252: {  	[tilespmem:s30], [sflag:$0x1] =	stream.indirect_vreg.gather [hbm4b:s8+s3], $0x80, v3, vm1, $0xb8;
	[tilespmem:$0x14200] =	vst v63  }
0x253: {  	s28 =	rddreg [dreg:$0x16]  }
0x254: {  	[hbm4b:s28+s3] =	stream.linear.scatter [tilespmem:s26], [sflag:$0x2], $0x4000, $0x38;
	[tilespmem:$0x14200] =	vst v63  }
0x255: {  	_ =	swait.ge [sflag:s9], $0x4000  }
0x256: {  	[sflag:s9] =	ssyncset.done $0x0  }
0x257: {  	[sflag:s9] =	ssyncadd.s32 $0xFFFFC000  }
0x258: {  	_ =	swait.ge [sflag:s29], $0x4000  }
0x259: {  	[sflag:s29] =	ssyncset.done $0x0  }
0x25a: {  	[sflag:s29] =	ssyncadd.s32 $0xFFFFC000  }
0x25b: {  	v3 =	vld [tilespmem:$0x140];
	_ =	sdelay $0x4  }
0x25c: {  	v52 =	vshll.u32 v3, $0x3  }
0x25d: {  	v3 =	vand.u32 $0x7, v3;
	v4 =	vand.u32 $0xFFFFFFC0, v52  }
0x25e: {  	v3 =	vor.u32 v3, v4  }
0x25f: {  	v4 =	vperm.xlane v3, v0;
	_ =	sdelay $0x1  }
0x260: {  	v4 =	vadd.s32 v1, v4;
	_ =	sdelay $0x4  }
0x261: {  	[tilespmem:s17], [sflag:$0x1] =	stream.indirect_vreg.gather [hbm4b:s2+s3], $0x80, v4, vm1, $0xb8;
	[tilespmem:$0x14200] =	vst v63  }
0x262: {  	s30 =	simm.s32 $0xA00;
	v3 =	vperm.xlane v3, v2  }
0x263: {  	[tilespmem:s30], [sflag:$0x1] =	stream.indirect_vreg.gather [hbm4b:s5+s3], $0x80, v4, vm1, $0xb8;
	[tilespmem:$0x14200] =	vst v63  }
0x264: {  	s28 =	simm.s32 $0x1200;
	v3 =	vadd.s32 v1, v3  }
0x265: {  	[tilespmem:s28], [sflag:$0x1] =	stream.indirect_vreg.gather [hbm4b:s7+s3], $0x80, v4, vm1, $0xb8;
	[tilespmem:$0x14200] =	vst v63  }
0x266: {  	s11 =	simm.s32 $0x1A00  }
0x267: {  	[tilespmem:s11], [sflag:$0x1] =	stream.indirect_vreg.gather [hbm4b:s8+s3], $0x80, v4, vm1, $0xb8;
	[tilespmem:$0x14200] =	vst v63  }
0x268: {  	s12 =	simm.s32 $0x2200  }
0x269: {  	[tilespmem:s12], [sflag:$0x1] =	stream.indirect_vreg.gather [hbm4b:s2+s3], $0x80, v3, vm1, $0xb8;
	[tilespmem:$0x14200] =	vst v63  }
0x26a: {  	s13 =	simm.s32 $0x2A00  }
0x26b: {  	[tilespmem:s13], [sflag:$0x1] =	stream.indirect_vreg.gather [hbm4b:s5+s3], $0x80, v3, vm1, $0xb8;
	[tilespmem:$0x14200] =	vst v63  }
0x26c: {  	s16 =	simm.s32 $0x3200  }
0x26d: {  	[tilespmem:s16], [sflag:$0x1] =	stream.indirect_vreg.gather [hbm4b:s7+s3], $0x80, v3, vm1, $0xb8;
	[tilespmem:$0x14200] =	vst v63  }
0x26e: {  	s30 =	simm.s32 $0x3A00  }
0x26f: {  	[tilespmem:s30], [sflag:$0x1] =	stream.indirect_vreg.gather [hbm4b:s8+s3], $0x80, v3, vm1, $0xb8;
	[tilespmem:$0x14200] =	vst v63  }
0x270: {  	s16 =	rddreg [dreg:$0x17]  }
0x271: {  	[hbm4b:s16+s3] =	stream.linear.scatter [tilespmem:s10], [sflag:$0x2], $0x4000, $0x38;
	[tilespmem:$0x14200] =	vst v63  }
0x272: {  	_ =	swait.ge [sflag:s9], $0x4000  }
0x273: {  	[sflag:s9] =	ssyncset.done $0x0  }
0x274: {  	[sflag:s9] =	ssyncadd.s32 $0xFFFFC000  }
0x275: {  	_ =	swait.ge [sflag:s29], $0x4000  }
0x276: {  	[sflag:s29] =	ssyncset.done $0x0  }
0x277: {  	[sflag:s29] =	ssyncadd.s32 $0xFFFFC000  }
0x278: {  	v3 =	vld [tilespmem:$0x150];
	_ =	sdelay $0x4  }
0x279: {  	v53 =	vshll.u32 v3, $0x3  }
0x27a: {  	v3 =	vand.u32 $0x7, v3;
	v4 =	vand.u32 $0xFFFFFFC0, v53  }
0x27b: {  	v3 =	vor.u32 v3, v4  }
0x27c: {  	v4 =	vperm.xlane v3, v0;
	_ =	sdelay $0x1  }
0x27d: {  	v4 =	vadd.s32 v1, v4;
	_ =	sdelay $0x4  }
0x27e: {  	[tilespmem:s26], [sflag:$0x1] =	stream.indirect_vreg.gather [hbm4b:s2+s3], $0x80, v4, vm1, $0xb8;
	[tilespmem:$0x14200] =	vst v63  }
0x27f: {  	s28 =	simm.s32 $0x4A00;
	v3 =	vperm.xlane v3, v2  }
0x280: {  	[tilespmem:s28], [sflag:$0x1] =	stream.indirect_vreg.gather [hbm4b:s5+s3], $0x80, v4, vm1, $0xb8;
	[tilespmem:$0x14200] =	vst v63  }
0x281: {  	s30 =	simm.s32 $0x5200;
	v3 =	vadd.s32 v1, v3  }
0x282: {  	[tilespmem:s30], [sflag:$0x1] =	stream.indirect_vreg.gather [hbm4b:s7+s3], $0x80, v4, vm1, $0xb8;
	[tilespmem:$0x14200] =	vst v63  }
0x283: {  	s28 =	simm.s32 $0x5A00  }
0x284: {  	[tilespmem:s28], [sflag:$0x1] =	stream.indirect_vreg.gather [hbm4b:s8+s3], $0x80, v4, vm1, $0xb8;
	[tilespmem:$0x14200] =	vst v63  }
0x285: {  	s30 =	simm.s32 $0x6200  }
0x286: {  	[tilespmem:s30], [sflag:$0x1] =	stream.indirect_vreg.gather [hbm4b:s2+s3], $0x80, v3, vm1, $0xb8;
	[tilespmem:$0x14200] =	vst v63  }
0x287: {  	s28 =	simm.s32 $0x6A00  }
0x288: {  	[tilespmem:s28], [sflag:$0x1] =	stream.indirect_vreg.gather [hbm4b:s5+s3], $0x80, v3, vm1, $0xb8;
	[tilespmem:$0x14200] =	vst v63  }
0x289: {  	s0 =	simm.s32 $0x7200  }
0x28a: {  	[tilespmem:s0], [sflag:$0x1] =	stream.indirect_vreg.gather [hbm4b:s7+s3], $0x80, v3, vm1, $0xb8;
	[tilespmem:$0x14200] =	vst v63  }
0x28b: {  	s30 =	simm.s32 $0x7A00  }
0x28c: {  	[tilespmem:s30], [sflag:$0x1] =	stream.indirect_vreg.gather [hbm4b:s8+s3], $0x80, v3, vm1, $0xb8;
	[tilespmem:$0x14200] =	vst v63  }
0x28d: {  	s28 =	rddreg [dreg:$0x18]  }
0x28e: {  	[hbm4b:s28+s3] =	stream.linear.scatter [tilespmem:s18], [sflag:$0x2], $0x4000, $0x38;
	[tilespmem:$0x14200] =	vst v63  }
0x28f: {  	_ =	swait.ge [sflag:s9], $0x4000  }
0x290: {  	[sflag:s9] =	ssyncset.done $0x0  }
0x291: {  	[sflag:s9] =	ssyncadd.s32 $0xFFFFC000  }
0x292: {  	_ =	swait.ge [sflag:s29], $0x4000  }
0x293: {  	[sflag:s29] =	ssyncset.done $0x0  }
0x294: {  	[sflag:s29] =	ssyncadd.s32 $0xFFFFC000  }
0x295: {  	v3 =	vld [tilespmem:$0x160];
	_ =	sdelay $0x4  }
0x296: {  	v54 =	vshll.u32 v3, $0x3  }
0x297: {  	v3 =	vand.u32 $0x7, v3;
	v4 =	vand.u32 $0xFFFFFFC0, v54  }
0x298: {  	v3 =	vor.u32 v3, v4  }
0x299: {  	v4 =	vperm.xlane v3, v0;
	_ =	sdelay $0x1  }
0x29a: {  	v4 =	vadd.s32 v1, v4;
	_ =	sdelay $0x4  }
0x29b: {  	[tilespmem:s10], [sflag:$0x1] =	stream.indirect_vreg.gather [hbm4b:s2+s3], $0x80, v4, vm1, $0xb8;
	[tilespmem:$0x14200] =	vst v63  }
0x29c: {  	s30 =	simm.s32 $0x8A00;
	v3 =	vperm.xlane v3, v2  }
0x29d: {  	[tilespmem:s30], [sflag:$0x1] =	stream.indirect_vreg.gather [hbm4b:s5+s3], $0x80, v4, vm1, $0xb8;
	[tilespmem:$0x14200] =	vst v63  }
0x29e: {  	s24 =	simm.s32 $0x9200;
	v3 =	vadd.s32 v1, v3  }
0x29f: {  	[tilespmem:s24], [sflag:$0x1] =	stream.indirect_vreg.gather [hbm4b:s7+s3], $0x80, v4, vm1, $0xb8;
	[tilespmem:$0x14200] =	vst v63  }
0x2a0: {  	s25 =	simm.s32 $0x9A00  }
0x2a1: {  	[tilespmem:s25], [sflag:$0x1] =	stream.indirect_vreg.gather [hbm4b:s8+s3], $0x80, v4, vm1, $0xb8;
	[tilespmem:$0x14200] =	vst v63  }
0x2a2: {  	s19 =	simm.s32 $0xA200  }
0x2a3: {  	[tilespmem:s19], [sflag:$0x1] =	stream.indirect_vreg.gather [hbm4b:s2+s3], $0x80, v3, vm1, $0xb8;
	[tilespmem:$0x14200] =	vst v63  }
0x2a4: {  	s20 =	simm.s32 $0xAA00  }
0x2a5: {  	[tilespmem:s20], [sflag:$0x1] =	stream.indirect_vreg.gather [hbm4b:s5+s3], $0x80, v3, vm1, $0xb8;
	[tilespmem:$0x14200] =	vst v63  }
0x2a6: {  	s21 =	simm.s32 $0xB200  }
0x2a7: {  	[tilespmem:s21], [sflag:$0x1] =	stream.indirect_vreg.gather [hbm4b:s7+s3], $0x80, v3, vm1, $0xb8;
	[tilespmem:$0x14200] =	vst v63  }
0x2a8: {  	s31 =	simm.s32 $0xBA00  }
0x2a9: {  	[tilespmem:s31], [sflag:$0x1] =	stream.indirect_vreg.gather [hbm4b:s8+s3], $0x80, v3, vm1, $0xb8;
	[tilespmem:$0x14200] =	vst v63  }
0x2aa: {  	s21 =	rddreg [dreg:$0x19]  }
0x2ab: {  	[hbm4b:s21+s3] =	stream.linear.scatter [tilespmem:s17], [sflag:$0x2], $0x4000, $0x38;
	[tilespmem:$0x14200] =	vst v63  }
0x2ac: {  	_ =	swait.ge [sflag:s9], $0x4000  }
0x2ad: {  	[sflag:s9] =	ssyncset.done $0x0  }
0x2ae: {  	[sflag:s9] =	ssyncadd.s32 $0xFFFFC000  }
0x2af: {  	_ =	swait.ge [sflag:s29], $0x4000  }
0x2b0: {  	[sflag:s29] =	ssyncset.done $0x0  }
0x2b1: {  	[sflag:s29] =	ssyncadd.s32 $0xFFFFC000  }
0x2b2: {  	v3 =	vld [tilespmem:$0x170];
	_ =	sdelay $0x4  }
0x2b3: {  	v55 =	vshll.u32 v3, $0x3  }
0x2b4: {  	v3 =	vand.u32 $0x7, v3;
	v4 =	vand.u32 $0xFFFFFFC0, v55  }
0x2b5: {  	v3 =	vor.u32 v3, v4  }
0x2b6: {  	v4 =	vperm.xlane v3, v0;
	_ =	sdelay $0x1  }
0x2b7: {  	v4 =	vadd.s32 v1, v4;
	_ =	sdelay $0x4  }
0x2b8: {  	[tilespmem:s18], [sflag:$0x1] =	stream.indirect_vreg.gather [hbm4b:s2+s3], $0x80, v4, vm1, $0xb8;
	[tilespmem:$0x14200] =	vst v63  }
0x2b9: {  	s23 =	simm.s32 $0xCA00;
	v3 =	vperm.xlane v3, v2  }
0x2ba: {  	[tilespmem:s23], [sflag:$0x1] =	stream.indirect_vreg.gather [hbm4b:s5+s3], $0x80, v4, vm1, $0xb8;
	[tilespmem:$0x14200] =	vst v63  }
0x2bb: {  	s14 =	simm.s32 $0xD200;
	v3 =	vadd.s32 v1, v3  }
0x2bc: {  	[tilespmem:s14], [sflag:$0x1] =	stream.indirect_vreg.gather [hbm4b:s7+s3], $0x80, v4, vm1, $0xb8;
	[tilespmem:$0x14200] =	vst v63  }
0x2bd: {  	s22 =	simm.s32 $0xDA00  }
0x2be: {  	[tilespmem:s22], [sflag:$0x1] =	stream.indirect_vreg.gather [hbm4b:s8+s3], $0x80, v4, vm1, $0xb8;
	[tilespmem:$0x14200] =	vst v63  }
0x2bf: {  	s15 =	simm.s32 $0xE200  }
0x2c0: {  	[tilespmem:s15], [sflag:$0x1] =	stream.indirect_vreg.gather [hbm4b:s2+s3], $0x80, v3, vm1, $0xb8;
	[tilespmem:$0x14200] =	vst v63  }
0x2c1: {  	s1 =	simm.s32 $0xEA00  }
0x2c2: {  	[tilespmem:s1], [sflag:$0x1] =	stream.indirect_vreg.gather [hbm4b:s5+s3], $0x80, v3, vm1, $0xb8;
	[tilespmem:$0x14200] =	vst v63  }
0x2c3: {  	s4 =	simm.s32 $0xF200  }
0x2c4: {  	[tilespmem:s4], [sflag:$0x1] =	stream.indirect_vreg.gather [hbm4b:s7+s3], $0x80, v3, vm1, $0xb8;
	[tilespmem:$0x14200] =	vst v63  }
0x2c5: {  	s22 =	simm.s32 $0xFA00  }
0x2c6: {  	[tilespmem:s22], [sflag:$0x1] =	stream.indirect_vreg.gather [hbm4b:s8+s3], $0x80, v3, vm1, $0xb8;
	[tilespmem:$0x14200] =	vst v63  }
0x2c7: {  	s23 =	rddreg [dreg:$0x1a]  }
0x2c8: {  	[hbm4b:s23+s3] =	stream.linear.scatter [tilespmem:s26], [sflag:$0x2], $0x4000, $0x38;
	[tilespmem:$0x14200] =	vst v63  }
0x2c9: {  	_ =	swait.ge [sflag:s9], $0x4000  }
0x2ca: {  	[sflag:s9] =	ssyncset.done $0x0  }
0x2cb: {  	[sflag:s9] =	ssyncadd.s32 $0xFFFFC000  }
0x2cc: {  	_ =	swait.ge [sflag:s29], $0x4000  }
0x2cd: {  	[sflag:s29] =	ssyncset.done $0x0  }
0x2ce: {  	[sflag:s29] =	ssyncadd.s32 $0xFFFFC000  }
0x2cf: {  	v3 =	vld [tilespmem:$0x180];
	_ =	sdelay $0x4  }
0x2d0: {  	v56 =	vshll.u32 v3, $0x3  }
0x2d1: {  	v3 =	vand.u32 $0x7, v3;
	v4 =	vand.u32 $0xFFFFFFC0, v56  }
0x2d2: {  	v3 =	vor.u32 v3, v4  }
0x2d3: {  	v4 =	vperm.xlane v3, v0;
	_ =	sdelay $0x1  }
0x2d4: {  	v4 =	vadd.s32 v1, v4;
	_ =	sdelay $0x4  }
0x2d5: {  	[tilespmem:s17], [sflag:$0x1] =	stream.indirect_vreg.gather [hbm4b:s2+s3], $0x80, v4, vm1, $0xb8;
	[tilespmem:$0x14200] =	vst v63  }
0x2d6: {  	s30 =	simm.s32 $0xA00;
	v3 =	vperm.xlane v3, v2  }
0x2d7: {  	[tilespmem:s30], [sflag:$0x1] =	stream.indirect_vreg.gather [hbm4b:s5+s3], $0x80, v4, vm1, $0xb8;
	[tilespmem:$0x14200] =	vst v63  }
0x2d8: {  	s4 =	simm.s32 $0x1200;
	v3 =	vadd.s32 v1, v3  }
0x2d9: {  	[tilespmem:s4], [sflag:$0x1] =	stream.indirect_vreg.gather [hbm4b:s7+s3], $0x80, v4, vm1, $0xb8;
	[tilespmem:$0x14200] =	vst v63  }
0x2da: {  	s6 =	simm.s32 $0x1A00  }
0x2db: {  	[tilespmem:s6], [sflag:$0x1] =	stream.indirect_vreg.gather [hbm4b:s8+s3], $0x80, v4, vm1, $0xb8;
	[tilespmem:$0x14200] =	vst v63  }
0x2dc: {  	s11 =	simm.s32 $0x2200  }
0x2dd: {  	[tilespmem:s11], [sflag:$0x1] =	stream.indirect_vreg.gather [hbm4b:s2+s3], $0x80, v3, vm1, $0xb8;
	[tilespmem:$0x14200] =	vst v63  }
0x2de: {  	s12 =	simm.s32 $0x2A00  }
0x2df: {  	[tilespmem:s12], [sflag:$0x1] =	stream.indirect_vreg.gather [hbm4b:s5+s3], $0x80, v3, vm1, $0xb8;
	[tilespmem:$0x14200] =	vst v63  }
0x2e0: {  	s13 =	simm.s32 $0x3200  }
0x2e1: {  	[tilespmem:s13], [sflag:$0x1] =	stream.indirect_vreg.gather [hbm4b:s7+s3], $0x80, v3, vm1, $0xb8;
	[tilespmem:$0x14200] =	vst v63  }
0x2e2: {  	s11 =	simm.s32 $0x3A00  }
0x2e3: {  	[tilespmem:s11], [sflag:$0x1] =	stream.indirect_vreg.gather [hbm4b:s8+s3], $0x80, v3, vm1, $0xb8;
	[tilespmem:$0x14200] =	vst v63  }
0x2e4: {  	s13 =	rddreg [dreg:$0x1b]  }
0x2e5: {  	[hbm4b:s13+s3] =	stream.linear.scatter [tilespmem:s10], [sflag:$0x2], $0x4000, $0x38;
	[tilespmem:$0x14200] =	vst v63  }
0x2e6: {  	_ =	swait.ge [sflag:s9], $0x4000  }
0x2e7: {  	[sflag:s9] =	ssyncset.done $0x0  }
0x2e8: {  	[sflag:s9] =	ssyncadd.s32 $0xFFFFC000  }
0x2e9: {  	_ =	swait.ge [sflag:s29], $0x4000  }
0x2ea: {  	[sflag:s29] =	ssyncset.done $0x0  }
0x2eb: {  	[sflag:s29] =	ssyncadd.s32 $0xFFFFC000  }
0x2ec: {  	v3 =	vld [tilespmem:$0x190];
	_ =	sdelay $0x4  }
0x2ed: {  	v57 =	vshll.u32 v3, $0x3  }
0x2ee: {  	v3 =	vand.u32 $0x7, v3;
	v4 =	vand.u32 $0xFFFFFFC0, v57  }
0x2ef: {  	v3 =	vor.u32 v3, v4  }
0x2f0: {  	v4 =	vperm.xlane v3, v0;
	_ =	sdelay $0x1  }
0x2f1: {  	v4 =	vadd.s32 v1, v4;
	_ =	sdelay $0x4  }
0x2f2: {  	[tilespmem:s26], [sflag:$0x1] =	stream.indirect_vreg.gather [hbm4b:s2+s3], $0x80, v4, vm1, $0xb8;
	[tilespmem:$0x14200] =	vst v63  }
0x2f3: {  	s22 =	simm.s32 $0x4A00;
	v3 =	vperm.xlane v3, v2  }
0x2f4: {  	[tilespmem:s22], [sflag:$0x1] =	stream.indirect_vreg.gather [hbm4b:s5+s3], $0x80, v4, vm1, $0xb8;
	[tilespmem:$0x14200] =	vst v63  }
0x2f5: {  	s30 =	simm.s32 $0x5200;
	v3 =	vadd.s32 v1, v3  }
0x2f6: {  	[tilespmem:s30], [sflag:$0x1] =	stream.indirect_vreg.gather [hbm4b:s7+s3], $0x80, v4, vm1, $0xb8;
	[tilespmem:$0x14200] =	vst v63  }
0x2f7: {  	s11 =	simm.s32 $0x5A00  }
0x2f8: {  	[tilespmem:s11], [sflag:$0x1] =	stream.indirect_vreg.gather [hbm4b:s8+s3], $0x80, v4, vm1, $0xb8;
	[tilespmem:$0x14200] =	vst v63  }
0x2f9: {  	s13 =	simm.s32 $0x6200  }
0x2fa: {  	[tilespmem:s13], [sflag:$0x1] =	stream.indirect_vreg.gather [hbm4b:s2+s3], $0x80, v3, vm1, $0xb8;
	[tilespmem:$0x14200] =	vst v63  }
0x2fb: {  	s22 =	simm.s32 $0x6A00  }
0x2fc: {  	[tilespmem:s22], [sflag:$0x1] =	stream.indirect_vreg.gather [hbm4b:s5+s3], $0x80, v3, vm1, $0xb8;
	[tilespmem:$0x14200] =	vst v63  }
0x2fd: {  	s0 =	simm.s32 $0x7200  }
0x2fe: {  	[tilespmem:s0], [sflag:$0x1] =	stream.indirect_vreg.gather [hbm4b:s7+s3], $0x80, v3, vm1, $0xb8;
	[tilespmem:$0x14200] =	vst v63  }
0x2ff: {  	s30 =	simm.s32 $0x7A00  }
0x300: {  	[tilespmem:s30], [sflag:$0x1] =	stream.indirect_vreg.gather [hbm4b:s8+s3], $0x80, v3, vm1, $0xb8;
	[tilespmem:$0x14200] =	vst v63  }
0x301: {  	s4 =	rddreg [dreg:$0x1c]  }
0x302: {  	[hbm4b:s4+s3] =	stream.linear.scatter [tilespmem:s18], [sflag:$0x2], $0x4000, $0x38;
	[tilespmem:$0x14200] =	vst v63  }
0x303: {  	_ =	swait.ge [sflag:s9], $0x4000  }
0x304: {  	[sflag:s9] =	ssyncset.done $0x0  }
0x305: {  	[sflag:s9] =	ssyncadd.s32 $0xFFFFC000  }
0x306: {  	_ =	swait.ge [sflag:s29], $0x4000  }
0x307: {  	[sflag:s29] =	ssyncset.done $0x0  }
0x308: {  	[sflag:s29] =	ssyncadd.s32 $0xFFFFC000  }
0x309: {  	v3 =	vld [tilespmem:$0x1A0];
	_ =	sdelay $0x4  }
0x30a: {  	v58 =	vshll.u32 v3, $0x3  }
0x30b: {  	v3 =	vand.u32 $0x7, v3;
	v4 =	vand.u32 $0xFFFFFFC0, v58  }
0x30c: {  	v3 =	vor.u32 v3, v4  }
0x30d: {  	v4 =	vperm.xlane v3, v0;
	_ =	sdelay $0x1  }
0x30e: {  	v4 =	vadd.s32 v1, v4;
	_ =	sdelay $0x4  }
0x30f: {  	[tilespmem:s10], [sflag:$0x1] =	stream.indirect_vreg.gather [hbm4b:s2+s3], $0x80, v4, vm1, $0xb8;
	[tilespmem:$0x14200] =	vst v63  }
0x310: {  	s13 =	simm.s32 $0x8A00;
	v3 =	vperm.xlane v3, v2  }
0x311: {  	[tilespmem:s13], [sflag:$0x1] =	stream.indirect_vreg.gather [hbm4b:s5+s3], $0x80, v4, vm1, $0xb8;
	[tilespmem:$0x14200] =	vst v63  }
0x312: {  	s24 =	simm.s32 $0x9200;
	v3 =	vadd.s32 v1, v3  }
0x313: {  	[tilespmem:s24], [sflag:$0x1] =	stream.indirect_vreg.gather [hbm4b:s7+s3], $0x80, v4, vm1, $0xb8;
	[tilespmem:$0x14200] =	vst v63  }
0x314: {  	s28 =	simm.s32 $0x9A00  }
0x315: {  	[tilespmem:s28], [sflag:$0x1] =	stream.indirect_vreg.gather [hbm4b:s8+s3], $0x80, v4, vm1, $0xb8;
	[tilespmem:$0x14200] =	vst v63  }
0x316: {  	s16 =	simm.s32 $0xA200  }
0x317: {  	[tilespmem:s16], [sflag:$0x1] =	stream.indirect_vreg.gather [hbm4b:s2+s3], $0x80, v3, vm1, $0xb8;
	[tilespmem:$0x14200] =	vst v63  }
0x318: {  	s19 =	simm.s32 $0xAA00  }
0x319: {  	[tilespmem:s19], [sflag:$0x1] =	stream.indirect_vreg.gather [hbm4b:s5+s3], $0x80, v3, vm1, $0xb8;
	[tilespmem:$0x14200] =	vst v63  }
0x31a: {  	s20 =	simm.s32 $0xB200  }
0x31b: {  	[tilespmem:s20], [sflag:$0x1] =	stream.indirect_vreg.gather [hbm4b:s7+s3], $0x80, v3, vm1, $0xb8;
	[tilespmem:$0x14200] =	vst v63  }
0x31c: {  	s20 =	simm.s32 $0xBA00  }
0x31d: {  	[tilespmem:s20], [sflag:$0x1] =	stream.indirect_vreg.gather [hbm4b:s8+s3], $0x80, v3, vm1, $0xb8;
	[tilespmem:$0x14200] =	vst v63  }
0x31e: {  	s24 =	rddreg [dreg:$0x1d]  }
0x31f: {  	[hbm4b:s24+s3] =	stream.linear.scatter [tilespmem:s17], [sflag:$0x2], $0x4000, $0x38;
	[tilespmem:$0x14200] =	vst v63  }
0x320: {  	_ =	swait.ge [sflag:s9], $0x4000  }
0x321: {  	[sflag:s9] =	ssyncset.done $0x0  }
0x322: {  	[sflag:s9] =	ssyncadd.s32 $0xFFFFC000  }
0x323: {  	_ =	swait.ge [sflag:s29], $0x4000  }
0x324: {  	[sflag:s29] =	ssyncset.done $0x0  }
0x325: {  	[sflag:s29] =	ssyncadd.s32 $0xFFFFC000  }
0x326: {  	v3 =	vld [tilespmem:$0x1B0];
	_ =	sdelay $0x4  }
0x327: {  	v59 =	vshll.u32 v3, $0x3  }
0x328: {  	v3 =	vand.u32 $0x7, v3;
	v4 =	vand.u32 $0xFFFFFFC0, v59  }
0x329: {  	v3 =	vor.u32 v3, v4  }
0x32a: {  	v4 =	vperm.xlane v3, v0;
	_ =	sdelay $0x1  }
0x32b: {  	v4 =	vadd.s32 v1, v4;
	_ =	sdelay $0x4  }
0x32c: {  	[tilespmem:s18], [sflag:$0x1] =	stream.indirect_vreg.gather [hbm4b:s2+s3], $0x80, v4, vm1, $0xb8;
	[tilespmem:$0x14200] =	vst v63  }
0x32d: {  	s30 =	simm.s32 $0xCA00;
	v3 =	vperm.xlane v3, v2  }
0x32e: {  	[tilespmem:s30], [sflag:$0x1] =	stream.indirect_vreg.gather [hbm4b:s5+s3], $0x80, v4, vm1, $0xb8;
	[tilespmem:$0x14200] =	vst v63  }
0x32f: {  	s21 =	simm.s32 $0xD200;
	v3 =	vadd.s32 v1, v3  }
0x330: {  	[tilespmem:s21], [sflag:$0x1] =	stream.indirect_vreg.gather [hbm4b:s7+s3], $0x80, v4, vm1, $0xb8;
	[tilespmem:$0x14200] =	vst v63  }
0x331: {  	s25 =	simm.s32 $0xDA00  }
0x332: {  	[tilespmem:s25], [sflag:$0x1] =	stream.indirect_vreg.gather [hbm4b:s8+s3], $0x80, v4, vm1, $0xb8;
	[tilespmem:$0x14200] =	vst v63  }
0x333: {  	s15 =	simm.s32 $0xE200  }
0x334: {  	[tilespmem:s15], [sflag:$0x1] =	stream.indirect_vreg.gather [hbm4b:s2+s3], $0x80, v3, vm1, $0xb8;
	[tilespmem:$0x14200] =	vst v63  }
0x335: {  	s14 =	simm.s32 $0xEA00  }
0x336: {  	[tilespmem:s14], [sflag:$0x1] =	stream.indirect_vreg.gather [hbm4b:s5+s3], $0x80, v3, vm1, $0xb8;
	[tilespmem:$0x14200] =	vst v63  }
0x337: {  	s31 =	simm.s32 $0xF200  }
0x338: {  	[tilespmem:s31], [sflag:$0x1] =	stream.indirect_vreg.gather [hbm4b:s7+s3], $0x80, v3, vm1, $0xb8;
	[tilespmem:$0x14200] =	vst v63  }
0x339: {  	s31 =	simm.s32 $0xFA00  }
0x33a: {  	[tilespmem:s31], [sflag:$0x1] =	stream.indirect_vreg.gather [hbm4b:s8+s3], $0x80, v3, vm1, $0xb8;
	[tilespmem:$0x14200] =	vst v63  }
0x33b: {  	s25 =	rddreg [dreg:$0x1e]  }
0x33c: {  	[hbm4b:s25+s3] =	stream.linear.scatter [tilespmem:s26], [sflag:$0x2], $0x4000, $0x38;
	[tilespmem:$0x14200] =	vst v63  }
0x33d: {  	_ =	swait.ge [sflag:s9], $0x4000  }
0x33e: {  	[sflag:s9] =	ssyncset.done $0x0  }
0x33f: {  	[sflag:s9] =	ssyncadd.s32 $0xFFFFC000  }
0x340: {  	_ =	swait.ge [sflag:s29], $0x4000  }
0x341: {  	[sflag:s29] =	ssyncset.done $0x0  }
0x342: {  	[sflag:s29] =	ssyncadd.s32 $0xFFFFC000  }
0x343: {  	v3 =	vld [tilespmem:$0x1C0];
	_ =	sdelay $0x4  }
0x344: {  	v60 =	vshll.u32 v3, $0x3  }
0x345: {  	v3 =	vand.u32 $0x7, v3;
	v4 =	vand.u32 $0xFFFFFFC0, v60  }
0x346: {  	v3 =	vor.u32 v3, v4  }
0x347: {  	v4 =	vperm.xlane v3, v0;
	_ =	sdelay $0x1  }
0x348: {  	v4 =	vadd.s32 v1, v4;
	_ =	sdelay $0x4  }
0x349: {  	[tilespmem:s17], [sflag:$0x1] =	stream.indirect_vreg.gather [hbm4b:s2+s3], $0x80, v4, vm1, $0xb8;
	[tilespmem:$0x14200] =	vst v63  }
0x34a: {  	s31 =	simm.s32 $0xA00;
	v3 =	vperm.xlane v3, v2  }
0x34b: {  	[tilespmem:s31], [sflag:$0x1] =	stream.indirect_vreg.gather [hbm4b:s5+s3], $0x80, v4, vm1, $0xb8;
	[tilespmem:$0x14200] =	vst v63  }
0x34c: {  	s30 =	simm.s32 $0x1200;
	v3 =	vadd.s32 v1, v3  }
0x34d: {  	[tilespmem:s30], [sflag:$0x1] =	stream.indirect_vreg.gather [hbm4b:s7+s3], $0x80, v4, vm1, $0xb8;
	[tilespmem:$0x14200] =	vst v63  }
0x34e: {  	s23 =	simm.s32 $0x1A00  }
0x34f: {  	[tilespmem:s23], [sflag:$0x1] =	stream.indirect_vreg.gather [hbm4b:s8+s3], $0x80, v4, vm1, $0xb8;
	[tilespmem:$0x14200] =	vst v63  }
0x350: {  	s6 =	simm.s32 $0x2200  }
0x351: {  	[tilespmem:s6], [sflag:$0x1] =	stream.indirect_vreg.gather [hbm4b:s2+s3], $0x80, v3, vm1, $0xb8;
	[tilespmem:$0x14200] =	vst v63  }
0x352: {  	s1 =	simm.s32 $0x2A00  }
0x353: {  	[tilespmem:s1], [sflag:$0x1] =	stream.indirect_vreg.gather [hbm4b:s5+s3], $0x80, v3, vm1, $0xb8;
	[tilespmem:$0x14200] =	vst v63  }
0x354: {  	s12 =	simm.s32 $0x3200  }
0x355: {  	[tilespmem:s12], [sflag:$0x1] =	stream.indirect_vreg.gather [hbm4b:s7+s3], $0x80, v3, vm1, $0xb8;
	[tilespmem:$0x14200] =	vst v63  }
0x356: {  	s31 =	simm.s32 $0x3A00  }
0x357: {  	[tilespmem:s31], [sflag:$0x1] =	stream.indirect_vreg.gather [hbm4b:s8+s3], $0x80, v3, vm1, $0xb8;
	[tilespmem:$0x14200] =	vst v63  }
0x358: {  	s6 =	rddreg [dreg:$0x1f]  }
0x359: {  	[hbm4b:s6+s3] =	stream.linear.scatter [tilespmem:s10], [sflag:$0x2], $0x4000, $0x38;
	[tilespmem:$0x14200] =	vst v63  }
0x35a: {  	_ =	swait.ge [sflag:s9], $0x4000  }
0x35b: {  	[sflag:s9] =	ssyncset.done $0x0  }
0x35c: {  	[sflag:s9] =	ssyncadd.s32 $0xFFFFC000  }
0x35d: {  	_ =	swait.ge [sflag:s29], $0x4000  }
0x35e: {  	[sflag:s29] =	ssyncset.done $0x0  }
0x35f: {  	[sflag:s29] =	ssyncadd.s32 $0xFFFFC000  }
0x360: {  	v3 =	vld [tilespmem:$0x1D0];
	_ =	sdelay $0x4  }
0x361: {  	v61 =	vshll.u32 v3, $0x3  }
0x362: {  	v3 =	vand.u32 $0x7, v3;
	v4 =	vand.u32 $0xFFFFFFC0, v61  }
0x363: {  	v3 =	vor.u32 v3, v4  }
0x364: {  	v4 =	vperm.xlane v3, v0;
	_ =	sdelay $0x1  }
0x365: {  	v4 =	vadd.s32 v1, v4;
	_ =	sdelay $0x4  }
0x366: {  	[tilespmem:s26], [sflag:$0x1] =	stream.indirect_vreg.gather [hbm4b:s2+s3], $0x80, v4, vm1, $0xb8;
	[tilespmem:$0x14200] =	vst v63  }
0x367: {  	s12 =	simm.s32 $0x4A00;
	v3 =	vperm.xlane v3, v2  }
0x368: {  	[tilespmem:s12], [sflag:$0x1] =	stream.indirect_vreg.gather [hbm4b:s5+s3], $0x80, v4, vm1, $0xb8;
	[tilespmem:$0x14200] =	vst v63  }
0x369: {  	s23 =	simm.s32 $0x5200;
	v3 =	vadd.s32 v1, v3  }
0x36a: {  	[tilespmem:s23], [sflag:$0x1] =	stream.indirect_vreg.gather [hbm4b:s7+s3], $0x80, v4, vm1, $0xb8;
	[tilespmem:$0x14200] =	vst v63  }
0x36b: {  	s25 =	simm.s32 $0x5A00  }
0x36c: {  	[tilespmem:s25], [sflag:$0x1] =	stream.indirect_vreg.gather [hbm4b:s8+s3], $0x80, v4, vm1, $0xb8;
	[tilespmem:$0x14200] =	vst v63  }
0x36d: {  	s30 =	simm.s32 $0x6200  }
0x36e: {  	[tilespmem:s30], [sflag:$0x1] =	stream.indirect_vreg.gather [hbm4b:s2+s3], $0x80, v3, vm1, $0xb8;
	[tilespmem:$0x14200] =	vst v63  }
0x36f: {  	s31 =	simm.s32 $0x6A00  }
0x370: {  	[tilespmem:s31], [sflag:$0x1] =	stream.indirect_vreg.gather [hbm4b:s5+s3], $0x80, v3, vm1, $0xb8;
	[tilespmem:$0x14200] =	vst v63  }
0x371: {  	s11 =	simm.s32 $0x7200  }
0x372: {  	[tilespmem:s11], [sflag:$0x1] =	stream.indirect_vreg.gather [hbm4b:s7+s3], $0x80, v3, vm1, $0xb8;
	[tilespmem:$0x14200] =	vst v63  }
0x373: {  	s6 =	simm.s32 $0x7A00;
	s11 =	sld [smem:$0x7F9]  }
0x374: {  	[tilespmem:s6], [sflag:$0x1] =	stream.indirect_vreg.gather [hbm4b:s8+s3], $0x80, v3, vm1, $0xb8;
	[tilespmem:$0x14200] =	vst v63  }
0x375: {  	_ = 	snop  }
0x376: {  	[hbm4b:s11+s3] =	stream.linear.scatter [tilespmem:s18], [sflag:$0x2], $0x4000, $0x38;
	[tilespmem:$0x14200] =	vst v63  }
0x377: {  	_ =	swait.ge [sflag:s9], $0x4000  }
0x378: {  	[sflag:s9] =	ssyncset.done $0x0  }
0x379: {  	[sflag:s9] =	ssyncadd.s32 $0xFFFFC000  }
0x37a: {  	_ =	swait.ge [sflag:s29], $0x4000  }
0x37b: {  	[sflag:s29] =	ssyncset.done $0x0  }
0x37c: {  	[sflag:s29] =	ssyncadd.s32 $0xFFFFC000  }
0x37d: {  	v3 =	vld [tilespmem:$0x1E0];
	_ =	sdelay $0x4  }
0x37e: {  	v62 =	vshll.u32 v3, $0x3  }
0x37f: {  	v3 =	vand.u32 $0x7, v3;
	v4 =	vand.u32 $0xFFFFFFC0, v62  }
0x380: {  	v3 =	vor.u32 v3, v4  }
0x381: {  	v4 =	vperm.xlane v3, v0;
	_ =	sdelay $0x1  }
0x382: {  	v4 =	vadd.s32 v1, v4;
	_ =	sdelay $0x4  }
0x383: {  	[tilespmem:s10], [sflag:$0x1] =	stream.indirect_vreg.gather [hbm4b:s2+s3], $0x80, v4, vm1, $0xb8;
	[tilespmem:$0x14200] =	vst v63  }
0x384: {  	s12 =	simm.s32 $0x8A00;
	v3 =	vperm.xlane v3, v2  }
0x385: {  	[tilespmem:s12], [sflag:$0x1] =	stream.indirect_vreg.gather [hbm4b:s5+s3], $0x80, v4, vm1, $0xb8;
	[tilespmem:$0x14200] =	vst v63  }
0x386: {  	s22 =	simm.s32 $0x9200;
	v3 =	vadd.s32 v1, v3  }
0x387: {  	[tilespmem:s22], [sflag:$0x1] =	stream.indirect_vreg.gather [hbm4b:s7+s3], $0x80, v4, vm1, $0xb8;
	[tilespmem:$0x14200] =	vst v63  }
0x388: {  	s28 =	simm.s32 $0x9A00  }
0x389: {  	[tilespmem:s28], [sflag:$0x1] =	stream.indirect_vreg.gather [hbm4b:s8+s3], $0x80, v4, vm1, $0xb8;
	[tilespmem:$0x14200] =	vst v63  }
0x38a: {  	s13 =	simm.s32 $0xA200  }
0x38b: {  	[tilespmem:s13], [sflag:$0x1] =	stream.indirect_vreg.gather [hbm4b:s2+s3], $0x80, v3, vm1, $0xb8;
	[tilespmem:$0x14200] =	vst v63  }
0x38c: {  	s0 =	simm.s32 $0xAA00  }
0x38d: {  	[tilespmem:s0], [sflag:$0x1] =	stream.indirect_vreg.gather [hbm4b:s5+s3], $0x80, v3, vm1, $0xb8;
	[tilespmem:$0x14200] =	vst v63  }
0x38e: {  	s4 =	simm.s32 $0xB200  }
0x38f: {  	[tilespmem:s4], [sflag:$0x1] =	stream.indirect_vreg.gather [hbm4b:s7+s3], $0x80, v3, vm1, $0xb8;
	[tilespmem:$0x14200] =	vst v63  }
0x390: {  	s23 =	sld [smem:$0x7FA];
	s22 =	simm.s32 $0xBA00  }
0x391: {  	[tilespmem:s22], [sflag:$0x1] =	stream.indirect_vreg.gather [hbm4b:s8+s3], $0x80, v3, vm1, $0xb8;
	[tilespmem:$0x14200] =	vst v63  }
0x392: {  	_ = 	snop  }
0x393: {  	[hbm4b:s23+s3] =	stream.linear.scatter [tilespmem:s17], [sflag:$0x2], $0x4000, $0x38;
	[tilespmem:$0x14200] =	vst v63  }
0x394: {  	_ =	swait.ge [sflag:s9], $0x4000  }
0x395: {  	[sflag:s9] =	ssyncset.done $0x0  }
0x396: {  	[sflag:s9] =	ssyncadd.s32 $0xFFFFC000  }
0x397: {  	_ =	swait.ge [sflag:s29], $0x4000  }
0x398: {  	[sflag:s29] =	ssyncset.done $0x0  }
0x399: {  	[sflag:s29] =	ssyncadd.s32 $0xFFFFC000  }
0x39a: {  	v3 =	vld [tilespmem:$0x1F0];
	_ =	sdelay $0x4  }
0x39b: {  	v63 =	vshll.u32 v3, $0x3  }
0x39c: {  	v3 =	vand.u32 $0x7, v3;
	v4 =	vand.u32 $0xFFFFFFC0, v63  }
0x39d: {  	v3 =	vor.u32 v3, v4  }
0x39e: {  	v4 =	vperm.xlane v3, v0;
	_ =	sdelay $0x1  }
0x39f: {  	v4 =	vadd.s32 v1, v4;
	_ =	sdelay $0x4  }
0x3a0: {  	[tilespmem:s18], [sflag:$0x1] =	stream.indirect_vreg.gather [hbm4b:s2+s3], $0x80, v4, vm1, $0xb8;
	[tilespmem:$0x14200] =	vst v63  }
0x3a1: {  	s19 =	simm.s32 $0xCA00;
	v3 =	vperm.xlane v3, v2  }
0x3a2: {  	[tilespmem:s19], [sflag:$0x1] =	stream.indirect_vreg.gather [hbm4b:s5+s3], $0x80, v4, vm1, $0xb8;
	[tilespmem:$0x14200] =	vst v63  }
0x3a3: {  	s21 =	simm.s32 $0xD200;
	v3 =	vadd.s32 v1, v3  }
0x3a4: {  	[tilespmem:s21], [sflag:$0x1] =	stream.indirect_vreg.gather [hbm4b:s7+s3], $0x80, v4, vm1, $0xb8;
	[tilespmem:$0x14200] =	vst v63  }
0x3a5: {  	s24 =	simm.s32 $0xDA00  }
0x3a6: {  	[tilespmem:s24], [sflag:$0x1] =	stream.indirect_vreg.gather [hbm4b:s8+s3], $0x80, v4, vm1, $0xb8;
	[tilespmem:$0x14200] =	vst v63  }
0x3a7: {  	s20 =	simm.s32 $0xE200  }
0x3a8: {  	[tilespmem:s20], [sflag:$0x1] =	stream.indirect_vreg.gather [hbm4b:s2+s3], $0x80, v3, vm1, $0xb8;
	[tilespmem:$0x14200] =	vst v63  }
0x3a9: {  	s16 =	simm.s32 $0xEA00  }
0x3aa: {  	[tilespmem:s16], [sflag:$0x1] =	stream.indirect_vreg.gather [hbm4b:s5+s3], $0x80, v3, vm1, $0xb8;
	[tilespmem:$0x14200] =	vst v63  }
0x3ab: {  	s15 =	simm.s32 $0xF200  }
0x3ac: {  	[tilespmem:s15], [sflag:$0x1] =	stream.indirect_vreg.gather [hbm4b:s7+s3], $0x80, v3, vm1, $0xb8;
	[tilespmem:$0x14200] =	vst v63  }
0x3ad: {  	s14 =	simm.s32 $0xFA00;
	s24 =	sld [smem:$0x7FB]  }
0x3ae: {  	[tilespmem:s14], [sflag:$0x1] =	stream.indirect_vreg.gather [hbm4b:s8+s3], $0x80, v3, vm1, $0xb8;
	[tilespmem:$0x14200] =	vst v63  }
0x3af: {  	_ = 	snop  }
0x3b0: {  	[hbm4b:s24+s3] =	stream.linear.scatter [tilespmem:s26], [sflag:$0x2], $0x4000, $0x38;
	[tilespmem:$0x14200] =	vst v63  }
0x3b1: {  	_ =	swait.ge [sflag:s9], $0x4000  }
0x3b2: {  	[sflag:s9] =	ssyncset.done $0x0  }
0x3b3: {  	[sflag:s9] =	ssyncadd.s32 $0xFFFFC000  }
0x3b4: {  	_ =	swait.ge [sflag:s29], $0x4000  }
0x3b5: {  	s25 =	sld [smem:$0x7FC]  }
0x3b6: {  	[sflag:s29] =	ssyncset.done $0x0  }
0x3b7: {  	[sflag:s29] =	ssyncadd.s32 $0xFFFFC000  }
0x3b8: {  	[hbm4b:s25+s3] =	stream.linear.scatter [tilespmem:s10], [sflag:$0x2], $0x4000, $0x38;
	[tilespmem:$0x14200] =	vst v63  }
0x3b9: {  	_ =	swait.ge [sflag:s9], $0x4000  }
0x3ba: {  	[sflag:s9] =	ssyncset.done $0x0  }
0x3bb: {  	[sflag:s9] =	ssyncadd.s32 $0xFFFFC000  }
0x3bc: {  	_ =	swait.ge [sflag:s29], $0x4000  }
0x3bd: {  	s28 =	sld [smem:$0x7FD]  }
0x3be: {  	[sflag:s29] =	ssyncset.done $0x0  }
0x3bf: {  	[sflag:s29] =	ssyncadd.s32 $0xFFFFC000  }
0x3c0: {  	[hbm4b:s28+s3] =	stream.linear.scatter [tilespmem:s18], [sflag:$0x2], $0x4000, $0x38;
	[tilespmem:$0x14200] =	vst v63  }
0x3c1: {  	_ =	swait.ge [sflag:s29], $0x4000  }
0x3c2: {  	[sflag:s29] =	ssyncset.done $0x0  }
0x3c3: {  	[sflag:s29] =	ssyncadd.s32 $0xFFFFC000  }
0x3c4: {  	_ =	swait.ge [sflag:s29], $0x4000  }
0x3c5: {  	s31 =	sld [smem:$0x7F8];
	_ =	sdelay $0x2  }
0x3c6: {  	s4 =	sadd.s32 $0xFFFFFFFF, s31  }
0x3c7: {  	p3 =	sne.s32 s4, $0x0  }
.Ltmp1:
0x3c8: {  	_ = 	snop;
	(pc) =	sbr.rel @!p3 .LBB2_4-.Ltmp1, $3  }
0x3c9: {  	_ =	sdelay $0x1  }
0x3ca: {  	[sflag:s29] =	ssyncset.done $0x0  }
0x3cb: {  	[sflag:s29] =	ssyncadd.s32 $0xFFFFC000  }
.LBB2_1:
0x3cc: {  	[smem:$0x7F8] =	sst s4  }
0x3cd: {  	s30 =	rddreg [dreg:$0x4];
	s31 =	simm.s32 $0x3  }
0x3ce: {  	[tilespmem:s3], [sflag:$0x3] =	stream.linear.gather [hbm4b:s30+s3], $0x200, $0x38;
	[tilespmem:$0x14200] =	vst v63  }
0x3cf: {  	_ =	swait.ge [sflag:s31], $0x200  }
0x3d0: {  	[sflag:s31] =	ssyncset.done $0x0  }
0x3d1: {  	[sflag:s31] =	ssyncadd.s32 $0xFFFFFE00  }
0x3d2: {  	v3 =	vld @!p0 [tilespmem:$0x0];
	_ =	sdelay $0x4  }
0x3d3: {  	v4 =	vshll.u32 @!p0 v3, $0x3  }
0x3d4: {  	v5 =	vlaneseq.u32 @!p0;
	v3 =	vand.u32 @!p0 $0x7, v3;
	v4 =	vand.u32 @!p0 $0xFFFFFFC0, v4  }
0x3d5: {  	v6 =	vshrl.u32 @!p0 v5, $0x3;
	v3 =	vor.u32 @!p0 v3, v4;
	v4 =	vand.u32 @!p0 $0x7, v5  }
0x3d6: {  	v6 =	vmul.u32 @!p0 $0x8, v6;
	v4 =	vperm.xlane @!p0 v3, v4;
	_ =	sdelay $0x1  }
0x3d7: {  	v4 =	vadd.s32 @!p0 v6, v4;
	_ =	sdelay $0x3  }
0x3d8: {  	s30 =	simm.s32 @!p0 $0x0;
	s31 =	simm.s32 @!p0 $0x10200  }
0x3d9: {  	v5 =	vor.u32 @!p0 $0x8, v5;
	[tilespmem:s31], [sflag:$0x1] =	stream.indirect_vreg.gather @!p0 [hbm4b:s2+s30], $0x80, v4, vm0, $0xb8;
	[tilespmem:$0x14200] =	vst v63  }
0x3da: {  	v3 =	vperm.xlane @!p0 v3, v5;
	s31 =	simm.s32 @!p0 $0x10A00  }
0x3db: {  	[tilespmem:s31], [sflag:$0x1] =	stream.indirect_vreg.gather @!p0 [hbm4b:s5+s30], $0x80, v4, vm0, $0xb8;
	[tilespmem:$0x14200] =	vst v63  }
0x3dc: {  	v3 =	vadd.s32 @!p0 v6, v3;
	s31 =	simm.s32 @!p0 $0x11200  }
0x3dd: {  	[tilespmem:s31], [sflag:$0x1] =	stream.indirect_vreg.gather @!p0 [hbm4b:s7+s30], $0x80, v4, vm0, $0xb8;
	[tilespmem:$0x14200] =	vst v63  }
0x3de: {  	s31 =	simm.s32 @!p0 $0x11A00  }
0x3df: {  	[tilespmem:s31], [sflag:$0x1] =	stream.indirect_vreg.gather @!p0 [hbm4b:s8+s30], $0x80, v4, vm0, $0xb8;
	[tilespmem:$0x14200] =	vst v63  }
0x3e0: {  	s31 =	simm.s32 @!p0 $0x12200  }
0x3e1: {  	[tilespmem:s31], [sflag:$0x1] =	stream.indirect_vreg.gather @!p0 [hbm4b:s2+s30], $0x80, v3, vm0, $0xb8;
	[tilespmem:$0x14200] =	vst v63  }
0x3e2: {  	s31 =	simm.s32 @!p0 $0x12A00  }
0x3e3: {  	[tilespmem:s31], [sflag:$0x1] =	stream.indirect_vreg.gather @!p0 [hbm4b:s5+s30], $0x80, v3, vm0, $0xb8;
	[tilespmem:$0x14200] =	vst v63  }
0x3e4: {  	s31 =	simm.s32 @!p0 $0x13200  }
0x3e5: {  	[tilespmem:s31], [sflag:$0x1] =	stream.indirect_vreg.gather @!p0 [hbm4b:s7+s30], $0x80, v3, vm0, $0xb8;
	[tilespmem:$0x14200] =	vst v63  }
0x3e6: {  	s31 =	simm.s32 @!p0 $0x13A00  }
0x3e7: {  	[tilespmem:s31], [sflag:$0x1] =	stream.indirect_vreg.gather @!p0 [hbm4b:s8+s30], $0x80, v3, vm0, $0xb8;
	[tilespmem:$0x14200] =	vst v63  }
.Ltmp2:
0x3e8: {  	_ = 	snop;
	(pc) =	sbr.rel @p2 .LBB2_3-.Ltmp2, $4  }
0x3e9: {  	s30 =	simm.s32 @!p0 $0x1  }
0x3ea: {  	_ =	swait.ge @!p0 [sflag:s30], $0x4000  }
0x3eb: {  	[sflag:s30] =	ssyncset.done @!p0 $0x0  }
0x3ec: {  	[sflag:s30] =	ssyncadd.s32 @!p0 $0xFFFFC000  }
0x3ed: {  	v3 =	vld [tilespmem:$0x0];
	_ =	sdelay $0x4  }
0x3ee: {  	v4 =	vshll.u32 v3, $0x3  }
0x3ef: {  	v3 =	vand.u32 $0x7, v3;
	v4 =	vand.u32 $0xFFFFFFC0, v4  }
0x3f0: {  	v3 =	vor.u32 v3, v4  }
0x3f1: {  	v4 =	vperm.xlane v3, v0;
	_ =	sdelay $0x1  }
0x3f2: {  	v4 =	vadd.s32 v1, v4;
	_ =	sdelay $0x3  }
0x3f3: {  	s0 =	simm.s32 $0x10200  }
0x3f4: {  	[tilespmem:s0], [sflag:$0x1] =	stream.indirect_vreg.gather [hbm4b:s2+s3], $0x80, v4, vm1, $0xb8;
	[tilespmem:$0x14200] =	vst v63  }
0x3f5: {  	s22 =	simm.s32 $0x10A00;
	v3 =	vperm.xlane v3, v2  }
0x3f6: {  	[tilespmem:s22], [sflag:$0x1] =	stream.indirect_vreg.gather [hbm4b:s5+s3], $0x80, v4, vm1, $0xb8;
	[tilespmem:$0x14200] =	vst v63  }
0x3f7: {  	s23 =	simm.s32 $0x11200;
	v3 =	vadd.s32 v1, v3  }
0x3f8: {  	[tilespmem:s23], [sflag:$0x1] =	stream.indirect_vreg.gather [hbm4b:s7+s3], $0x80, v4, vm1, $0xb8;
	[tilespmem:$0x14200] =	vst v63  }
0x3f9: {  	s24 =	simm.s32 $0x11A00  }
0x3fa: {  	[tilespmem:s24], [sflag:$0x1] =	stream.indirect_vreg.gather [hbm4b:s8+s3], $0x80, v4, vm1, $0xb8;
	[tilespmem:$0x14200] =	vst v63  }
0x3fb: {  	s25 =	simm.s32 $0x12200  }
0x3fc: {  	[tilespmem:s25], [sflag:$0x1] =	stream.indirect_vreg.gather [hbm4b:s2+s3], $0x80, v3, vm1, $0xb8;
	[tilespmem:$0x14200] =	vst v63  }
0x3fd: {  	s28 =	simm.s32 $0x12A00  }
0x3fe: {  	[tilespmem:s28], [sflag:$0x1] =	stream.indirect_vreg.gather [hbm4b:s5+s3], $0x80, v3, vm1, $0xb8;
	[tilespmem:$0x14200] =	vst v63  }
0x3ff: {  	s30 =	simm.s32 $0x13200  }
0x400: {  	[tilespmem:s30], [sflag:$0x1] =	stream.indirect_vreg.gather [hbm4b:s7+s3], $0x80, v3, vm1, $0xb8;
	[tilespmem:$0x14200] =	vst v63  }
0x401: {  	s31 =	simm.s32 $0x13A00  }
0x402: {  	[tilespmem:s31], [sflag:$0x1] =	stream.indirect_vreg.gather [hbm4b:s8+s3], $0x80, v3, vm1, $0xb8;
	[tilespmem:$0x14200] =	vst v63  }
0x403: {  	_ =	swait.ge [sflag:s9], $0x4000  }
0x404: {  	[sflag:s9] =	ssyncset.done $0x0  }
0x405: {  	[sflag:s9] =	ssyncadd.s32 $0xFFFFC000  }
0x406: {  	v3 =	vld @!p1 [tilespmem:$0x0];
	_ =	sdelay $0x4  }
0x407: {  	v4 =	vshll.u32 @!p1 v3, $0x3  }
0x408: {  	v5 =	vlaneseq.u32 @!p1;
	v3 =	vand.u32 @!p1 $0x7, v3;
	v4 =	vand.u32 @!p1 $0xFFFFFFC0, v4  }
0x409: {  	v6 =	vshrl.u32 @!p1 v5, $0x3;
	v3 =	vor.u32 @!p1 v3, v4;
	v4 =	vand.u32 @!p1 $0x7, v5  }
0x40a: {  	v6 =	vmul.u32 @!p1 $0x8, v6;
	v4 =	vperm.xlane @!p1 v3, v4;
	_ =	sdelay $0x1  }
0x40b: {  	v4 =	vadd.s32 @!p1 v6, v4;
	_ =	sdelay $0x3  }
0x40c: {  	vm2 =	vmmov @!p1 $0xffff;
	s30 =	simm.s32 @!p1 $0x0;
	s31 =	simm.s32 @!p1 $0x10200  }
0x40d: {  	v5 =	vor.u32 @!p1 $0x8, v5;
	[tilespmem:s31], [sflag:$0x1] =	stream.indirect_vreg.gather @!p1 [hbm4b:s2+s30], $0x80, v4, vm2, $0xb8;
	[tilespmem:$0x14200] =	vst v63  }
0x40e: {  	v3 =	vperm.xlane @!p1 v3, v5;
	s31 =	simm.s32 @!p1 $0x10A00  }
0x40f: {  	[tilespmem:s31], [sflag:$0x1] =	stream.indirect_vreg.gather @!p1 [hbm4b:s5+s30], $0x80, v4, vm2, $0xb8;
	[tilespmem:$0x14200] =	vst v63  }
0x410: {  	v3 =	vadd.s32 @!p1 v6, v3;
	s31 =	simm.s32 @!p1 $0x11200  }
0x411: {  	[tilespmem:s31], [sflag:$0x1] =	stream.indirect_vreg.gather @!p1 [hbm4b:s7+s30], $0x80, v4, vm2, $0xb8;
	[tilespmem:$0x14200] =	vst v63  }
0x412: {  	s31 =	simm.s32 @!p1 $0x11A00  }
0x413: {  	[tilespmem:s31], [sflag:$0x1] =	stream.indirect_vreg.gather @!p1 [hbm4b:s8+s30], $0x80, v4, vm2, $0xb8;
	[tilespmem:$0x14200] =	vst v63  }
0x414: {  	s31 =	simm.s32 @!p1 $0x12200  }
0x415: {  	[tilespmem:s31], [sflag:$0x1] =	stream.indirect_vreg.gather @!p1 [hbm4b:s2+s30], $0x80, v3, vm2, $0xb8;
	[tilespmem:$0x14200] =	vst v63  }
0x416: {  	s31 =	simm.s32 @!p1 $0x12A00  }
0x417: {  	[tilespmem:s31], [sflag:$0x1] =	stream.indirect_vreg.gather @!p1 [hbm4b:s5+s30], $0x80, v3, vm2, $0xb8;
	[tilespmem:$0x14200] =	vst v63  }
0x418: {  	s31 =	simm.s32 @!p1 $0x13200  }
0x419: {  	[tilespmem:s31], [sflag:$0x1] =	stream.indirect_vreg.gather @!p1 [hbm4b:s7+s30], $0x80, v3, vm2, $0xb8;
	[tilespmem:$0x14200] =	vst v63  }
0x41a: {  	s31 =	simm.s32 @!p1 $0x13A00  }
0x41b: {  	[tilespmem:s31], [sflag:$0x1] =	stream.indirect_vreg.gather @!p1 [hbm4b:s8+s30], $0x80, v3, vm2, $0xb8;
	[tilespmem:$0x14200] =	vst v63  }
.Ltmp3:
0x41c: {  	_ = 	snop;
	(pc) =	sbr.rel .LBB2_3-.Ltmp3, $4  }
0x41d: {  	s30 =	simm.s32 @!p1 $0x1  }
0x41e: {  	_ =	swait.ge @!p1 [sflag:s30], $0x4000  }
0x41f: {  	[sflag:s30] =	ssyncset.done @!p1 $0x0  }
0x420: {  	[sflag:s30] =	ssyncadd.s32 @!p1 $0xFFFFC000  }
.LBB2_4:
0x421: {  	_ =	sfence.sel $0x180000  }
0x422: {  	[bflag:$0x0] =	sbarrier.arrive $0xFFFF  }
0x423: {  	_ =	strace $0x90000047  }
0x424: {  	s0 =	stileid.u32;
	[bflag:$0x2] =	sbarrier.arrive $0xFFFF  }
0x425: {  	p0 =	sne.s32 s0, $0x0;
	s0 =	rddreg [dreg:$0x3]  }
0x426: {  	s0 =	sadd.s32 @!p0 $0x100000, s0  }
0x427: {  	[sflag:s0] =	ssyncadd.tile.s32 @!p0 $0x1;
	_ =	shalt  }
.Lfunc_end2:
_tile_overlayer_lowered:
.L_overlay_start_2:
0x428: {  	(tag) =	ssettag $0x2  }
0x429: {  	s0 =	rddreg [dreg:$0x0];
	s2 =	stileid.u32  }
0x42a: {  	s1 =	rddreg [dreg:$0x1];
	p0 =	sne.s32 s2, $0x0  }
0x42b: {  	s3 =	rddreg [dreg:$0x2];
	[bflag:$0x3] =	sbarrier.arrive $0xFFFF;
	s2 =	simm.s32 @!p0 $0x1C03  }
0x42c: {  	[timem:s3], [sflag:s2] =	dma.local @!p0 [hbm:s0], s1  }
0x42d: {  	s0 =	simm.s32 @!p0 $0x3  }
0x42e: {  	_ =	swait.ge @!p0 [sflag:s0], s1  }
0x42f: {  	s1 =	ssub.s32 @!p0 $0x0, s1;
	[sflag:s0] =	ssyncset.done @!p0 $0x0  }
0x430: {  	[sflag:s0] =	ssyncadd.s32 @!p0 s1  }
0x431: {  	[bflag:$0x3] =	sbarrier.arrive $0xFFFF  }
0x432: {  	_ =	shalt  }

</sc_bundles>
